<compile_context>
chip_gen: v7x
topology: tpu7x:2x2x1
jax: 0.10.2.dev20260603
libtpu: 0.0.44.dev20260713+nightly
codegen_flags: <defaults>
</compile_context>

<pallas_src>
import functools

import jax
import jax.numpy as jnp
from jax import lax
from jax.experimental import pallas as pl
from jax.experimental.pallas import tpu as pltpu
from jax.experimental.pallas import tpu_sc as plsc

NN = 10000
EE = 320000
D = 128
LD = 64

NC = 2
NS = 16
NW = NC * NS

EB = 128
NB = 80
EPT = NB * EB
EPAD = EPT * NW
EPC = EPAD // NC

NPAD = 10240
RPT = NPAD // NS
DEGW = 16

BR = 1024



def _sc_mesh():
    return plsc.VectorSubcoreMesh(
        core_axis_name="c", subcore_axis_name="s", num_cores=NC, num_subcores=NS)


def _deg_body(dst_h, out_h, acc, idx_a, idx_b, ones_b, zero_b, sem_a, sem_b):
    c = lax.axis_index("c")
    s = lax.axis_index("s")
    one_v = jnp.ones((16,), jnp.float32)
    zero_v = jnp.zeros((16,), jnp.float32)
    for r in range(EB):
        ones_b[r, :] = one_v
        zero_b[r, :] = zero_v
    r0 = s * RPT
    def zloop(i, carry):
        pltpu.sync_copy(zero_b, acc.at[pl.ds(r0 + i * EB, EB)])
        return carry
    lax.fori_loop(0, RPT // EB, zloop, 0)
    plsc.subcore_barrier()
    base = c * EPC + s * EPT

    def istart(b, buf, sem):
        pltpu.async_copy(dst_h.at[pl.ds(base + b * EB, EB)], buf, sem)

    def iscat(buf, sem):
        pltpu.make_async_copy(dst_h.at[pl.ds(base, EB)], buf, sem).wait()
        pltpu.sync_copy(ones_b, acc.at[buf], add=True)

    istart(0, idx_a, sem_a)
    def eloop(g, carry):
        b0 = 2 * g
        istart(b0 + 1, idx_b, sem_b)
        iscat(idx_a, sem_a)
        istart(b0 + 2, idx_a, sem_a)
        iscat(idx_b, sem_b)
        return carry
    lax.fori_loop(0, NB // 2 - 1, eloop, 0)
    istart(NB - 1, idx_b, sem_b)
    iscat(idx_a, sem_a)
    iscat(idx_b, sem_b)
    plsc.subcore_barrier()
    def oloop(k, carry):
        rr = r0 + k * EB
        pltpu.sync_copy(acc.at[pl.ds(rr, EB)], zero_b)
        pltpu.sync_copy(zero_b, out_h.at[pl.ds(c * NPAD + rr, EB)])
        return carry
    lax.fori_loop(0, RPT // EB, oloop, 0)


@jax.jit
def _deg_call(dst_p):
    return pl.kernel(
        _deg_body,
        out_type=jax.ShapeDtypeStruct((NC * NPAD, DEGW), jnp.float32),
        mesh=_sc_mesh(),
        scratch_types=[
            pltpu.VMEM_SHARED((NPAD, DEGW), jnp.float32),
            pltpu.VMEM((EB,), jnp.int32),
            pltpu.VMEM((EB,), jnp.int32),
            pltpu.VMEM((EB, DEGW), jnp.float32),
            pltpu.VMEM((EB, DEGW), jnp.float32),
            pltpu.SemaphoreType.DMA,
            pltpu.SemaphoreType.DMA,
        ],
    )(dst_p)


EROWS = EPAD // EB


GB = 64
GNB = EPT // GB
NBUF = 4


def _spmm_body(src_h, dst_h, u_h, out_h, acc, src_b, dbufs, rbufs, gsems,
               dsems):
    c = lax.axis_index("c")
    s = lax.axis_index("s")
    zero_v = jnp.zeros((16,), jnp.float32)
    for r in range(16):
        for j in range(8):
            rbufs[0][r, pl.ds(j * 16, 16)] = zero_v
    r0 = s * RPT
    zsrc = rbufs[0].at[pl.ds(0, 16)]
    def zloop(i, carry):
        pltpu.sync_copy(zsrc, acc.at[pl.ds(r0 + i * 16, 16)])
        return carry
    lax.fori_loop(0, RPT // 16, zloop, 0)
    base = c * EPC + s * EPT
    pltpu.sync_copy(src_h.at[pl.ds(base, EPT)], src_b)
    plsc.subcore_barrier()

    def start(b, k):
        pltpu.async_copy(u_h.at[src_b.at[pl.ds(b * GB, GB)]], rbufs[k],
                         gsems[k])
        pltpu.async_copy(dst_h.at[pl.ds(base + b * GB, GB)], dbufs[k],
                         dsems[k])

    def drain_scat(k):
        pltpu.make_async_copy(u_h.at[src_b.at[pl.ds(0, GB)]], rbufs[k],
                              gsems[k]).wait()
        pltpu.make_async_copy(dst_h.at[pl.ds(base, GB)], dbufs[k],
                              dsems[k]).wait()
        pltpu.sync_copy(rbufs[k], acc.at[dbufs[k]], add=True)

    for k in range(NBUF - 1):
        start(k, k)
    def eloop(g, carry):
        b0 = NBUF * g
        for k in range(NBUF):
            start(b0 + k + NBUF - 1, (k + NBUF - 1) % NBUF)
            drain_scat(k)
        return carry
    lax.fori_loop(0, GNB // NBUF - 1, eloop, 0)
    start(GNB - 1, NBUF - 1)
    for k in range(NBUF):
        drain_scat(k)
    plsc.subcore_barrier()
    pltpu.sync_copy(acc.at[pl.ds(r0, RPT)],
                    out_h.at[pl.ds(c * NPAD + r0, RPT)])


@jax.jit
def _spmm_call(src_p, dst_p, u):
    out = pl.kernel(
        _spmm_body,
        out_type=jax.ShapeDtypeStruct((NC * NPAD, D), jnp.float32),
        mesh=_sc_mesh(),
        scratch_types=[
            pltpu.VMEM_SHARED((NPAD, D), jnp.float32),
            pltpu.VMEM((NB * EB,), jnp.int32),
            [pltpu.VMEM((GB,), jnp.int32) for _ in range(NBUF)],
            [pltpu.VMEM((GB, D), jnp.float32) for _ in range(NBUF)],
            [pltpu.SemaphoreType.DMA for _ in range(NBUF)],
            [pltpu.SemaphoreType.DMA for _ in range(NBUF)],
        ],
    )(src_p, dst_p, u)
    return out.reshape(NC, NPAD, D)



def _dinv_of(deg_ref):
    deg = deg_ref[0] + deg_ref[1]
    return lax.rsqrt(deg[:, :1] + 1.0)


def _tc1_body(deg_ref, x_ref, w_ref, u_ref):
    dinv = _dinv_of(deg_ref)
    y = jnp.dot(x_ref[...], w_ref[...], preferred_element_type=jnp.float32)
    u_ref[...] = dinv * y


def _tc2_body(deg_ref, p_ref, u1_ref, w_ref, b_ref, u2_ref):
    dinv = _dinv_of(deg_ref)
    agg = p_ref[0] + p_ref[1] + u1_ref[...]
    h = dinv * agg + b_ref[...]
    y = jnp.dot(h, w_ref[...], preferred_element_type=jnp.float32)
    u2_ref[...] = dinv * y


def _tc3_body(deg_ref, p_ref, u2_ref, b_ref, n_ref, w_ref,
              mean_ref, logvar_ref, z_ref, u3_ref):
    dinv = _dinv_of(deg_ref)
    ml = dinv * (p_ref[0] + p_ref[1] + u2_ref[...]) + b_ref[...]
    mean = ml[:, :LD]
    logvar = ml[:, LD:]
    z = n_ref[...] * jnp.exp(0.5 * logvar) + mean
    mean_ref[...] = mean
    logvar_ref[...] = logvar
    z_ref[...] = z
    y = jnp.dot(z, w_ref[...], preferred_element_type=jnp.float32)
    u3_ref[...] = dinv * y


def _tc4_body(deg_ref, p_ref, u3_ref, w_ref, b_ref, u4_ref):
    dinv = _dinv_of(deg_ref)
    hd = dinv * (p_ref[0] + p_ref[1] + u3_ref[...]) + b_ref[...]
    y = jnp.dot(hd, w_ref[...], preferred_element_type=jnp.float32)
    u4_ref[...] = dinv * y


def _tc5_body(deg_ref, p_ref, u4_ref, b_ref, o_ref):
    dinv = _dinv_of(deg_ref)
    o_ref[...] = dinv * (p_ref[0] + p_ref[1] + u4_ref[...]) + b_ref[...]


_GRID = (NPAD // BR,)


def _spec_deg():
    return pl.BlockSpec((NC, BR, DEGW), lambda i: (0, i, 0))


def _spec_p():
    return pl.BlockSpec((NC, BR, D), lambda i: (0, i, 0))


def _spec_rows(width=D):
    return pl.BlockSpec((BR, width), lambda i: (i, 0))


def _spec_w(k=D, n=D):
    return pl.BlockSpec((k, n), lambda i: (0, 0))


def _spec_b():
    return pl.BlockSpec((1, D), lambda i: (0, 0))


def _f32(*shape):
    return jax.ShapeDtypeStruct(shape, jnp.float32)



def kernel(feature, edge_index, W_enc, b_enc, W_mean, b_mean, W_logvar,
           b_logvar, W_dec1, b_dec1, W_dec2, b_dec2):
    pad_idx = NN + (jnp.arange(EPAD - EE, dtype=jnp.int32) % (NPAD - NN))
    src_p = jnp.concatenate([edge_index[0], pad_idx])
    dst_p = jnp.concatenate([edge_index[1], pad_idx])
    x_p = jnp.pad(feature, ((0, NPAD - NN), (0, 0)))
    noise = jax.random.normal(jax.random.key(1), (NN, LD), jnp.float32)
    noise_p = jnp.pad(noise, ((0, NPAD - NN), (0, 0)))
    w_cat = jnp.concatenate([W_mean, W_logvar], axis=1)
    b_cat = jnp.concatenate([b_mean, b_logvar]).reshape(1, D)

    deg3 = _deg_call(dst_p).reshape(NC, NPAD, DEGW)

    u1 = pl.pallas_call(
        _tc1_body, grid=_GRID,
        in_specs=[_spec_deg(), _spec_rows(), _spec_w()],
        out_specs=_spec_rows(), out_shape=_f32(NPAD, D),
    )(deg3, x_p, W_enc)

    p1 = _spmm_call(src_p, dst_p, u1)

    u2 = pl.pallas_call(
        _tc2_body, grid=_GRID,
        in_specs=[_spec_deg(), _spec_p(), _spec_rows(), _spec_w(), _spec_b()],
        out_specs=_spec_rows(), out_shape=_f32(NPAD, D),
    )(deg3, p1, u1, w_cat, b_enc.reshape(1, D))

    p2 = _spmm_call(src_p, dst_p, u2)

    mean, logvar, z, u3 = pl.pallas_call(
        _tc3_body, grid=_GRID,
        in_specs=[_spec_deg(), _spec_p(), _spec_rows(), _spec_b(),
                  _spec_rows(LD), _spec_w(LD, D)],
        out_specs=[_spec_rows(LD), _spec_rows(LD), _spec_rows(LD),
                   _spec_rows()],
        out_shape=[_f32(NPAD, LD), _f32(NPAD, LD), _f32(NPAD, LD),
                   _f32(NPAD, D)],
    )(deg3, p2, u2, b_cat, noise_p, W_dec1)

    p3 = _spmm_call(src_p, dst_p, u3)

    u4 = pl.pallas_call(
        _tc4_body, grid=_GRID,
        in_specs=[_spec_deg(), _spec_p(), _spec_rows(), _spec_w(), _spec_b()],
        out_specs=_spec_rows(), out_shape=_f32(NPAD, D),
    )(deg3, p3, u3, W_dec2, b_dec1.reshape(1, D))

    p4 = _spmm_call(src_p, dst_p, u4)

    out = pl.pallas_call(
        _tc5_body, grid=_GRID,
        in_specs=[_spec_deg(), _spec_p(), _spec_rows(), _spec_b()],
        out_specs=_spec_rows(), out_shape=_f32(NPAD, D),
    )(deg3, p4, u4, b_dec2.reshape(1, D))

    return (z[:NN], mean[:NN], logvar[:NN], out[:NN])

# --- scband reference (transcript-rebuilt; emitter-appended) ---
"""Pipeline reference for scband-unconditional-model-26800595927067 (READ-ONLY COPY).

The authoritative reference and input builder live on the scoring server;
editing this copy changes nothing except your own understanding.
"""

import jax, jax.numpy as jnp
import numpy as np

N = 10000
E = 320000
F_DIM = 128
H_DIM = 128
L_DIM = 64


def _glorot(key, shape):
    fan_in, fan_out = shape[0], shape[1]
    limit = float(np.sqrt(6.0 / (fan_in + fan_out)))
    return jax.random.uniform(key, shape, jnp.float32, -limit, limit)


def gcn_conv(x, src, dst, W, b, num_nodes):
    # GCNConv: x' = D^{-1/2} (A + I) D^{-1/2} X W + b  (self loops already appended to src/dst)
    x = x @ W
    deg = jnp.zeros((num_nodes,), x.dtype).at[dst].add(1.0)
    deg_inv_sqrt = jnp.where(deg > 0, 1.0 / jnp.sqrt(deg), 0.0)
    norm = deg_inv_sqrt[src] * deg_inv_sqrt[dst]
    msgs = norm[:, None] * jnp.take(x, src, axis=0)
    out = jnp.zeros((num_nodes, x.shape[1]), x.dtype).at[dst].add(msgs)
    return out + b


def setup_inputs(seed: int = 0):
    key = jax.random.key(seed)
    ks = jax.random.split(key, 12)
    feature = jax.random.normal(ks[0], (N, F_DIM), jnp.float32)
    edge_index = jax.random.randint(ks[1], (2, E), 0, N, jnp.int32)
    params = {
        "W_enc": _glorot(ks[2], (F_DIM, H_DIM)), "b_enc": jnp.zeros((H_DIM,), jnp.float32),
        "W_mean": _glorot(ks[3], (H_DIM, L_DIM)), "b_mean": jnp.zeros((L_DIM,), jnp.float32),
        "W_logvar": _glorot(ks[4], (H_DIM, L_DIM)), "b_logvar": jnp.zeros((L_DIM,), jnp.float32),
        "W_dec1": _glorot(ks[5], (L_DIM, H_DIM)), "b_dec1": jnp.zeros((H_DIM,), jnp.float32),
        "W_dec2": _glorot(ks[6], (H_DIM, F_DIM)), "b_dec2": jnp.zeros((F_DIM,), jnp.float32),
    }
    inp = {"feature": feature, "edge_index": edge_index}
    inp.update(params)
    return inp


def reference(feature, edge_index, W_enc, b_enc, W_mean, b_mean, W_logvar, b_logvar, W_dec1, b_dec1, W_dec2, b_dec2):
    loop = jnp.arange(N, dtype=edge_index.dtype)
    src = jnp.concatenate([edge_index[0], loop])
    dst = jnp.concatenate([edge_index[1], loop])
    # encoder
    h = gcn_conv(feature, src, dst, W_enc, b_enc, N)
    mean = gcn_conv(h, src, dst, W_mean, b_mean, N)
    logvar = gcn_conv(h, src, dst, W_logvar, b_logvar, N)
    noise = jax.random.normal(jax.random.key(1), (N, L_DIM), jnp.float32)
    z = noise * jnp.exp(0.5 * logvar) + mean
    # decoder
    hd = gcn_conv(z, src, dst, W_dec1, b_dec1, N)
    out = gcn_conv(hd, src, dst, W_dec2, b_dec2, N)
    return (z, mean, logvar, out)

if __name__ == "__main__":
    import jax
    _d = setup_inputs()
    print(jax.jit(kernel)(*tuple(_d.values())))

</pallas_src>

<mosaic_0001>
#map = affine_map<(d0, d1) -> (0)>
#map1 = affine_map<(d0, d1) -> (0, 0)>
module attributes {stable_mosaic.version = 14 : i64} {
  func.func @_deg_body(%arg0: i32, %arg1: i32, %arg2: memref<327680xi32, #tpu.memory_space<hbm>>, %arg3: memref<20480x16xf32, #tpu.memory_space<hbm>>, %arg4: memref<10240x16xf32, #tpu.memory_space<vmem_shared>>, %arg5: memref<128xi32, #tpu.memory_space<vmem>>, %arg6: memref<128xi32, #tpu.memory_space<vmem>>, %arg7: memref<128x16xf32, #tpu.memory_space<vmem>>, %arg8: memref<128x16xf32, #tpu.memory_space<vmem>>, %arg9: memref<!tpu.dma_semaphore, #tpu.memory_space<semaphore_mem>>, %arg10: memref<!tpu.dma_semaphore, #tpu.memory_space<semaphore_mem>>) attributes {dimension_semantics = [#tpu.dimension_semantics<core_parallel>, #tpu.dimension_semantics<subcore_parallel>], iteration_bounds = array<i64: 2, 16>, scalar_prefetch = 0 : i64, scratch_operands = 7 : i64, tpu.core_type = #tpu.core_type<sc_vector_subcore>, window_params = [{transform_indices = #map}, {transform_indices = #map1}]} {
    %broadcast_in_dim3A = arith.constant 1.000000e+00 : f32
    %broadcast_in_dim3A_0 = vector.broadcast %broadcast_in_dim3A : f32 to vector<16xf32>
    %broadcast_in_dim3A_1 = arith.constant 0.000000e+00 : f32
    %broadcast_in_dim3A_2 = vector.broadcast %broadcast_in_dim3A_1 : f32 to vector<16xf32>
    %swap3A = arith.constant 0 : i32
    %swap3A_3 = arith.index_cast %swap3A : i32 to index
    %swap3A_4 = arith.constant 0 : index
    %swap3A_5 = tpu.vector_load %arg7[%swap3A_3, %swap3A_4] {strides = array<i32>} : memref<128x16xf32, #tpu.memory_space<vmem>>, vector<1x16xf32>,
    %swap3A_6 = vector.shape_cast %swap3A_5 : vector<1x16xf32> to vector<16xf32>
    %swap3A_7 = vector.shape_cast %broadcast_in_dim3A_0 : vector<16xf32> to vector<1x16xf32>
    tpu.vector_store %arg7[%swap3A_3, %swap3A_4], %swap3A_7 {strides = array<i32>} : memref<128x16xf32, #tpu.memory_space<vmem>>, vector<1x16xf32>,
    %swap3A_8 = arith.constant 0 : i32
    %swap3A_9 = arith.index_cast %swap3A_8 : i32 to index
    %swap3A_10 = arith.constant 0 : index
    %swap3A_11 = tpu.vector_load %arg8[%swap3A_9, %swap3A_10] {strides = array<i32>} : memref<128x16xf32, #tpu.memory_space<vmem>>, vector<1x16xf32>,
    %swap3A_12 = vector.shape_cast %swap3A_11 : vector<1x16xf32> to vector<16xf32>
    %swap3A_13 = vector.shape_cast %broadcast_in_dim3A_2 : vector<16xf32> to vector<1x16xf32>
    tpu.vector_store %arg8[%swap3A_9, %swap3A_10], %swap3A_13 {strides = array<i32>} : memref<128x16xf32, #tpu.memory_space<vmem>>, vector<1x16xf32>,
    %swap3A_14 = arith.constant 1 : i32
    %swap3A_15 = arith.index_cast %swap3A_14 : i32 to index
    %swap3A_16 = arith.constant 0 : index
    %swap3A_17 = tpu.vector_load %arg7[%swap3A_15, %swap3A_16] {strides = array<i32>} : memref<128x16xf32, #tpu.memory_space<vmem>>, vector<1x16xf32>,
    %swap3A_18 = vector.shape_cast %swap3A_17 : vector<1x16xf32> to vector<16xf32>
    %swap3A_19 = vector.shape_cast %broadcast_in_dim3A_0 : vector<16xf32> to vector<1x16xf32>
    tpu.vector_store %arg7[%swap3A_15, %swap3A_16], %swap3A_19 {strides = array<i32>} : memref<128x16xf32, #tpu.memory_space<vmem>>, vector<1x16xf32>,
    %swap3A_20 = arith.constant 1 : i32
    %swap3A_21 = arith.index_cast %swap3A_20 : i32 to index
    %swap3A_22 = arith.constant 0 : index
    %swap3A_23 = tpu.vector_load %arg8[%swap3A_21, %swap3A_22] {strides = array<i32>} : memref<128x16xf32, #tpu.memory_space<vmem>>, vector<1x16xf32>,
    %swap3A_24 = vector.shape_cast %swap3A_23 : vector<1x16xf32> to vector<16xf32>
    %swap3A_25 = vector.shape_cast %broadcast_in_dim3A_2 : vector<16xf32> to vector<1x16xf32>
    tpu.vector_store %arg8[%swap3A_21, %swap3A_22], %swap3A_25 {strides = array<i32>} : memref<128x16xf32, #tpu.memory_space<vmem>>, vector<1x16xf32>,
    %swap3A_26 = arith.constant 2 : i32
    %swap3A_27 = arith.index_cast %swap3A_26 : i32 to index
    %swap3A_28 = arith.constant 0 : index
    %swap3A_29 = tpu.vector_load %arg7[%swap3A_27, %swap3A_28] {strides = array<i32>} : memref<128x16xf32, #tpu.memory_space<vmem>>, vector<1x16xf32>,
    %swap3A_30 = vector.shape_cast %swap3A_29 : vector<1x16xf32> to vector<16xf32>
    %swap3A_31 = vector.shape_cast %broadcast_in_dim3A_0 : vector<16xf32> to vector<1x16xf32>
    tpu.vector_store %arg7[%swap3A_27, %swap3A_28], %swap3A_31 {strides = array<i32>} : memref<128x16xf32, #tpu.memory_space<vmem>>, vector<1x16xf32>,
    %swap3A_32 = arith.constant 2 : i32
    %swap3A_33 = arith.index_cast %swap3A_32 : i32 to index
    %swap3A_34 = arith.constant 0 : index
    %swap3A_35 = tpu.vector_load %arg8[%swap3A_33, %swap3A_34] {strides = array<i32>} : memref<128x16xf32, #tpu.memory_space<vmem>>, vector<1x16xf32>,
    %swap3A_36 = vector.shape_cast %swap3A_35 : vector<1x16xf32> to vector<16xf32>
    %swap3A_37 = vector.shape_cast %broadcast_in_dim3A_2 : vector<16xf32> to vector<1x16xf32>
    tpu.vector_store %arg8[%swap3A_33, %swap3A_34], %swap3A_37 {strides = array<i32>} : memref<128x16xf32, #tpu.memory_space<vmem>>, vector<1x16xf32>,
    %swap3A_38 = arith.constant 3 : i32
    %swap3A_39 = arith.index_cast %swap3A_38 : i32 to index
    %swap3A_40 = arith.constant 0 : index
    %swap3A_41 = tpu.vector_load %arg7[%swap3A_39, %swap3A_40] {strides = array<i32>} : memref<128x16xf32, #tpu.memory_space<vmem>>, vector<1x16xf32>,
    %swap3A_42 = vector.shape_cast %swap3A_41 : vector<1x16xf32> to vector<16xf32>
    %swap3A_43 = vector.shape_cast %broadcast_in_dim3A_0 : vector<16xf32> to vector<1x16xf32>
    tpu.vector_store %arg7[%swap3A_39, %swap3A_40], %swap3A_43 {strides = array<i32>} : memref<128x16xf32, #tpu.memory_space<vmem>>, vector<1x16xf32>,
    %swap3A_44 = arith.constant 3 : i32
    %swap3A_45 = arith.index_cast %swap3A_44 : i32 to index
    %swap3A_46 = arith.constant 0 : index
    %swap3A_47 = tpu.vector_load %arg8[%swap3A_45, %swap3A_46] {strides = array<i32>} : memref<128x16xf32, #tpu.memory_space<vmem>>, vector<1x16xf32>,
    %swap3A_48 = vector.shape_cast %swap3A_47 : vector<1x16xf32> to vector<16xf32>
    %swap3A_49 = vector.shape_cast %broadcast_in_dim3A_2 : vector<16xf32> to vector<1x16xf32>
    tpu.vector_store %arg8[%swap3A_45, %swap3A_46], %swap3A_49 {strides = array<i32>} : memref<128x16xf32, #tpu.memory_space<vmem>>, vector<1x16xf32>,
    %swap3A_50 = arith.constant 4 : i32
    %swap3A_51 = arith.index_cast %swap3A_50 : i32 to index
    %swap3A_52 = arith.constant 0 : index
    %swap3A_53 = tpu.vector_load %arg7[%swap3A_51, %swap3A_52] {strides = array<i32>} : memref<128x16xf32, #tpu.memory_space<vmem>>, vector<1x16xf32>,
    %swap3A_54 = vector.shape_cast %swap3A_53 : vector<1x16xf32> to vector<16xf32>
    %swap3A_55 = vector.shape_cast %broadcast_in_dim3A_0 : vector<16xf32> to vector<1x16xf32>
    tpu.vector_store %arg7[%swap3A_51, %swap3A_52], %swap3A_55 {strides = array<i32>} : memref<128x16xf32, #tpu.memory_space<vmem>>, vector<1x16xf32>,
    %swap3A_56 = arith.constant 4 : i32
    %swap3A_57 = arith.index_cast %swap3A_56 : i32 to index
    %swap3A_58 = arith.constant 0 : index
    %swap3A_59 = tpu.vector_load %arg8[%swap3A_57, %swap3A_58] {strides = array<i32>} : memref<128x16xf32, #tpu.memory_space<vmem>>, vector<1x16xf32>,
    %swap3A_60 = vector.shape_cast %swap3A_59 : vector<1x16xf32> to vector<16xf32>
    %swap3A_61 = vector.shape_cast %broadcast_in_dim3A_2 : vector<16xf32> to vector<1x16xf32>
    tpu.vector_store %arg8[%swap3A_57, %swap3A_58], %swap3A_61 {strides = array<i32>} : memref<128x16xf32, #tpu.memory_space<vmem>>, vector<1x16xf32>,
    %swap3A_62 = arith.constant 5 : i32
    %swap3A_63 = arith.index_cast %swap3A_62 : i32 to index
    %swap3A_64 = arith.constant 0 : index
    %swap3A_65 = tpu.vector_load %arg7[%swap3A_63, %swap3A_64] {strides = array<i32>} : memref<128x16xf32, #tpu.memory_space<vmem>>, vector<1x16xf32>,
    %swap3A_66 = vector.shape_cast %swap3A_65 : vector<1x16xf32> to vector<16xf32>
    %swap3A_67 = vector.shape_cast %broadcast_in_dim3A_0 : vector<16xf32> to vector<1x16xf32>
    tpu.vector_store %arg7[%swap3A_63, %swap3A_64], %swap3A_67 {strides = array<i32>} : memref<128x16xf32, #tpu.memory_space<vmem>>, vector<1x16xf32>,
    %swap3A_68 = arith.constant 5 : i32
    %swap3A_69 = arith.index_cast %swap3A_68 : i32 to index
    %swap3A_70 = arith.constant 0 : index
    %swap3A_71 = tpu.vector_load %arg8[%swap3A_69, %swap3A_70] {strides = array<i32>} : memref<128x16xf32, #tpu.memory_space<vmem>>, vector<1x16xf32>,
    %swap3A_72 = vector.shape_cast %swap3A_71 : vector<1x16xf32> to vector<16xf32>
    %swap3A_73 = vector.shape_cast %broadcast_in_dim3A_2 : vector<16xf32> to vector<1x16xf32>
    tpu.vector_store %arg8[%swap3A_69, %swap3A_70], %swap3A_73 {strides = array<i32>} : memref<128x16xf32, #tpu.memory_space<vmem>>, vector<1x16xf32>,
    %swap3A_74 = arith.constant 6 : i32
    %swap3A_75 = arith.index_cast %swap3A_74 : i32 to index
    %swap3A_76 = arith.constant 0 : index
    %swap3A_77 = tpu.vector_load %arg7[%swap3A_75, %swap3A_76] {strides = array<i32>} : memref<128x16xf32, #tpu.memory_space<vmem>>, vector<1x16xf32>,
    %swap3A_78 = vector.shape_cast %swap3A_77 : vector<1x16xf32> to vector<16xf32>
    %swap3A_79 = vector.shape_cast %broadcast_in_dim3A_0 : vector<16xf32> to vector<1x16xf32>
    tpu.vector_store %arg7[%swap3A_75, %swap3A_76], %swap3A_79 {strides = array<i32>} : memref<128x16xf32, #tpu.memory_space<vmem>>, vector<1x16xf32>,
    %swap3A_80 = arith.constant 6 : i32
    %swap3A_81 = arith.index_cast %swap3A_80 : i32 to index
    %swap3A_82 = arith.constant 0 : index
    %swap3A_83 = tpu.vector_load %arg8[%swap3A_81, %swap3A_82] {strides = array<i32>} : memref<128x16xf32, #tpu.memory_space<vmem>>, vector<1x16xf32>,
    %swap3A_84 = vector.shape_cast %swap3A_83 : vector<1x16xf32> to vector<16xf32>
    %swap3A_85 = vector.shape_cast %broadcast_in_dim3A_2 : vector<16xf32> to vector<1x16xf32>
    tpu.vector_store %arg8[%swap3A_81, %swap3A_82], %swap3A_85 {strides = array<i32>} : memref<128x16xf32, #tpu.memory_space<vmem>>, vector<1x16xf32>,
    %swap3A_86 = arith.constant 7 : i32
    %swap3A_87 = arith.index_cast %swap3A_86 : i32 to index
    %swap3A_88 = arith.constant 0 : index
    %swap3A_89 = tpu.vector_load %arg7[%swap3A_87, %swap3A_88] {strides = array<i32>} : memref<128x16xf32, #tpu.memory_space<vmem>>, vector<1x16xf32>,
    %swap3A_90 = vector.shape_cast %swap3A_89 : vector<1x16xf32> to vector<16xf32>
    %swap3A_91 = vector.shape_cast %broadcast_in_dim3A_0 : vector<16xf32> to vector<1x16xf32>
    tpu.vector_store %arg7[%swap3A_87, %swap3A_88], %swap3A_91 {strides = array<i32>} : memref<128x16xf32, #tpu.memory_space<vmem>>, vector<1x16xf32>,
    %swap3A_92 = arith.constant 7 : i32
    %swap3A_93 = arith.index_cast %swap3A_92 : i32 to index
    %swap3A_94 = arith.constant 0 : index
    %swap3A_95 = tpu.vector_load %arg8[%swap3A_93, %swap3A_94] {strides = array<i32>} : memref<128x16xf32, #tpu.memory_space<vmem>>, vector<1x16xf32>,
    %swap3A_96 = vector.shape_cast %swap3A_95 : vector<1x16xf32> to vector<16xf32>
    %swap3A_97 = vector.shape_cast %broadcast_in_dim3A_2 : vector<16xf32> to vector<1x16xf32>
    tpu.vector_store %arg8[%swap3A_93, %swap3A_94], %swap3A_97 {strides = array<i32>} : memref<128x16xf32, #tpu.memory_space<vmem>>, vector<1x16xf32>,
    %swap3A_98 = arith.constant 8 : i32
    %swap3A_99 = arith.index_cast %swap3A_98 : i32 to index
    %swap3A_100 = arith.constant 0 : index
    %swap3A_101 = tpu.vector_load %arg7[%swap3A_99, %swap3A_100] {strides = array<i32>} : memref<128x16xf32, #tpu.memory_space<vmem>>, vector<1x16xf32>,
    %swap3A_102 = vector.shape_cast %swap3A_101 : vector<1x16xf32> to vector<16xf32>
    %swap3A_103 = vector.shape_cast %broadcast_in_dim3A_0 : vector<16xf32> to vector<1x16xf32>
    tpu.vector_store %arg7[%swap3A_99, %swap3A_100], %swap3A_103 {strides = array<i32>} : memref<128x16xf32, #tpu.memory_space<vmem>>, vector<1x16xf32>,
    %swap3A_104 = arith.constant 8 : i32
    %swap3A_105 = arith.index_cast %swap3A_104 : i32 to index
    %swap3A_106 = arith.constant 0 : index
    %swap3A_107 = tpu.vector_load %arg8[%swap3A_105, %swap3A_106] {strides = array<i32>} : memref<128x16xf32, #tpu.memory_space<vmem>>, vector<1x16xf32>,
    %swap3A_108 = vector.shape_cast %swap3A_107 : vector<1x16xf32> to vector<16xf32>
    %swap3A_109 = vector.shape_cast %broadcast_in_dim3A_2 : vector<16xf32> to vector<1x16xf32>
    tpu.vector_store %arg8[%swap3A_105, %swap3A_106], %swap3A_109 {strides = array<i32>} : memref<128x16xf32, #tpu.memory_space<vmem>>, vector<1x16xf32>,
    %swap3A_110 = arith.constant 9 : i32
    %swap3A_111 = arith.index_cast %swap3A_110 : i32 to index
    %swap3A_112 = arith.constant 0 : index
    %swap3A_113 = tpu.vector_load %arg7[%swap3A_111, %swap3A_112] {strides = array<i32>} : memref<128x16xf32, #tpu.memory_space<vmem>>, vector<1x16xf32>,
    %swap3A_114 = vector.shape_cast %swap3A_113 : vector<1x16xf32> to vector<16xf32>
    %swap3A_115 = vector.shape_cast %broadcast_in_dim3A_0 : vector<16xf32> to vector<1x16xf32>
    tpu.vector_store %arg7[%swap3A_111, %swap3A_112], %swap3A_115 {strides = array<i32>} : memref<128x16xf32, #tpu.memory_space<vmem>>, vector<1x16xf32>,
    %swap3A_116 = arith.constant 9 : i32
    %swap3A_117 = arith.index_cast %swap3A_116 : i32 to index
    %swap3A_118 = arith.constant 0 : index
    %swap3A_119 = tpu.vector_load %arg8[%swap3A_117, %swap3A_118] {strides = array<i32>} : memref<128x16xf32, #tpu.memory_space<vmem>>, vector<1x16xf32>,
    %swap3A_120 = vector.shape_cast %swap3A_119 : vector<1x16xf32> to vector<16xf32>
    %swap3A_121 = vector.shape_cast %broadcast_in_dim3A_2 : vector<16xf32> to vector<1x16xf32>
    tpu.vector_store %arg8[%swap3A_117, %swap3A_118], %swap3A_121 {strides = array<i32>} : memref<128x16xf32, #tpu.memory_space<vmem>>, vector<1x16xf32>,
    %swap3A_122 = arith.constant 10 : i32
    %swap3A_123 = arith.index_cast %swap3A_122 : i32 to index
    %swap3A_124 = arith.constant 0 : index
    %swap3A_125 = tpu.vector_load %arg7[%swap3A_123, %swap3A_124] {strides = array<i32>} : memref<128x16xf32, #tpu.memory_space<vmem>>, vector<1x16xf32>,
    %swap3A_126 = vector.shape_cast %swap3A_125 : vector<1x16xf32> to vector<16xf32>
    %swap3A_127 = vector.shape_cast %broadcast_in_dim3A_0 : vector<16xf32> to vector<1x16xf32>
    tpu.vector_store %arg7[%swap3A_123, %swap3A_124], %swap3A_127 {strides = array<i32>} : memref<128x16xf32, #tpu.memory_space<vmem>>, vector<1x16xf32>,
    %swap3A_128 = arith.constant 10 : i32
    %swap3A_129 = arith.index_cast %swap3A_128 : i32 to index
    %swap3A_130 = arith.constant 0 : index
    %swap3A_131 = tpu.vector_load %arg8[%swap3A_129, %swap3A_130] {strides = array<i32>} : memref<128x16xf32, #tpu.memory_space<vmem>>, vector<1x16xf32>,
    %swap3A_132 = vector.shape_cast %swap3A_131 : vector<1x16xf32> to vector<16xf32>
    %swap3A_133 = vector.shape_cast %broadcast_in_dim3A_2 : vector<16xf32> to vector<1x16xf32>
    tpu.vector_store %arg8[%swap3A_129, %swap3A_130], %swap3A_133 {strides = array<i32>} : memref<128x16xf32, #tpu.memory_space<vmem>>, vector<1x16xf32>,
    %swap3A_134 = arith.constant 11 : i32
    %swap3A_135 = arith.index_cast %swap3A_134 : i32 to index
    %swap3A_136 = arith.constant 0 : index
    %swap3A_137 = tpu.vector_load %arg7[%swap3A_135, %swap3A_136] {strides = array<i32>} : memref<128x16xf32, #tpu.memory_space<vmem>>, vector<1x16xf32>,
    %swap3A_138 = vector.shape_cast %swap3A_137 : vector<1x16xf32> to vector<16xf32>
    %swap3A_139 = vector.shape_cast %broadcast_in_dim3A_0 : vector<16xf32> to vector<1x16xf32>
    tpu.vector_store %arg7[%swap3A_135, %swap3A_136], %swap3A_139 {strides = array<i32>} : memref<128x16xf32, #tpu.memory_space<vmem>>, vector<1x16xf32>,
    %swap3A_140 = arith.constant 11 : i32
    %swap3A_141 = arith.index_cast %swap3A_140 : i32 to index
    %swap3A_142 = arith.constant 0 : index
    %swap3A_143 = tpu.vector_load %arg8[%swap3A_141, %swap3A_142] {strides = array<i32>} : memref<128x16xf32, #tpu.memory_space<vmem>>, vector<1x16xf32>,
    %swap3A_144 = vector.shape_cast %swap3A_143 : vector<1x16xf32> to vector<16xf32>
    %swap3A_145 = vector.shape_cast %broadcast_in_dim3A_2 : vector<16xf32> to vector<1x16xf32>
    tpu.vector_store %arg8[%swap3A_141, %swap3A_142], %swap3A_145 {strides = array<i32>} : memref<128x16xf32, #tpu.memory_space<vmem>>, vector<1x16xf32>,
    %swap3A_146 = arith.constant 12 : i32
    %swap3A_147 = arith.index_cast %swap3A_146 : i32 to index
    %swap3A_148 = arith.constant 0 : index
    %swap3A_149 = tpu.vector_load %arg7[%swap3A_147, %swap3A_148] {strides = array<i32>} : memref<128x16xf32, #tpu.memory_space<vmem>>, vector<1x16xf32>,
    %swap3A_150 = vector.shape_cast %swap3A_149 : vector<1x16xf32> to vector<16xf32>
    %swap3A_151 = vector.shape_cast %broadcast_in_dim3A_0 : vector<16xf32> to vector<1x16xf32>
    tpu.vector_store %arg7[%swap3A_147, %swap3A_148], %swap3A_151 {strides = array<i32>} : memref<128x16xf32, #tpu.memory_space<vmem>>, vector<1x16xf32>,
    %swap3A_152 = arith.constant 12 : i32
    %swap3A_153 = arith.index_cast %swap3A_152 : i32 to index
    %swap3A_154 = arith.constant 0 : index
    %swap3A_155 = tpu.vector_load %arg8[%swap3A_153, %swap3A_154] {strides = array<i32>} : memref<128x16xf32, #tpu.memory_space<vmem>>, vector<1x16xf32>,
    %swap3A_156 = vector.shape_cast %swap3A_155 : vector<1x16xf32> to vector<16xf32>
    %swap3A_157 = vector.shape_cast %broadcast_in_dim3A_2 : vector<16xf32> to vector<1x16xf32>
    tpu.vector_store %arg8[%swap3A_153, %swap3A_154], %swap3A_157 {strides = array<i32>} : memref<128x16xf32, #tpu.memory_space<vmem>>, vector<1x16xf32>,
    %swap3A_158 = arith.constant 13 : i32
    %swap3A_159 = arith.index_cast %swap3A_158 : i32 to index
    %swap3A_160 = arith.constant 0 : index
    %swap3A_161 = tpu.vector_load %arg7[%swap3A_159, %swap3A_160] {strides = array<i32>} : memref<128x16xf32, #tpu.memory_space<vmem>>, vector<1x16xf32>,
    %swap3A_162 = vector.shape_cast %swap3A_161 : vector<1x16xf32> to vector<16xf32>
    %swap3A_163 = vector.shape_cast %broadcast_in_dim3A_0 : vector<16xf32> to vector<1x16xf32>
    tpu.vector_store %arg7[%swap3A_159, %swap3A_160], %swap3A_163 {strides = array<i32>} : memref<128x16xf32, #tpu.memory_space<vmem>>, vector<1x16xf32>,
    %swap3A_164 = arith.constant 13 : i32
    %swap3A_165 = arith.index_cast %swap3A_164 : i32 to index
    %swap3A_166 = arith.constant 0 : index
    %swap3A_167 = tpu.vector_load %arg8[%swap3A_165, %swap3A_166] {strides = array<i32>} : memref<128x16xf32, #tpu.memory_space<vmem>>, vector<1x16xf32>,
    %swap3A_168 = vector.shape_cast %swap3A_167 : vector<1x16xf32> to vector<16xf32>
    %swap3A_169 = vector.shape_cast %broadcast_in_dim3A_2 : vector<16xf32> to vector<1x16xf32>
    tpu.vector_store %arg8[%swap3A_165, %swap3A_166], %swap3A_169 {strides = array<i32>} : memref<128x16xf32, #tpu.memory_space<vmem>>, vector<1x16xf32>,
    %swap3A_170 = arith.constant 14 : i32
    %swap3A_171 = arith.index_cast %swap3A_170 : i32 to index
    %swap3A_172 = arith.constant 0 : index
    %swap3A_173 = tpu.vector_load %arg7[%swap3A_171, %swap3A_172] {strides = array<i32>} : memref<128x16xf32, #tpu.memory_space<vmem>>, vector<1x16xf32>,
    %swap3A_174 = vector.shape_cast %swap3A_173 : vector<1x16xf32> to vector<16xf32>
    %swap3A_175 = vector.shape_cast %broadcast_in_dim3A_0 : vector<16xf32> to vector<1x16xf32>
    tpu.vector_store %arg7[%swap3A_171, %swap3A_172], %swap3A_175 {strides = array<i32>} : memref<128x16xf32, #tpu.memory_space<vmem>>, vector<1x16xf32>,
    %swap3A_176 = arith.constant 14 : i32
    %swap3A_177 = arith.index_cast %swap3A_176 : i32 to index
    %swap3A_178 = arith.constant 0 : index
    %swap3A_179 = tpu.vector_load %arg8[%swap3A_177, %swap3A_178] {strides = array<i32>} : memref<128x16xf32, #tpu.memory_space<vmem>>, vector<1x16xf32>,
    %swap3A_180 = vector.shape_cast %swap3A_179 : vector<1x16xf32> to vector<16xf32>
    %swap3A_181 = vector.shape_cast %broadcast_in_dim3A_2 : vector<16xf32> to vector<1x16xf32>
    tpu.vector_store %arg8[%swap3A_177, %swap3A_178], %swap3A_181 {strides = array<i32>} : memref<128x16xf32, #tpu.memory_space<vmem>>, vector<1x16xf32>,
    %swap3A_182 = arith.constant 15 : i32
    %swap3A_183 = arith.index_cast %swap3A_182 : i32 to index
    %swap3A_184 = arith.constant 0 : index
    %swap3A_185 = tpu.vector_load %arg7[%swap3A_183, %swap3A_184] {strides = array<i32>} : memref<128x16xf32, #tpu.memory_space<vmem>>, vector<1x16xf32>,
    %swap3A_186 = vector.shape_cast %swap3A_185 : vector<1x16xf32> to vector<16xf32>
    %swap3A_187 = vector.shape_cast %broadcast_in_dim3A_0 : vector<16xf32> to vector<1x16xf32>
    tpu.vector_store %arg7[%swap3A_183, %swap3A_184], %swap3A_187 {strides = array<i32>} : memref<128x16xf32, #tpu.memory_space<vmem>>, vector<1x16xf32>,
    %swap3A_188 = arith.constant 15 : i32
    %swap3A_189 = arith.index_cast %swap3A_188 : i32 to index
    %swap3A_190 = arith.constant 0 : index
    %swap3A_191 = tpu.vector_load %arg8[%swap3A_189, %swap3A_190] {strides = array<i32>} : memref<128x16xf32, #tpu.memory_space<vmem>>, vector<1x16xf32>,
    %swap3A_192 = vector.shape_cast %swap3A_191 : vector<1x16xf32> to vector<16xf32>
    %swap3A_193 = vector.shape_cast %broadcast_in_dim3A_2 : vector<16xf32> to vector<1x16xf32>
    tpu.vector_store %arg8[%swap3A_189, %swap3A_190], %swap3A_193 {strides = array<i32>} : memref<128x16xf32, #tpu.memory_space<vmem>>, vector<1x16xf32>,
    %swap3A_194 = arith.constant 16 : i32
    %swap3A_195 = arith.index_cast %swap3A_194 : i32 to index
    %swap3A_196 = arith.constant 0 : index
    %swap3A_197 = tpu.vector_load %arg7[%swap3A_195, %swap3A_196] {strides = array<i32>} : memref<128x16xf32, #tpu.memory_space<vmem>>, vector<1x16xf32>,
    %swap3A_198 = vector.shape_cast %swap3A_197 : vector<1x16xf32> to vector<16xf32>
    %swap3A_199 = vector.shape_cast %broadcast_in_dim3A_0 : vector<16xf32> to vector<1x16xf32>
    tpu.vector_store %arg7[%swap3A_195, %swap3A_196], %swap3A_199 {strides = array<i32>} : memref<128x16xf32, #tpu.memory_space<vmem>>, vector<1x16xf32>,
    %swap3A_200 = arith.constant 16 : i32
    %swap3A_201 = arith.index_cast %swap3A_200 : i32 to index
    %swap3A_202 = arith.constant 0 : index
    %swap3A_203 = tpu.vector_load %arg8[%swap3A_201, %swap3A_202] {strides = array<i32>} : memref<128x16xf32, #tpu.memory_space<vmem>>, vector<1x16xf32>,
    %swap3A_204 = vector.shape_cast %swap3A_203 : vector<1x16xf32> to vector<16xf32>
    %swap3A_205 = vector.shape_cast %broadcast_in_dim3A_2 : vector<16xf32> to vector<1x16xf32>
    tpu.vector_store %arg8[%swap3A_201, %swap3A_202], %swap3A_205 {strides = array<i32>} : memref<128x16xf32, #tpu.memory_space<vmem>>, vector<1x16xf32>,
    %swap3A_206 = arith.constant 17 : i32
    %swap3A_207 = arith.index_cast %swap3A_206 : i32 to index
    %swap3A_208 = arith.constant 0 : index
    %swap3A_209 = tpu.vector_load %arg7[%swap3A_207, %swap3A_208] {strides = array<i32>} : memref<128x16xf32, #tpu.memory_space<vmem>>, vector<1x16xf32>,
    %swap3A_210 = vector.shape_cast %swap3A_209 : vector<1x16xf32> to vector<16xf32>
    %swap3A_211 = vector.shape_cast %broadcast_in_dim3A_0 : vector<16xf32> to vector<1x16xf32>
    tpu.vector_store %arg7[%swap3A_207, %swap3A_208], %swap3A_211 {strides = array<i32>} : memref<128x16xf32, #tpu.memory_space<vmem>>, vector<1x16xf32>,
    %swap3A_212 = arith.constant 17 : i32
    %swap3A_213 = arith.index_cast %swap3A_212 : i32 to index
    %swap3A_214 = arith.constant 0 : index
    %swap3A_215 = tpu.vector_load %arg8[%swap3A_213, %swap3A_214] {strides = array<i32>} : memref<128x16xf32, #tpu.memory_space<vmem>>, vector<1x16xf32>,
    %swap3A_216 = vector.shape_cast %swap3A_215 : vector<1x16xf32> to vector<16xf32>
    %swap3A_217 = vector.shape_cast %broadcast_in_dim3A_2 : vector<16xf32> to vector<1x16xf32>
    tpu.vector_store %arg8[%swap3A_213, %swap3A_214], %swap3A_217 {strides = array<i32>} : memref<128x16xf32, #tpu.memory_space<vmem>>, vector<1x16xf32>,
    %swap3A_218 = arith.constant 18 : i32
    %swap3A_219 = arith.index_cast %swap3A_218 : i32 to index
    %swap3A_220 = arith.constant 0 : index
    %swap3A_221 = tpu.vector_load %arg7[%swap3A_219, %swap3A_220] {strides = array<i32>} : memref<128x16xf32, #tpu.memory_space<vmem>>, vector<1x16xf32>,
    %swap3A_222 = vector.shape_cast %swap3A_221 : vector<1x16xf32> to vector<16xf32>
    %swap3A_223 = vector.shape_cast %broadcast_in_dim3A_0 : vector<16xf32> to vector<1x16xf32>
    tpu.vector_store %arg7[%swap3A_219, %swap3A_220], %swap3A_223 {strides = array<i32>} : memref<128x16xf32, #tpu.memory_space<vmem>>, vector<1x16xf32>,
    %swap3A_224 = arith.constant 18 : i32
    %swap3A_225 = arith.index_cast %swap3A_224 : i32 to index
    %swap3A_226 = arith.constant 0 : index
    %swap3A_227 = tpu.vector_load %arg8[%swap3A_225, %swap3A_226] {strides = array<i32>} : memref<128x16xf32, #tpu.memory_space<vmem>>, vector<1x16xf32>,
    %swap3A_228 = vector.shape_cast %swap3A_227 : vector<1x16xf32> to vector<16xf32>
    %swap3A_229 = vector.shape_cast %broadcast_in_dim3A_2 : vector<16xf32> to vector<1x16xf32>
    tpu.vector_store %arg8[%swap3A_225, %swap3A_226], %swap3A_229 {strides = array<i32>} : memref<128x16xf32, #tpu.memory_space<vmem>>, vector<1x16xf32>,
    %swap3A_230 = arith.constant 19 : i32
    %swap3A_231 = arith.index_cast %swap3A_230 : i32 to index
    %swap3A_232 = arith.constant 0 : index
    %swap3A_233 = tpu.vector_load %arg7[%swap3A_231, %swap3A_232] {strides = array<i32>} : memref<128x16xf32, #tpu.memory_space<vmem>>, vector<1x16xf32>,
    %swap3A_234 = vector.shape_cast %swap3A_233 : vector<1x16xf32> to vector<16xf32>
    %swap3A_235 = vector.shape_cast %broadcast_in_dim3A_0 : vector<16xf32> to vector<1x16xf32>
    tpu.vector_store %arg7[%swap3A_231, %swap3A_232], %swap3A_235 {strides = array<i32>} : memref<128x16xf32, #tpu.memory_space<vmem>>, vector<1x16xf32>,
    %swap3A_236 = arith.constant 19 : i32
    %swap3A_237 = arith.index_cast %swap3A_236 : i32 to index
    %swap3A_238 = arith.constant 0 : index
    %swap3A_239 = tpu.vector_load %arg8[%swap3A_237, %swap3A_238] {strides = array<i32>} : memref<128x16xf32, #tpu.memory_space<vmem>>, vector<1x16xf32>,
    %swap3A_240 = vector.shape_cast %swap3A_239 : vector<1x16xf32> to vector<16xf32>
    %swap3A_241 = vector.shape_cast %broadcast_in_dim3A_2 : vector<16xf32> to vector<1x16xf32>
    tpu.vector_store %arg8[%swap3A_237, %swap3A_238], %swap3A_241 {strides = array<i32>} : memref<128x16xf32, #tpu.memory_space<vmem>>, vector<1x16xf32>,
    %swap3A_242 = arith.constant 20 : i32
    %swap3A_243 = arith.index_cast %swap3A_242 : i32 to index
    %swap3A_244 = arith.constant 0 : index
    %swap3A_245 = tpu.vector_load %arg7[%swap3A_243, %swap3A_244] {strides = array<i32>} : memref<128x16xf32, #tpu.memory_space<vmem>>, vector<1x16xf32>,
    %swap3A_246 = vector.shape_cast %swap3A_245 : vector<1x16xf32> to vector<16xf32>
    %swap3A_247 = vector.shape_cast %broadcast_in_dim3A_0 : vector<16xf32> to vector<1x16xf32>
    tpu.vector_store %arg7[%swap3A_243, %swap3A_244], %swap3A_247 {strides = array<i32>} : memref<128x16xf32, #tpu.memory_space<vmem>>, vector<1x16xf32>,
    %swap3A_248 = arith.constant 20 : i32
    %swap3A_249 = arith.index_cast %swap3A_248 : i32 to index
    %swap3A_250 = arith.constant 0 : index
    %swap3A_251 = tpu.vector_load %arg8[%swap3A_249, %swap3A_250] {strides = array<i32>} : memref<128x16xf32, #tpu.memory_space<vmem>>, vector<1x16xf32>,
    %swap3A_252 = vector.shape_cast %swap3A_251 : vector<1x16xf32> to vector<16xf32>
    %swap3A_253 = vector.shape_cast %broadcast_in_dim3A_2 : vector<16xf32> to vector<1x16xf32>
    tpu.vector_store %arg8[%swap3A_249, %swap3A_250], %swap3A_253 {strides = array<i32>} : memref<128x16xf32, #tpu.memory_space<vmem>>, vector<1x16xf32>,
    %swap3A_254 = arith.constant 21 : i32
    %swap3A_255 = arith.index_cast %swap3A_254 : i32 to index
    %swap3A_256 = arith.constant 0 : index
    %swap3A_257 = tpu.vector_load %arg7[%swap3A_255, %swap3A_256] {strides = array<i32>} : memref<128x16xf32, #tpu.memory_space<vmem>>, vector<1x16xf32>,
    %swap3A_258 = vector.shape_cast %swap3A_257 : vector<1x16xf32> to vector<16xf32>
    %swap3A_259 = vector.shape_cast %broadcast_in_dim3A_0 : vector<16xf32> to vector<1x16xf32>
    tpu.vector_store %arg7[%swap3A_255, %swap3A_256], %swap3A_259 {strides = array<i32>} : memref<128x16xf32, #tpu.memory_space<vmem>>, vector<1x16xf32>,
    %swap3A_260 = arith.constant 21 : i32
    %swap3A_261 = arith.index_cast %swap3A_260 : i32 to index
    %swap3A_262 = arith.constant 0 : index
    %swap3A_263 = tpu.vector_load %arg8[%swap3A_261, %swap3A_262] {strides = array<i32>} : memref<128x16xf32, #tpu.memory_space<vmem>>, vector<1x16xf32>,
    %swap3A_264 = vector.shape_cast %swap3A_263 : vector<1x16xf32> to vector<16xf32>
    %swap3A_265 = vector.shape_cast %broadcast_in_dim3A_2 : vector<16xf32> to vector<1x16xf32>
    tpu.vector_store %arg8[%swap3A_261, %swap3A_262], %swap3A_265 {strides = array<i32>} : memref<128x16xf32, #tpu.memory_space<vmem>>, vector<1x16xf32>,
    %swap3A_266 = arith.constant 22 : i32
    %swap3A_267 = arith.index_cast %swap3A_266 : i32 to index
    %swap3A_268 = arith.constant 0 : index
    %swap3A_269 = tpu.vector_load %arg7[%swap3A_267, %swap3A_268] {strides = array<i32>} : memref<128x16xf32, #tpu.memory_space<vmem>>, vector<1x16xf32>,
    %swap3A_270 = vector.shape_cast %swap3A_269 : vector<1x16xf32> to vector<16xf32>
    %swap3A_271 = vector.shape_cast %broadcast_in_dim3A_0 : vector<16xf32> to vector<1x16xf32>
    tpu.vector_store %arg7[%swap3A_267, %swap3A_268], %swap3A_271 {strides = array<i32>} : memref<128x16xf32, #tpu.memory_space<vmem>>, vector<1x16xf32>,
    %swap3A_272 = arith.constant 22 : i32
    %swap3A_273 = arith.index_cast %swap3A_272 : i32 to index
    %swap3A_274 = arith.constant 0 : index
    %swap3A_275 = tpu.vector_load %arg8[%swap3A_273, %swap3A_274] {strides = array<i32>} : memref<128x16xf32, #tpu.memory_space<vmem>>, vector<1x16xf32>,
    %swap3A_276 = vector.shape_cast %swap3A_275 : vector<1x16xf32> to vector<16xf32>
    %swap3A_277 = vector.shape_cast %broadcast_in_dim3A_2 : vector<16xf32> to vector<1x16xf32>
    tpu.vector_store %arg8[%swap3A_273, %swap3A_274], %swap3A_277 {strides = array<i32>} : memref<128x16xf32, #tpu.memory_space<vmem>>, vector<1x16xf32>,
    %swap3A_278 = arith.constant 23 : i32
    %swap3A_279 = arith.index_cast %swap3A_278 : i32 to index
    %swap3A_280 = arith.constant 0 : index
    %swap3A_281 = tpu.vector_load %arg7[%swap3A_279, %swap3A_280] {strides = array<i32>} : memref<128x16xf32, #tpu.memory_space<vmem>>, vector<1x16xf32>,
    %swap3A_282 = vector.shape_cast %swap3A_281 : vector<1x16xf32> to vector<16xf32>
    %swap3A_283 = vector.shape_cast %broadcast_in_dim3A_0 : vector<16xf32> to vector<1x16xf32>
    tpu.vector_store %arg7[%swap3A_279, %swap3A_280], %swap3A_283 {strides = array<i32>} : memref<128x16xf32, #tpu.memory_space<vmem>>, vector<1x16xf32>,
    %swap3A_284 = arith.constant 23 : i32
    %swap3A_285 = arith.index_cast %swap3A_284 : i32 to index
    %swap3A_286 = arith.constant 0 : index
    %swap3A_287 = tpu.vector_load %arg8[%swap3A_285, %swap3A_286] {strides = array<i32>} : memref<128x16xf32, #tpu.memory_space<vmem>>, vector<1x16xf32>,
    %swap3A_288 = vector.shape_cast %swap3A_287 : vector<1x16xf32> to vector<16xf32>
    %swap3A_289 = vector.shape_cast %broadcast_in_dim3A_2 : vector<16xf32> to vector<1x16xf32>
    tpu.vector_store %arg8[%swap3A_285, %swap3A_286], %swap3A_289 {strides = array<i32>} : memref<128x16xf32, #tpu.memory_space<vmem>>, vector<1x16xf32>,
    %swap3A_290 = arith.constant 24 : i32
    %swap3A_291 = arith.index_cast %swap3A_290 : i32 to index
    %swap3A_292 = arith.constant 0 : index
    %swap3A_293 = tpu.vector_load %arg7[%swap3A_291, %swap3A_292] {strides = array<i32>} : memref<128x16xf32, #tpu.memory_space<vmem>>, vector<1x16xf32>,
    %swap3A_294 = vector.shape_cast %swap3A_293 : vector<1x16xf32> to vector<16xf32>
    %swap3A_295 = vector.shape_cast %broadcast_in_dim3A_0 : vector<16xf32> to vector<1x16xf32>
    tpu.vector_store %arg7[%swap3A_291, %swap3A_292], %swap3A_295 {strides = array<i32>} : memref<128x16xf32, #tpu.memory_space<vmem>>, vector<1x16xf32>,
    %swap3A_296 = arith.constant 24 : i32
    %swap3A_297 = arith.index_cast %swap3A_296 : i32 to index
    %swap3A_298 = arith.constant 0 : index
    %swap3A_299 = tpu.vector_load %arg8[%swap3A_297, %swap3A_298] {strides = array<i32>} : memref<128x16xf32, #tpu.memory_space<vmem>>, vector<1x16xf32>,
    %swap3A_300 = vector.shape_cast %swap3A_299 : vector<1x16xf32> to vector<16xf32>
    %swap3A_301 = vector.shape_cast %broadcast_in_dim3A_2 : vector<16xf32> to vector<1x16xf32>
    tpu.vector_store %arg8[%swap3A_297, %swap3A_298], %swap3A_301 {strides = array<i32>} : memref<128x16xf32, #tpu.memory_space<vmem>>, vector<1x16xf32>,
    %swap3A_302 = arith.constant 25 : i32
    %swap3A_303 = arith.index_cast %swap3A_302 : i32 to index
    %swap3A_304 = arith.constant 0 : index
    %swap3A_305 = tpu.vector_load %arg7[%swap3A_303, %swap3A_304] {strides = array<i32>} : memref<128x16xf32, #tpu.memory_space<vmem>>, vector<1x16xf32>,
    %swap3A_306 = vector.shape_cast %swap3A_305 : vector<1x16xf32> to vector<16xf32>
    %swap3A_307 = vector.shape_cast %broadcast_in_dim3A_0 : vector<16xf32> to vector<1x16xf32>
    tpu.vector_store %arg7[%swap3A_303, %swap3A_304], %swap3A_307 {strides = array<i32>} : memref<128x16xf32, #tpu.memory_space<vmem>>, vector<1x16xf32>,
    %swap3A_308 = arith.constant 25 : i32
    %swap3A_309 = arith.index_cast %swap3A_308 : i32 to index
    %swap3A_310 = arith.constant 0 : index
    %swap3A_311 = tpu.vector_load %arg8[%swap3A_309, %swap3A_310] {strides = array<i32>} : memref<128x16xf32, #tpu.memory_space<vmem>>, vector<1x16xf32>,
    %swap3A_312 = vector.shape_cast %swap3A_311 : vector<1x16xf32> to vector<16xf32>
    %swap3A_313 = vector.shape_cast %broadcast_in_dim3A_2 : vector<16xf32> to vector<1x16xf32>
    tpu.vector_store %arg8[%swap3A_309, %swap3A_310], %swap3A_313 {strides = array<i32>} : memref<128x16xf32, #tpu.memory_space<vmem>>, vector<1x16xf32>,
    %swap3A_314 = arith.constant 26 : i32
    %swap3A_315 = arith.index_cast %swap3A_314 : i32 to index
    %swap3A_316 = arith.constant 0 : index
    %swap3A_317 = tpu.vector_load %arg7[%swap3A_315, %swap3A_316] {strides = array<i32>} : memref<128x16xf32, #tpu.memory_space<vmem>>, vector<1x16xf32>,
    %swap3A_318 = vector.shape_cast %swap3A_317 : vector<1x16xf32> to vector<16xf32>
    %swap3A_319 = vector.shape_cast %broadcast_in_dim3A_0 : vector<16xf32> to vector<1x16xf32>
    tpu.vector_store %arg7[%swap3A_315, %swap3A_316], %swap3A_319 {strides = array<i32>} : memref<128x16xf32, #tpu.memory_space<vmem>>, vector<1x16xf32>,
    %swap3A_320 = arith.constant 26 : i32
    %swap3A_321 = arith.index_cast %swap3A_320 : i32 to index
    %swap3A_322 = arith.constant 0 : index
    %swap3A_323 = tpu.vector_load %arg8[%swap3A_321, %swap3A_322] {strides = array<i32>} : memref<128x16xf32, #tpu.memory_space<vmem>>, vector<1x16xf32>,
    %swap3A_324 = vector.shape_cast %swap3A_323 : vector<1x16xf32> to vector<16xf32>
    %swap3A_325 = vector.shape_cast %broadcast_in_dim3A_2 : vector<16xf32> to vector<1x16xf32>
    tpu.vector_store %arg8[%swap3A_321, %swap3A_322], %swap3A_325 {strides = array<i32>} : memref<128x16xf32, #tpu.memory_space<vmem>>, vector<1x16xf32>,
    %swap3A_326 = arith.constant 27 : i32
    %swap3A_327 = arith.index_cast %swap3A_326 : i32 to index
    %swap3A_328 = arith.constant 0 : index
    %swap3A_329 = tpu.vector_load %arg7[%swap3A_327, %swap3A_328] {strides = array<i32>} : memref<128x16xf32, #tpu.memory_space<vmem>>, vector<1x16xf32>,
    %swap3A_330 = vector.shape_cast %swap3A_329 : vector<1x16xf32> to vector<16xf32>
    %swap3A_331 = vector.shape_cast %broadcast_in_dim3A_0 : vector<16xf32> to vector<1x16xf32>
    tpu.vector_store %arg7[%swap3A_327, %swap3A_328], %swap3A_331 {strides = array<i32>} : memref<128x16xf32, #tpu.memory_space<vmem>>, vector<1x16xf32>,
    %swap3A_332 = arith.constant 27 : i32
    %swap3A_333 = arith.index_cast %swap3A_332 : i32 to index
    %swap3A_334 = arith.constant 0 : index
    %swap3A_335 = tpu.vector_load %arg8[%swap3A_333, %swap3A_334] {strides = array<i32>} : memref<128x16xf32, #tpu.memory_space<vmem>>, vector<1x16xf32>,
    %swap3A_336 = vector.shape_cast %swap3A_335 : vector<1x16xf32> to vector<16xf32>
    %swap3A_337 = vector.shape_cast %broadcast_in_dim3A_2 : vector<16xf32> to vector<1x16xf32>
    tpu.vector_store %arg8[%swap3A_333, %swap3A_334], %swap3A_337 {strides = array<i32>} : memref<128x16xf32, #tpu.memory_space<vmem>>, vector<1x16xf32>,
    %swap3A_338 = arith.constant 28 : i32
    %swap3A_339 = arith.index_cast %swap3A_338 : i32 to index
    %swap3A_340 = arith.constant 0 : index
    %swap3A_341 = tpu.vector_load %arg7[%swap3A_339, %swap3A_340] {strides = array<i32>} : memref<128x16xf32, #tpu.memory_space<vmem>>, vector<1x16xf32>,
    %swap3A_342 = vector.shape_cast %swap3A_341 : vector<1x16xf32> to vector<16xf32>
    %swap3A_343 = vector.shape_cast %broadcast_in_dim3A_0 : vector<16xf32> to vector<1x16xf32>
    tpu.vector_store %arg7[%swap3A_339, %swap3A_340], %swap3A_343 {strides = array<i32>} : memref<128x16xf32, #tpu.memory_space<vmem>>, vector<1x16xf32>,
    %swap3A_344 = arith.constant 28 : i32
    %swap3A_345 = arith.index_cast %swap3A_344 : i32 to index
    %swap3A_346 = arith.constant 0 : index
    %swap3A_347 = tpu.vector_load %arg8[%swap3A_345, %swap3A_346] {strides = array<i32>} : memref<128x16xf32, #tpu.memory_space<vmem>>, vector<1x16xf32>,
    %swap3A_348 = vector.shape_cast %swap3A_347 : vector<1x16xf32> to vector<16xf32>
    %swap3A_349 = vector.shape_cast %broadcast_in_dim3A_2 : vector<16xf32> to vector<1x16xf32>
    tpu.vector_store %arg8[%swap3A_345, %swap3A_346], %swap3A_349 {strides = array<i32>} : memref<128x16xf32, #tpu.memory_space<vmem>>, vector<1x16xf32>,
    %swap3A_350 = arith.constant 29 : i32
    %swap3A_351 = arith.index_cast %swap3A_350 : i32 to index
    %swap3A_352 = arith.constant 0 : index
    %swap3A_353 = tpu.vector_load %arg7[%swap3A_351, %swap3A_352] {strides = array<i32>} : memref<128x16xf32, #tpu.memory_space<vmem>>, vector<1x16xf32>,
    %swap3A_354 = vector.shape_cast %swap3A_353 : vector<1x16xf32> to vector<16xf32>
    %swap3A_355 = vector.shape_cast %broadcast_in_dim3A_0 : vector<16xf32> to vector<1x16xf32>
    tpu.vector_store %arg7[%swap3A_351, %swap3A_352], %swap3A_355 {strides = array<i32>} : memref<128x16xf32, #tpu.memory_space<vmem>>, vector<1x16xf32>,
    %swap3A_356 = arith.constant 29 : i32
    %swap3A_357 = arith.index_cast %swap3A_356 : i32 to index
    %swap3A_358 = arith.constant 0 : index
    %swap3A_359 = tpu.vector_load %arg8[%swap3A_357, %swap3A_358] {strides = array<i32>} : memref<128x16xf32, #tpu.memory_space<vmem>>, vector<1x16xf32>,
    %swap3A_360 = vector.shape_cast %swap3A_359 : vector<1x16xf32> to vector<16xf32>
    %swap3A_361 = vector.shape_cast %broadcast_in_dim3A_2 : vector<16xf32> to vector<1x16xf32>
    tpu.vector_store %arg8[%swap3A_357, %swap3A_358], %swap3A_361 {strides = array<i32>} : memref<128x16xf32, #tpu.memory_space<vmem>>, vector<1x16xf32>,
    %swap3A_362 = arith.constant 30 : i32
    %swap3A_363 = arith.index_cast %swap3A_362 : i32 to index
    %swap3A_364 = arith.constant 0 : index
    %swap3A_365 = tpu.vector_load %arg7[%swap3A_363, %swap3A_364] {strides = array<i32>} : memref<128x16xf32, #tpu.memory_space<vmem>>, vector<1x16xf32>,
    %swap3A_366 = vector.shape_cast %swap3A_365 : vector<1x16xf32> to vector<16xf32>
    %swap3A_367 = vector.shape_cast %broadcast_in_dim3A_0 : vector<16xf32> to vector<1x16xf32>
    tpu.vector_store %arg7[%swap3A_363, %swap3A_364], %swap3A_367 {strides = array<i32>} : memref<128x16xf32, #tpu.memory_space<vmem>>, vector<1x16xf32>,
    %swap3A_368 = arith.constant 30 : i32
    %swap3A_369 = arith.index_cast %swap3A_368 : i32 to index
    %swap3A_370 = arith.constant 0 : index
    %swap3A_371 = tpu.vector_load %arg8[%swap3A_369, %swap3A_370] {strides = array<i32>} : memref<128x16xf32, #tpu.memory_space<vmem>>, vector<1x16xf32>,
    %swap3A_372 = vector.shape_cast %swap3A_371 : vector<1x16xf32> to vector<16xf32>
    %swap3A_373 = vector.shape_cast %broadcast_in_dim3A_2 : vector<16xf32> to vector<1x16xf32>
    tpu.vector_store %arg8[%swap3A_369, %swap3A_370], %swap3A_373 {strides = array<i32>} : memref<128x16xf32, #tpu.memory_space<vmem>>, vector<1x16xf32>,
    %swap3A_374 = arith.constant 31 : i32
    %swap3A_375 = arith.index_cast %swap3A_374 : i32 to index
    %swap3A_376 = arith.constant 0 : index
    %swap3A_377 = tpu.vector_load %arg7[%swap3A_375, %swap3A_376] {strides = array<i32>} : memref<128x16xf32, #tpu.memory_space<vmem>>, vector<1x16xf32>,
    %swap3A_378 = vector.shape_cast %swap3A_377 : vector<1x16xf32> to vector<16xf32>
    %swap3A_379 = vector.shape_cast %broadcast_in_dim3A_0 : vector<16xf32> to vector<1x16xf32>
    tpu.vector_store %arg7[%swap3A_375, %swap3A_376], %swap3A_379 {strides = array<i32>} : memref<128x16xf32, #tpu.memory_space<vmem>>, vector<1x16xf32>,
    %swap3A_380 = arith.constant 31 : i32
    %swap3A_381 = arith.index_cast %swap3A_380 : i32 to index
    %swap3A_382 = arith.constant 0 : index
    %swap3A_383 = tpu.vector_load %arg8[%swap3A_381, %swap3A_382] {strides = array<i32>} : memref<128x16xf32, #tpu.memory_space<vmem>>, vector<1x16xf32>,
    %swap3A_384 = vector.shape_cast %swap3A_383 : vector<1x16xf32> to vector<16xf32>
    %swap3A_385 = vector.shape_cast %broadcast_in_dim3A_2 : vector<16xf32> to vector<1x16xf32>
    tpu.vector_store %arg8[%swap3A_381, %swap3A_382], %swap3A_385 {strides = array<i32>} : memref<128x16xf32, #tpu.memory_space<vmem>>, vector<1x16xf32>,
    %swap3A_386 = arith.constant 32 : i32
    %swap3A_387 = arith.index_cast %swap3A_386 : i32 to index
    %swap3A_388 = arith.constant 0 : index
    %swap3A_389 = tpu.vector_load %arg7[%swap3A_387, %swap3A_388] {strides = array<i32>} : memref<128x16xf32, #tpu.memory_space<vmem>>, vector<1x16xf32>,
    %swap3A_390 = vector.shape_cast %swap3A_389 : vector<1x16xf32> to vector<16xf32>
    %swap3A_391 = vector.shape_cast %broadcast_in_dim3A_0 : vector<16xf32> to vector<1x16xf32>
    tpu.vector_store %arg7[%swap3A_387, %swap3A_388], %swap3A_391 {strides = array<i32>} : memref<128x16xf32, #tpu.memory_space<vmem>>, vector<1x16xf32>,
    %swap3A_392 = arith.constant 32 : i32
    %swap3A_393 = arith.index_cast %swap3A_392 : i32 to index
    %swap3A_394 = arith.constant 0 : index
    %swap3A_395 = tpu.vector_load %arg8[%swap3A_393, %swap3A_394] {strides = array<i32>} : memref<128x16xf32, #tpu.memory_space<vmem>>, vector<1x16xf32>,
    %swap3A_396 = vector.shape_cast %swap3A_395 : vector<1x16xf32> to vector<16xf32>
    %swap3A_397 = vector.shape_cast %broadcast_in_dim3A_2 : vector<16xf32> to vector<1x16xf32>
    tpu.vector_store %arg8[%swap3A_393, %swap3A_394], %swap3A_397 {strides = array<i32>} : memref<128x16xf32, #tpu.memory_space<vmem>>, vector<1x16xf32>,
    %swap3A_398 = arith.constant 33 : i32
    %swap3A_399 = arith.index_cast %swap3A_398 : i32 to index
    %swap3A_400 = arith.constant 0 : index
    %swap3A_401 = tpu.vector_load %arg7[%swap3A_399, %swap3A_400] {strides = array<i32>} : memref<128x16xf32, #tpu.memory_space<vmem>>, vector<1x16xf32>,
    %swap3A_402 = vector.shape_cast %swap3A_401 : vector<1x16xf32> to vector<16xf32>
    %swap3A_403 = vector.shape_cast %broadcast_in_dim3A_0 : vector<16xf32> to vector<1x16xf32>
    tpu.vector_store %arg7[%swap3A_399, %swap3A_400], %swap3A_403 {strides = array<i32>} : memref<128x16xf32, #tpu.memory_space<vmem>>, vector<1x16xf32>,
    %swap3A_404 = arith.constant 33 : i32
    %swap3A_405 = arith.index_cast %swap3A_404 : i32 to index
    %swap3A_406 = arith.constant 0 : index
    %swap3A_407 = tpu.vector_load %arg8[%swap3A_405, %swap3A_406] {strides = array<i32>} : memref<128x16xf32, #tpu.memory_space<vmem>>, vector<1x16xf32>,
    %swap3A_408 = vector.shape_cast %swap3A_407 : vector<1x16xf32> to vector<16xf32>
    %swap3A_409 = vector.shape_cast %broadcast_in_dim3A_2 : vector<16xf32> to vector<1x16xf32>
    tpu.vector_store %arg8[%swap3A_405, %swap3A_406], %swap3A_409 {strides = array<i32>} : memref<128x16xf32, #tpu.memory_space<vmem>>, vector<1x16xf32>,
    %swap3A_410 = arith.constant 34 : i32
    %swap3A_411 = arith.index_cast %swap3A_410 : i32 to index
    %swap3A_412 = arith.constant 0 : index
    %swap3A_413 = tpu.vector_load %arg7[%swap3A_411, %swap3A_412] {strides = array<i32>} : memref<128x16xf32, #tpu.memory_space<vmem>>, vector<1x16xf32>,
    %swap3A_414 = vector.shape_cast %swap3A_413 : vector<1x16xf32> to vector<16xf32>
    %swap3A_415 = vector.shape_cast %broadcast_in_dim3A_0 : vector<16xf32> to vector<1x16xf32>
    tpu.vector_store %arg7[%swap3A_411, %swap3A_412], %swap3A_415 {strides = array<i32>} : memref<128x16xf32, #tpu.memory_space<vmem>>, vector<1x16xf32>,
    %swap3A_416 = arith.constant 34 : i32
    %swap3A_417 = arith.index_cast %swap3A_416 : i32 to index
    %swap3A_418 = arith.constant 0 : index
    %swap3A_419 = tpu.vector_load %arg8[%swap3A_417, %swap3A_418] {strides = array<i32>} : memref<128x16xf32, #tpu.memory_space<vmem>>, vector<1x16xf32>,
    %swap3A_420 = vector.shape_cast %swap3A_419 : vector<1x16xf32> to vector<16xf32>
    %swap3A_421 = vector.shape_cast %broadcast_in_dim3A_2 : vector<16xf32> to vector<1x16xf32>
    tpu.vector_store %arg8[%swap3A_417, %swap3A_418], %swap3A_421 {strides = array<i32>} : memref<128x16xf32, #tpu.memory_space<vmem>>, vector<1x16xf32>,
    %swap3A_422 = arith.constant 35 : i32
    %swap3A_423 = arith.index_cast %swap3A_422 : i32 to index
    %swap3A_424 = arith.constant 0 : index
    %swap3A_425 = tpu.vector_load %arg7[%swap3A_423, %swap3A_424] {strides = array<i32>} : memref<128x16xf32, #tpu.memory_space<vmem>>, vector<1x16xf32>,
    %swap3A_426 = vector.shape_cast %swap3A_425 : vector<1x16xf32> to vector<16xf32>
    %swap3A_427 = vector.shape_cast %broadcast_in_dim3A_0 : vector<16xf32> to vector<1x16xf32>
    tpu.vector_store %arg7[%swap3A_423, %swap3A_424], %swap3A_427 {strides = array<i32>} : memref<128x16xf32, #tpu.memory_space<vmem>>, vector<1x16xf32>,
    %swap3A_428 = arith.constant 35 : i32
    %swap3A_429 = arith.index_cast %swap3A_428 : i32 to index
    %swap3A_430 = arith.constant 0 : index
    %swap3A_431 = tpu.vector_load %arg8[%swap3A_429, %swap3A_430] {strides = array<i32>} : memref<128x16xf32, #tpu.memory_space<vmem>>, vector<1x16xf32>,
    %swap3A_432 = vector.shape_cast %swap3A_431 : vector<1x16xf32> to vector<16xf32>
    %swap3A_433 = vector.shape_cast %broadcast_in_dim3A_2 : vector<16xf32> to vector<1x16xf32>
    tpu.vector_store %arg8[%swap3A_429, %swap3A_430], %swap3A_433 {strides = array<i32>} : memref<128x16xf32, #tpu.memory_space<vmem>>, vector<1x16xf32>,
    %swap3A_434 = arith.constant 36 : i32
    %swap3A_435 = arith.index_cast %swap3A_434 : i32 to index
    %swap3A_436 = arith.constant 0 : index
    %swap3A_437 = tpu.vector_load %arg7[%swap3A_435, %swap3A_436] {strides = array<i32>} : memref<128x16xf32, #tpu.memory_space<vmem>>, vector<1x16xf32>,
    %swap3A_438 = vector.shape_cast %swap3A_437 : vector<1x16xf32> to vector<16xf32>
    %swap3A_439 = vector.shape_cast %broadcast_in_dim3A_0 : vector<16xf32> to vector<1x16xf32>
    tpu.vector_store %arg7[%swap3A_435, %swap3A_436], %swap3A_439 {strides = array<i32>} : memref<128x16xf32, #tpu.memory_space<vmem>>, vector<1x16xf32>,
    %swap3A_440 = arith.constant 36 : i32
    %swap3A_441 = arith.index_cast %swap3A_440 : i32 to index
    %swap3A_442 = arith.constant 0 : index
    %swap3A_443 = tpu.vector_load %arg8[%swap3A_441, %swap3A_442] {strides = array<i32>} : memref<128x16xf32, #tpu.memory_space<vmem>>, vector<1x16xf32>,
    %swap3A_444 = vector.shape_cast %swap3A_443 : vector<1x16xf32> to vector<16xf32>
    %swap3A_445 = vector.shape_cast %broadcast_in_dim3A_2 : vector<16xf32> to vector<1x16xf32>
    tpu.vector_store %arg8[%swap3A_441, %swap3A_442], %swap3A_445 {strides = array<i32>} : memref<128x16xf32, #tpu.memory_space<vmem>>, vector<1x16xf32>,
    %swap3A_446 = arith.constant 37 : i32
    %swap3A_447 = arith.index_cast %swap3A_446 : i32 to index
    %swap3A_448 = arith.constant 0 : index
    %swap3A_449 = tpu.vector_load %arg7[%swap3A_447, %swap3A_448] {strides = array<i32>} : memref<128x16xf32, #tpu.memory_space<vmem>>, vector<1x16xf32>,
    %swap3A_450 = vector.shape_cast %swap3A_449 : vector<1x16xf32> to vector<16xf32>
    %swap3A_451 = vector.shape_cast %broadcast_in_dim3A_0 : vector<16xf32> to vector<1x16xf32>
    tpu.vector_store %arg7[%swap3A_447, %swap3A_448], %swap3A_451 {strides = array<i32>} : memref<128x16xf32, #tpu.memory_space<vmem>>, vector<1x16xf32>,
    %swap3A_452 = arith.constant 37 : i32
    %swap3A_453 = arith.index_cast %swap3A_452 : i32 to index
    %swap3A_454 = arith.constant 0 : index
    %swap3A_455 = tpu.vector_load %arg8[%swap3A_453, %swap3A_454] {strides = array<i32>} : memref<128x16xf32, #tpu.memory_space<vmem>>, vector<1x16xf32>,
    %swap3A_456 = vector.shape_cast %swap3A_455 : vector<1x16xf32> to vector<16xf32>
    %swap3A_457 = vector.shape_cast %broadcast_in_dim3A_2 : vector<16xf32> to vector<1x16xf32>
    tpu.vector_store %arg8[%swap3A_453, %swap3A_454], %swap3A_457 {strides = array<i32>} : memref<128x16xf32, #tpu.memory_space<vmem>>, vector<1x16xf32>,
    %swap3A_458 = arith.constant 38 : i32
    %swap3A_459 = arith.index_cast %swap3A_458 : i32 to index
    %swap3A_460 = arith.constant 0 : index
    %swap3A_461 = tpu.vector_load %arg7[%swap3A_459, %swap3A_460] {strides = array<i32>} : memref<128x16xf32, #tpu.memory_space<vmem>>, vector<1x16xf32>,
    %swap3A_462 = vector.shape_cast %swap3A_461 : vector<1x16xf32> to vector<16xf32>
    %swap3A_463 = vector.shape_cast %broadcast_in_dim3A_0 : vector<16xf32> to vector<1x16xf32>
    tpu.vector_store %arg7[%swap3A_459, %swap3A_460], %swap3A_463 {strides = array<i32>} : memref<128x16xf32, #tpu.memory_space<vmem>>, vector<1x16xf32>,
    %swap3A_464 = arith.constant 38 : i32
    %swap3A_465 = arith.index_cast %swap3A_464 : i32 to index
    %swap3A_466 = arith.constant 0 : index
    %swap3A_467 = tpu.vector_load %arg8[%swap3A_465, %swap3A_466] {strides = array<i32>} : memref<128x16xf32, #tpu.memory_space<vmem>>, vector<1x16xf32>,
    %swap3A_468 = vector.shape_cast %swap3A_467 : vector<1x16xf32> to vector<16xf32>
    %swap3A_469 = vector.shape_cast %broadcast_in_dim3A_2 : vector<16xf32> to vector<1x16xf32>
    tpu.vector_store %arg8[%swap3A_465, %swap3A_466], %swap3A_469 {strides = array<i32>} : memref<128x16xf32, #tpu.memory_space<vmem>>, vector<1x16xf32>,
    %swap3A_470 = arith.constant 39 : i32
    %swap3A_471 = arith.index_cast %swap3A_470 : i32 to index
    %swap3A_472 = arith.constant 0 : index
    %swap3A_473 = tpu.vector_load %arg7[%swap3A_471, %swap3A_472] {strides = array<i32>} : memref<128x16xf32, #tpu.memory_space<vmem>>, vector<1x16xf32>,
    %swap3A_474 = vector.shape_cast %swap3A_473 : vector<1x16xf32> to vector<16xf32>
    %swap3A_475 = vector.shape_cast %broadcast_in_dim3A_0 : vector<16xf32> to vector<1x16xf32>
    tpu.vector_store %arg7[%swap3A_471, %swap3A_472], %swap3A_475 {strides = array<i32>} : memref<128x16xf32, #tpu.memory_space<vmem>>, vector<1x16xf32>,
    %swap3A_476 = arith.constant 39 : i32
    %swap3A_477 = arith.index_cast %swap3A_476 : i32 to index
    %swap3A_478 = arith.constant 0 : index
    %swap3A_479 = tpu.vector_load %arg8[%swap3A_477, %swap3A_478] {strides = array<i32>} : memref<128x16xf32, #tpu.memory_space<vmem>>, vector<1x16xf32>,
    %swap3A_480 = vector.shape_cast %swap3A_479 : vector<1x16xf32> to vector<16xf32>
    %swap3A_481 = vector.shape_cast %broadcast_in_dim3A_2 : vector<16xf32> to vector<1x16xf32>
    tpu.vector_store %arg8[%swap3A_477, %swap3A_478], %swap3A_481 {strides = array<i32>} : memref<128x16xf32, #tpu.memory_space<vmem>>, vector<1x16xf32>,
    %swap3A_482 = arith.constant 40 : i32
    %swap3A_483 = arith.index_cast %swap3A_482 : i32 to index
    %swap3A_484 = arith.constant 0 : index
    %swap3A_485 = tpu.vector_load %arg7[%swap3A_483, %swap3A_484] {strides = array<i32>} : memref<128x16xf32, #tpu.memory_space<vmem>>, vector<1x16xf32>,
    %swap3A_486 = vector.shape_cast %swap3A_485 : vector<1x16xf32> to vector<16xf32>
    %swap3A_487 = vector.shape_cast %broadcast_in_dim3A_0 : vector<16xf32> to vector<1x16xf32>
    tpu.vector_store %arg7[%swap3A_483, %swap3A_484], %swap3A_487 {strides = array<i32>} : memref<128x16xf32, #tpu.memory_space<vmem>>, vector<1x16xf32>,
    %swap3A_488 = arith.constant 40 : i32
    %swap3A_489 = arith.index_cast %swap3A_488 : i32 to index
    %swap3A_490 = arith.constant 0 : index
    %swap3A_491 = tpu.vector_load %arg8[%swap3A_489, %swap3A_490] {strides = array<i32>} : memref<128x16xf32, #tpu.memory_space<vmem>>, vector<1x16xf32>,
    %swap3A_492 = vector.shape_cast %swap3A_491 : vector<1x16xf32> to vector<16xf32>
    %swap3A_493 = vector.shape_cast %broadcast_in_dim3A_2 : vector<16xf32> to vector<1x16xf32>
    tpu.vector_store %arg8[%swap3A_489, %swap3A_490], %swap3A_493 {strides = array<i32>} : memref<128x16xf32, #tpu.memory_space<vmem>>, vector<1x16xf32>,
    %swap3A_494 = arith.constant 41 : i32
    %swap3A_495 = arith.index_cast %swap3A_494 : i32 to index
    %swap3A_496 = arith.constant 0 : index
    %swap3A_497 = tpu.vector_load %arg7[%swap3A_495, %swap3A_496] {strides = array<i32>} : memref<128x16xf32, #tpu.memory_space<vmem>>, vector<1x16xf32>,
    %swap3A_498 = vector.shape_cast %swap3A_497 : vector<1x16xf32> to vector<16xf32>
    %swap3A_499 = vector.shape_cast %broadcast_in_dim3A_0 : vector<16xf32> to vector<1x16xf32>
    tpu.vector_store %arg7[%swap3A_495, %swap3A_496], %swap3A_499 {strides = array<i32>} : memref<128x16xf32, #tpu.memory_space<vmem>>, vector<1x16xf32>,
    %swap3A_500 = arith.constant 41 : i32
    %swap3A_501 = arith.index_cast %swap3A_500 : i32 to index
    %swap3A_502 = arith.constant 0 : index
    %swap3A_503 = tpu.vector_load %arg8[%swap3A_501, %swap3A_502] {strides = array<i32>} : memref<128x16xf32, #tpu.memory_space<vmem>>, vector<1x16xf32>,
    %swap3A_504 = vector.shape_cast %swap3A_503 : vector<1x16xf32> to vector<16xf32>
    %swap3A_505 = vector.shape_cast %broadcast_in_dim3A_2 : vector<16xf32> to vector<1x16xf32>
    tpu.vector_store %arg8[%swap3A_501, %swap3A_502], %swap3A_505 {strides = array<i32>} : memref<128x16xf32, #tpu.memory_space<vmem>>, vector<1x16xf32>,
    %swap3A_506 = arith.constant 42 : i32
    %swap3A_507 = arith.index_cast %swap3A_506 : i32 to index
    %swap3A_508 = arith.constant 0 : index
    %swap3A_509 = tpu.vector_load %arg7[%swap3A_507, %swap3A_508] {strides = array<i32>} : memref<128x16xf32, #tpu.memory_space<vmem>>, vector<1x16xf32>,
    %swap3A_510 = vector.shape_cast %swap3A_509 : vector<1x16xf32> to vector<16xf32>
    %swap3A_511 = vector.shape_cast %broadcast_in_dim3A_0 : vector<16xf32> to vector<1x16xf32>
    tpu.vector_store %arg7[%swap3A_507, %swap3A_508], %swap3A_511 {strides = array<i32>} : memref<128x16xf32, #tpu.memory_space<vmem>>, vector<1x16xf32>,
    %swap3A_512 = arith.constant 42 : i32
    %swap3A_513 = arith.index_cast %swap3A_512 : i32 to index
    %swap3A_514 = arith.constant 0 : index
    %swap3A_515 = tpu.vector_load %arg8[%swap3A_513, %swap3A_514] {strides = array<i32>} : memref<128x16xf32, #tpu.memory_space<vmem>>, vector<1x16xf32>,
    %swap3A_516 = vector.shape_cast %swap3A_515 : vector<1x16xf32> to vector<16xf32>
    %swap3A_517 = vector.shape_cast %broadcast_in_dim3A_2 : vector<16xf32> to vector<1x16xf32>
    tpu.vector_store %arg8[%swap3A_513, %swap3A_514], %swap3A_517 {strides = array<i32>} : memref<128x16xf32, #tpu.memory_space<vmem>>, vector<1x16xf32>,
    %swap3A_518 = arith.constant 43 : i32
    %swap3A_519 = arith.index_cast %swap3A_518 : i32 to index
    %swap3A_520 = arith.constant 0 : index
    %swap3A_521 = tpu.vector_load %arg7[%swap3A_519, %swap3A_520] {strides = array<i32>} : memref<128x16xf32, #tpu.memory_space<vmem>>, vector<1x16xf32>,
    %swap3A_522 = vector.shape_cast %swap3A_521 : vector<1x16xf32> to vector<16xf32>
    %swap3A_523 = vector.shape_cast %broadcast_in_dim3A_0 : vector<16xf32> to vector<1x16xf32>
    tpu.vector_store %arg7[%swap3A_519, %swap3A_520], %swap3A_523 {strides = array<i32>} : memref<128x16xf32, #tpu.memory_space<vmem>>, vector<1x16xf32>,
    %swap3A_524 = arith.constant 43 : i32
    %swap3A_525 = arith.index_cast %swap3A_524 : i32 to index
    %swap3A_526 = arith.constant 0 : index
    %swap3A_527 = tpu.vector_load %arg8[%swap3A_525, %swap3A_526] {strides = array<i32>} : memref<128x16xf32, #tpu.memory_space<vmem>>, vector<1x16xf32>,
    %swap3A_528 = vector.shape_cast %swap3A_527 : vector<1x16xf32> to vector<16xf32>
    %swap3A_529 = vector.shape_cast %broadcast_in_dim3A_2 : vector<16xf32> to vector<1x16xf32>
    tpu.vector_store %arg8[%swap3A_525, %swap3A_526], %swap3A_529 {strides = array<i32>} : memref<128x16xf32, #tpu.memory_space<vmem>>, vector<1x16xf32>,
    %swap3A_530 = arith.constant 44 : i32
    %swap3A_531 = arith.index_cast %swap3A_530 : i32 to index
    %swap3A_532 = arith.constant 0 : index
    %swap3A_533 = tpu.vector_load %arg7[%swap3A_531, %swap3A_532] {strides = array<i32>} : memref<128x16xf32, #tpu.memory_space<vmem>>, vector<1x16xf32>,
    %swap3A_534 = vector.shape_cast %swap3A_533 : vector<1x16xf32> to vector<16xf32>
    %swap3A_535 = vector.shape_cast %broadcast_in_dim3A_0 : vector<16xf32> to vector<1x16xf32>
    tpu.vector_store %arg7[%swap3A_531, %swap3A_532], %swap3A_535 {strides = array<i32>} : memref<128x16xf32, #tpu.memory_space<vmem>>, vector<1x16xf32>,
    %swap3A_536 = arith.constant 44 : i32
    %swap3A_537 = arith.index_cast %swap3A_536 : i32 to index
    %swap3A_538 = arith.constant 0 : index
    %swap3A_539 = tpu.vector_load %arg8[%swap3A_537, %swap3A_538] {strides = array<i32>} : memref<128x16xf32, #tpu.memory_space<vmem>>, vector<1x16xf32>,
    %swap3A_540 = vector.shape_cast %swap3A_539 : vector<1x16xf32> to vector<16xf32>
    %swap3A_541 = vector.shape_cast %broadcast_in_dim3A_2 : vector<16xf32> to vector<1x16xf32>
    tpu.vector_store %arg8[%swap3A_537, %swap3A_538], %swap3A_541 {strides = array<i32>} : memref<128x16xf32, #tpu.memory_space<vmem>>, vector<1x16xf32>,
    %swap3A_542 = arith.constant 45 : i32
    %swap3A_543 = arith.index_cast %swap3A_542 : i32 to index
    %swap3A_544 = arith.constant 0 : index
    %swap3A_545 = tpu.vector_load %arg7[%swap3A_543, %swap3A_544] {strides = array<i32>} : memref<128x16xf32, #tpu.memory_space<vmem>>, vector<1x16xf32>,
    %swap3A_546 = vector.shape_cast %swap3A_545 : vector<1x16xf32> to vector<16xf32>
    %swap3A_547 = vector.shape_cast %broadcast_in_dim3A_0 : vector<16xf32> to vector<1x16xf32>
    tpu.vector_store %arg7[%swap3A_543, %swap3A_544], %swap3A_547 {strides = array<i32>} : memref<128x16xf32, #tpu.memory_space<vmem>>, vector<1x16xf32>,
    %swap3A_548 = arith.constant 45 : i32
    %swap3A_549 = arith.index_cast %swap3A_548 : i32 to index
    %swap3A_550 = arith.constant 0 : index
    %swap3A_551 = tpu.vector_load %arg8[%swap3A_549, %swap3A_550] {strides = array<i32>} : memref<128x16xf32, #tpu.memory_space<vmem>>, vector<1x16xf32>,
    %swap3A_552 = vector.shape_cast %swap3A_551 : vector<1x16xf32> to vector<16xf32>
    %swap3A_553 = vector.shape_cast %broadcast_in_dim3A_2 : vector<16xf32> to vector<1x16xf32>
    tpu.vector_store %arg8[%swap3A_549, %swap3A_550], %swap3A_553 {strides = array<i32>} : memref<128x16xf32, #tpu.memory_space<vmem>>, vector<1x16xf32>,
    %swap3A_554 = arith.constant 46 : i32
    %swap3A_555 = arith.index_cast %swap3A_554 : i32 to index
    %swap3A_556 = arith.constant 0 : index
    %swap3A_557 = tpu.vector_load %arg7[%swap3A_555, %swap3A_556] {strides = array<i32>} : memref<128x16xf32, #tpu.memory_space<vmem>>, vector<1x16xf32>,
    %swap3A_558 = vector.shape_cast %swap3A_557 : vector<1x16xf32> to vector<16xf32>
    %swap3A_559 = vector.shape_cast %broadcast_in_dim3A_0 : vector<16xf32> to vector<1x16xf32>
    tpu.vector_store %arg7[%swap3A_555, %swap3A_556], %swap3A_559 {strides = array<i32>} : memref<128x16xf32, #tpu.memory_space<vmem>>, vector<1x16xf32>,
    %swap3A_560 = arith.constant 46 : i32
    %swap3A_561 = arith.index_cast %swap3A_560 : i32 to index
    %swap3A_562 = arith.constant 0 : index
    %swap3A_563 = tpu.vector_load %arg8[%swap3A_561, %swap3A_562] {strides = array<i32>} : memref<128x16xf32, #tpu.memory_space<vmem>>, vector<1x16xf32>,
    %swap3A_564 = vector.shape_cast %swap3A_563 : vector<1x16xf32> to vector<16xf32>
    %swap3A_565 = vector.shape_cast %broadcast_in_dim3A_2 : vector<16xf32> to vector<1x16xf32>
    tpu.vector_store %arg8[%swap3A_561, %swap3A_562], %swap3A_565 {strides = array<i32>} : memref<128x16xf32, #tpu.memory_space<vmem>>, vector<1x16xf32>,
    %swap3A_566 = arith.constant 47 : i32
    %swap3A_567 = arith.index_cast %swap3A_566 : i32 to index
    %swap3A_568 = arith.constant 0 : index
    %swap3A_569 = tpu.vector_load %arg7[%swap3A_567, %swap3A_568] {strides = array<i32>} : memref<128x16xf32, #tpu.memory_space<vmem>>, vector<1x16xf32>,
    %swap3A_570 = vector.shape_cast %swap3A_569 : vector<1x16xf32> to vector<16xf32>
    %swap3A_571 = vector.shape_cast %broadcast_in_dim3A_0 : vector<16xf32> to vector<1x16xf32>
    tpu.vector_store %arg7[%swap3A_567, %swap3A_568], %swap3A_571 {strides = array<i32>} : memref<128x16xf32, #tpu.memory_space<vmem>>, vector<1x16xf32>,
    %swap3A_572 = arith.constant 47 : i32
    %swap3A_573 = arith.index_cast %swap3A_572 : i32 to index
    %swap3A_574 = arith.constant 0 : index
    %swap3A_575 = tpu.vector_load %arg8[%swap3A_573, %swap3A_574] {strides = array<i32>} : memref<128x16xf32, #tpu.memory_space<vmem>>, vector<1x16xf32>,
    %swap3A_576 = vector.shape_cast %swap3A_575 : vector<1x16xf32> to vector<16xf32>
    %swap3A_577 = vector.shape_cast %broadcast_in_dim3A_2 : vector<16xf32> to vector<1x16xf32>
    tpu.vector_store %arg8[%swap3A_573, %swap3A_574], %swap3A_577 {strides = array<i32>} : memref<128x16xf32, #tpu.memory_space<vmem>>, vector<1x16xf32>,
    %swap3A_578 = arith.constant 48 : i32
    %swap3A_579 = arith.index_cast %swap3A_578 : i32 to index
    %swap3A_580 = arith.constant 0 : index
    %swap3A_581 = tpu.vector_load %arg7[%swap3A_579, %swap3A_580] {strides = array<i32>} : memref<128x16xf32, #tpu.memory_space<vmem>>, vector<1x16xf32>,
    %swap3A_582 = vector.shape_cast %swap3A_581 : vector<1x16xf32> to vector<16xf32>
    %swap3A_583 = vector.shape_cast %broadcast_in_dim3A_0 : vector<16xf32> to vector<1x16xf32>
    tpu.vector_store %arg7[%swap3A_579, %swap3A_580], %swap3A_583 {strides = array<i32>} : memref<128x16xf32, #tpu.memory_space<vmem>>, vector<1x16xf32>,
    %swap3A_584 = arith.constant 48 : i32
    %swap3A_585 = arith.index_cast %swap3A_584 : i32 to index
    %swap3A_586 = arith.constant 0 : index
    %swap3A_587 = tpu.vector_load %arg8[%swap3A_585, %swap3A_586] {strides = array<i32>} : memref<128x16xf32, #tpu.memory_space<vmem>>, vector<1x16xf32>,
    %swap3A_588 = vector.shape_cast %swap3A_587 : vector<1x16xf32> to vector<16xf32>
    %swap3A_589 = vector.shape_cast %broadcast_in_dim3A_2 : vector<16xf32> to vector<1x16xf32>
    tpu.vector_store %arg8[%swap3A_585, %swap3A_586], %swap3A_589 {strides = array<i32>} : memref<128x16xf32, #tpu.memory_space<vmem>>, vector<1x16xf32>,
    %swap3A_590 = arith.constant 49 : i32
    %swap3A_591 = arith.index_cast %swap3A_590 : i32 to index
    %swap3A_592 = arith.constant 0 : index
    %swap3A_593 = tpu.vector_load %arg7[%swap3A_591, %swap3A_592] {strides = array<i32>} : memref<128x16xf32, #tpu.memory_space<vmem>>, vector<1x16xf32>,
    %swap3A_594 = vector.shape_cast %swap3A_593 : vector<1x16xf32> to vector<16xf32>
    %swap3A_595 = vector.shape_cast %broadcast_in_dim3A_0 : vector<16xf32> to vector<1x16xf32>
    tpu.vector_store %arg7[%swap3A_591, %swap3A_592], %swap3A_595 {strides = array<i32>} : memref<128x16xf32, #tpu.memory_space<vmem>>, vector<1x16xf32>,
    %swap3A_596 = arith.constant 49 : i32
    %swap3A_597 = arith.index_cast %swap3A_596 : i32 to index
    %swap3A_598 = arith.constant 0 : index
    %swap3A_599 = tpu.vector_load %arg8[%swap3A_597, %swap3A_598] {strides = array<i32>} : memref<128x16xf32, #tpu.memory_space<vmem>>, vector<1x16xf32>,
    %swap3A_600 = vector.shape_cast %swap3A_599 : vector<1x16xf32> to vector<16xf32>
    %swap3A_601 = vector.shape_cast %broadcast_in_dim3A_2 : vector<16xf32> to vector<1x16xf32>
    tpu.vector_store %arg8[%swap3A_597, %swap3A_598], %swap3A_601 {strides = array<i32>} : memref<128x16xf32, #tpu.memory_space<vmem>>, vector<1x16xf32>,
    %swap3A_602 = arith.constant 50 : i32
    %swap3A_603 = arith.index_cast %swap3A_602 : i32 to index
    %swap3A_604 = arith.constant 0 : index
    %swap3A_605 = tpu.vector_load %arg7[%swap3A_603, %swap3A_604] {strides = array<i32>} : memref<128x16xf32, #tpu.memory_space<vmem>>, vector<1x16xf32>,
    %swap3A_606 = vector.shape_cast %swap3A_605 : vector<1x16xf32> to vector<16xf32>
    %swap3A_607 = vector.shape_cast %broadcast_in_dim3A_0 : vector<16xf32> to vector<1x16xf32>
    tpu.vector_store %arg7[%swap3A_603, %swap3A_604], %swap3A_607 {strides = array<i32>} : memref<128x16xf32, #tpu.memory_space<vmem>>, vector<1x16xf32>,
    %swap3A_608 = arith.constant 50 : i32
    %swap3A_609 = arith.index_cast %swap3A_608 : i32 to index
    %swap3A_610 = arith.constant 0 : index
    %swap3A_611 = tpu.vector_load %arg8[%swap3A_609, %swap3A_610] {strides = array<i32>} : memref<128x16xf32, #tpu.memory_space<vmem>>, vector<1x16xf32>,
    %swap3A_612 = vector.shape_cast %swap3A_611 : vector<1x16xf32> to vector<16xf32>
    %swap3A_613 = vector.shape_cast %broadcast_in_dim3A_2 : vector<16xf32> to vector<1x16xf32>
    tpu.vector_store %arg8[%swap3A_609, %swap3A_610], %swap3A_613 {strides = array<i32>} : memref<128x16xf32, #tpu.memory_space<vmem>>, vector<1x16xf32>,
    %swap3A_614 = arith.constant 51 : i32
    %swap3A_615 = arith.index_cast %swap3A_614 : i32 to index
    %swap3A_616 = arith.constant 0 : index
    %swap3A_617 = tpu.vector_load %arg7[%swap3A_615, %swap3A_616] {strides = array<i32>} : memref<128x16xf32, #tpu.memory_space<vmem>>, vector<1x16xf32>,
    %swap3A_618 = vector.shape_cast %swap3A_617 : vector<1x16xf32> to vector<16xf32>
    %swap3A_619 = vector.shape_cast %broadcast_in_dim3A_0 : vector<16xf32> to vector<1x16xf32>
    tpu.vector_store %arg7[%swap3A_615, %swap3A_616], %swap3A_619 {strides = array<i32>} : memref<128x16xf32, #tpu.memory_space<vmem>>, vector<1x16xf32>,
    %swap3A_620 = arith.constant 51 : i32
    %swap3A_621 = arith.index_cast %swap3A_620 : i32 to index
    %swap3A_622 = arith.constant 0 : index
    %swap3A_623 = tpu.vector_load %arg8[%swap3A_621, %swap3A_622] {strides = array<i32>} : memref<128x16xf32, #tpu.memory_space<vmem>>, vector<1x16xf32>,
    %swap3A_624 = vector.shape_cast %swap3A_623 : vector<1x16xf32> to vector<16xf32>
    %swap3A_625 = vector.shape_cast %broadcast_in_dim3A_2 : vector<16xf32> to vector<1x16xf32>
    tpu.vector_store %arg8[%swap3A_621, %swap3A_622], %swap3A_625 {strides = array<i32>} : memref<128x16xf32, #tpu.memory_space<vmem>>, vector<1x16xf32>,
    %swap3A_626 = arith.constant 52 : i32
    %swap3A_627 = arith.index_cast %swap3A_626 : i32 to index
    %swap3A_628 = arith.constant 0 : index
    %swap3A_629 = tpu.vector_load %arg7[%swap3A_627, %swap3A_628] {strides = array<i32>} : memref<128x16xf32, #tpu.memory_space<vmem>>, vector<1x16xf32>,
    %swap3A_630 = vector.shape_cast %swap3A_629 : vector<1x16xf32> to vector<16xf32>
    %swap3A_631 = vector.shape_cast %broadcast_in_dim3A_0 : vector<16xf32> to vector<1x16xf32>
    tpu.vector_store %arg7[%swap3A_627, %swap3A_628], %swap3A_631 {strides = array<i32>} : memref<128x16xf32, #tpu.memory_space<vmem>>, vector<1x16xf32>,
    %swap3A_632 = arith.constant 52 : i32
    %swap3A_633 = arith.index_cast %swap3A_632 : i32 to index
    %swap3A_634 = arith.constant 0 : index
    %swap3A_635 = tpu.vector_load %arg8[%swap3A_633, %swap3A_634] {strides = array<i32>} : memref<128x16xf32, #tpu.memory_space<vmem>>, vector<1x16xf32>,
    %swap3A_636 = vector.shape_cast %swap3A_635 : vector<1x16xf32> to vector<16xf32>
    %swap3A_637 = vector.shape_cast %broadcast_in_dim3A_2 : vector<16xf32> to vector<1x16xf32>
    tpu.vector_store %arg8[%swap3A_633, %swap3A_634], %swap3A_637 {strides = array<i32>} : memref<128x16xf32, #tpu.memory_space<vmem>>, vector<1x16xf32>,
    %swap3A_638 = arith.constant 53 : i32
    %swap3A_639 = arith.index_cast %swap3A_638 : i32 to index
    %swap3A_640 = arith.constant 0 : index
    %swap3A_641 = tpu.vector_load %arg7[%swap3A_639, %swap3A_640] {strides = array<i32>} : memref<128x16xf32, #tpu.memory_space<vmem>>, vector<1x16xf32>,
    %swap3A_642 = vector.shape_cast %swap3A_641 : vector<1x16xf32> to vector<16xf32>
    %swap3A_643 = vector.shape_cast %broadcast_in_dim3A_0 : vector<16xf32> to vector<1x16xf32>
    tpu.vector_store %arg7[%swap3A_639, %swap3A_640], %swap3A_643 {strides = array<i32>} : memref<128x16xf32, #tpu.memory_space<vmem>>, vector<1x16xf32>,
    %swap3A_644 = arith.constant 53 : i32
    %swap3A_645 = arith.index_cast %swap3A_644 : i32 to index
    %swap3A_646 = arith.constant 0 : index
    %swap3A_647 = tpu.vector_load %arg8[%swap3A_645, %swap3A_646] {strides = array<i32>} : memref<128x16xf32, #tpu.memory_space<vmem>>, vector<1x16xf32>,
    %swap3A_648 = vector.shape_cast %swap3A_647 : vector<1x16xf32> to vector<16xf32>
    %swap3A_649 = vector.shape_cast %broadcast_in_dim3A_2 : vector<16xf32> to vector<1x16xf32>
    tpu.vector_store %arg8[%swap3A_645, %swap3A_646], %swap3A_649 {strides = array<i32>} : memref<128x16xf32, #tpu.memory_space<vmem>>, vector<1x16xf32>,
    %swap3A_650 = arith.constant 54 : i32
    %swap3A_651 = arith.index_cast %swap3A_650 : i32 to index
    %swap3A_652 = arith.constant 0 : index
    %swap3A_653 = tpu.vector_load %arg7[%swap3A_651, %swap3A_652] {strides = array<i32>} : memref<128x16xf32, #tpu.memory_space<vmem>>, vector<1x16xf32>,
    %swap3A_654 = vector.shape_cast %swap3A_653 : vector<1x16xf32> to vector<16xf32>
    %swap3A_655 = vector.shape_cast %broadcast_in_dim3A_0 : vector<16xf32> to vector<1x16xf32>
    tpu.vector_store %arg7[%swap3A_651, %swap3A_652], %swap3A_655 {strides = array<i32>} : memref<128x16xf32, #tpu.memory_space<vmem>>, vector<1x16xf32>,
    %swap3A_656 = arith.constant 54 : i32
    %swap3A_657 = arith.index_cast %swap3A_656 : i32 to index
    %swap3A_658 = arith.constant 0 : index
    %swap3A_659 = tpu.vector_load %arg8[%swap3A_657, %swap3A_658] {strides = array<i32>} : memref<128x16xf32, #tpu.memory_space<vmem>>, vector<1x16xf32>,
    %swap3A_660 = vector.shape_cast %swap3A_659 : vector<1x16xf32> to vector<16xf32>
    %swap3A_661 = vector.shape_cast %broadcast_in_dim3A_2 : vector<16xf32> to vector<1x16xf32>
    tpu.vector_store %arg8[%swap3A_657, %swap3A_658], %swap3A_661 {strides = array<i32>} : memref<128x16xf32, #tpu.memory_space<vmem>>, vector<1x16xf32>,
    %swap3A_662 = arith.constant 55 : i32
    %swap3A_663 = arith.index_cast %swap3A_662 : i32 to index
    %swap3A_664 = arith.constant 0 : index
    %swap3A_665 = tpu.vector_load %arg7[%swap3A_663, %swap3A_664] {strides = array<i32>} : memref<128x16xf32, #tpu.memory_space<vmem>>, vector<1x16xf32>,
    %swap3A_666 = vector.shape_cast %swap3A_665 : vector<1x16xf32> to vector<16xf32>
    %swap3A_667 = vector.shape_cast %broadcast_in_dim3A_0 : vector<16xf32> to vector<1x16xf32>
    tpu.vector_store %arg7[%swap3A_663, %swap3A_664], %swap3A_667 {strides = array<i32>} : memref<128x16xf32, #tpu.memory_space<vmem>>, vector<1x16xf32>,
    %swap3A_668 = arith.constant 55 : i32
    %swap3A_669 = arith.index_cast %swap3A_668 : i32 to index
    %swap3A_670 = arith.constant 0 : index
    %swap3A_671 = tpu.vector_load %arg8[%swap3A_669, %swap3A_670] {strides = array<i32>} : memref<128x16xf32, #tpu.memory_space<vmem>>, vector<1x16xf32>,
    %swap3A_672 = vector.shape_cast %swap3A_671 : vector<1x16xf32> to vector<16xf32>
    %swap3A_673 = vector.shape_cast %broadcast_in_dim3A_2 : vector<16xf32> to vector<1x16xf32>
    tpu.vector_store %arg8[%swap3A_669, %swap3A_670], %swap3A_673 {strides = array<i32>} : memref<128x16xf32, #tpu.memory_space<vmem>>, vector<1x16xf32>,
    %swap3A_674 = arith.constant 56 : i32
    %swap3A_675 = arith.index_cast %swap3A_674 : i32 to index
    %swap3A_676 = arith.constant 0 : index
    %swap3A_677 = tpu.vector_load %arg7[%swap3A_675, %swap3A_676] {strides = array<i32>} : memref<128x16xf32, #tpu.memory_space<vmem>>, vector<1x16xf32>,
    %swap3A_678 = vector.shape_cast %swap3A_677 : vector<1x16xf32> to vector<16xf32>
    %swap3A_679 = vector.shape_cast %broadcast_in_dim3A_0 : vector<16xf32> to vector<1x16xf32>
    tpu.vector_store %arg7[%swap3A_675, %swap3A_676], %swap3A_679 {strides = array<i32>} : memref<128x16xf32, #tpu.memory_space<vmem>>, vector<1x16xf32>,
    %swap3A_680 = arith.constant 56 : i32
    %swap3A_681 = arith.index_cast %swap3A_680 : i32 to index
    %swap3A_682 = arith.constant 0 : index
    %swap3A_683 = tpu.vector_load %arg8[%swap3A_681, %swap3A_682] {strides = array<i32>} : memref<128x16xf32, #tpu.memory_space<vmem>>, vector<1x16xf32>,
    %swap3A_684 = vector.shape_cast %swap3A_683 : vector<1x16xf32> to vector<16xf32>
    %swap3A_685 = vector.shape_cast %broadcast_in_dim3A_2 : vector<16xf32> to vector<1x16xf32>
    tpu.vector_store %arg8[%swap3A_681, %swap3A_682], %swap3A_685 {strides = array<i32>} : memref<128x16xf32, #tpu.memory_space<vmem>>, vector<1x16xf32>,
    %swap3A_686 = arith.constant 57 : i32
    %swap3A_687 = arith.index_cast %swap3A_686 : i32 to index
    %swap3A_688 = arith.constant 0 : index
    %swap3A_689 = tpu.vector_load %arg7[%swap3A_687, %swap3A_688] {strides = array<i32>} : memref<128x16xf32, #tpu.memory_space<vmem>>, vector<1x16xf32>,
    %swap3A_690 = vector.shape_cast %swap3A_689 : vector<1x16xf32> to vector<16xf32>
    %swap3A_691 = vector.shape_cast %broadcast_in_dim3A_0 : vector<16xf32> to vector<1x16xf32>
    tpu.vector_store %arg7[%swap3A_687, %swap3A_688], %swap3A_691 {strides = array<i32>} : memref<128x16xf32, #tpu.memory_space<vmem>>, vector<1x16xf32>,
    %swap3A_692 = arith.constant 57 : i32
    %swap3A_693 = arith.index_cast %swap3A_692 : i32 to index
    %swap3A_694 = arith.constant 0 : index
    %swap3A_695 = tpu.vector_load %arg8[%swap3A_693, %swap3A_694] {strides = array<i32>} : memref<128x16xf32, #tpu.memory_space<vmem>>, vector<1x16xf32>,
    %swap3A_696 = vector.shape_cast %swap3A_695 : vector<1x16xf32> to vector<16xf32>
    %swap3A_697 = vector.shape_cast %broadcast_in_dim3A_2 : vector<16xf32> to vector<1x16xf32>
    tpu.vector_store %arg8[%swap3A_693, %swap3A_694], %swap3A_697 {strides = array<i32>} : memref<128x16xf32, #tpu.memory_space<vmem>>, vector<1x16xf32>,
    %swap3A_698 = arith.constant 58 : i32
    %swap3A_699 = arith.index_cast %swap3A_698 : i32 to index
    %swap3A_700 = arith.constant 0 : index
    %swap3A_701 = tpu.vector_load %arg7[%swap3A_699, %swap3A_700] {strides = array<i32>} : memref<128x16xf32, #tpu.memory_space<vmem>>, vector<1x16xf32>,
    %swap3A_702 = vector.shape_cast %swap3A_701 : vector<1x16xf32> to vector<16xf32>
    %swap3A_703 = vector.shape_cast %broadcast_in_dim3A_0 : vector<16xf32> to vector<1x16xf32>
    tpu.vector_store %arg7[%swap3A_699, %swap3A_700], %swap3A_703 {strides = array<i32>} : memref<128x16xf32, #tpu.memory_space<vmem>>, vector<1x16xf32>,
    %swap3A_704 = arith.constant 58 : i32
    %swap3A_705 = arith.index_cast %swap3A_704 : i32 to index
    %swap3A_706 = arith.constant 0 : index
    %swap3A_707 = tpu.vector_load %arg8[%swap3A_705, %swap3A_706] {strides = array<i32>} : memref<128x16xf32, #tpu.memory_space<vmem>>, vector<1x16xf32>,
    %swap3A_708 = vector.shape_cast %swap3A_707 : vector<1x16xf32> to vector<16xf32>
    %swap3A_709 = vector.shape_cast %broadcast_in_dim3A_2 : vector<16xf32> to vector<1x16xf32>
    tpu.vector_store %arg8[%swap3A_705, %swap3A_706], %swap3A_709 {strides = array<i32>} : memref<128x16xf32, #tpu.memory_space<vmem>>, vector<1x16xf32>,
    %swap3A_710 = arith.constant 59 : i32
    %swap3A_711 = arith.index_cast %swap3A_710 : i32 to index
    %swap3A_712 = arith.constant 0 : index
    %swap3A_713 = tpu.vector_load %arg7[%swap3A_711, %swap3A_712] {strides = array<i32>} : memref<128x16xf32, #tpu.memory_space<vmem>>, vector<1x16xf32>,
    %swap3A_714 = vector.shape_cast %swap3A_713 : vector<1x16xf32> to vector<16xf32>
    %swap3A_715 = vector.shape_cast %broadcast_in_dim3A_0 : vector<16xf32> to vector<1x16xf32>
    tpu.vector_store %arg7[%swap3A_711, %swap3A_712], %swap3A_715 {strides = array<i32>} : memref<128x16xf32, #tpu.memory_space<vmem>>, vector<1x16xf32>,
    %swap3A_716 = arith.constant 59 : i32
    %swap3A_717 = arith.index_cast %swap3A_716 : i32 to index
    %swap3A_718 = arith.constant 0 : index
    %swap3A_719 = tpu.vector_load %arg8[%swap3A_717, %swap3A_718] {strides = array<i32>} : memref<128x16xf32, #tpu.memory_space<vmem>>, vector<1x16xf32>,
    %swap3A_720 = vector.shape_cast %swap3A_719 : vector<1x16xf32> to vector<16xf32>
    %swap3A_721 = vector.shape_cast %broadcast_in_dim3A_2 : vector<16xf32> to vector<1x16xf32>
    tpu.vector_store %arg8[%swap3A_717, %swap3A_718], %swap3A_721 {strides = array<i32>} : memref<128x16xf32, #tpu.memory_space<vmem>>, vector<1x16xf32>,
    %swap3A_722 = arith.constant 60 : i32
    %swap3A_723 = arith.index_cast %swap3A_722 : i32 to index
    %swap3A_724 = arith.constant 0 : index
    %swap3A_725 = tpu.vector_load %arg7[%swap3A_723, %swap3A_724] {strides = array<i32>} : memref<128x16xf32, #tpu.memory_space<vmem>>, vector<1x16xf32>,
    %swap3A_726 = vector.shape_cast %swap3A_725 : vector<1x16xf32> to vector<16xf32>
    %swap3A_727 = vector.shape_cast %broadcast_in_dim3A_0 : vector<16xf32> to vector<1x16xf32>
    tpu.vector_store %arg7[%swap3A_723, %swap3A_724], %swap3A_727 {strides = array<i32>} : memref<128x16xf32, #tpu.memory_space<vmem>>, vector<1x16xf32>,
    %swap3A_728 = arith.constant 60 : i32
    %swap3A_729 = arith.index_cast %swap3A_728 : i32 to index
    %swap3A_730 = arith.constant 0 : index
    %swap3A_731 = tpu.vector_load %arg8[%swap3A_729, %swap3A_730] {strides = array<i32>} : memref<128x16xf32, #tpu.memory_space<vmem>>, vector<1x16xf32>,
    %swap3A_732 = vector.shape_cast %swap3A_731 : vector<1x16xf32> to vector<16xf32>
    %swap3A_733 = vector.shape_cast %broadcast_in_dim3A_2 : vector<16xf32> to vector<1x16xf32>
    tpu.vector_store %arg8[%swap3A_729, %swap3A_730], %swap3A_733 {strides = array<i32>} : memref<128x16xf32, #tpu.memory_space<vmem>>, vector<1x16xf32>,
    %swap3A_734 = arith.constant 61 : i32
    %swap3A_735 = arith.index_cast %swap3A_734 : i32 to index
    %swap3A_736 = arith.constant 0 : index
    %swap3A_737 = tpu.vector_load %arg7[%swap3A_735, %swap3A_736] {strides = array<i32>} : memref<128x16xf32, #tpu.memory_space<vmem>>, vector<1x16xf32>,
    %swap3A_738 = vector.shape_cast %swap3A_737 : vector<1x16xf32> to vector<16xf32>
    %swap3A_739 = vector.shape_cast %broadcast_in_dim3A_0 : vector<16xf32> to vector<1x16xf32>
    tpu.vector_store %arg7[%swap3A_735, %swap3A_736], %swap3A_739 {strides = array<i32>} : memref<128x16xf32, #tpu.memory_space<vmem>>, vector<1x16xf32>,
    %swap3A_740 = arith.constant 61 : i32
    %swap3A_741 = arith.index_cast %swap3A_740 : i32 to index
    %swap3A_742 = arith.constant 0 : index
    %swap3A_743 = tpu.vector_load %arg8[%swap3A_741, %swap3A_742] {strides = array<i32>} : memref<128x16xf32, #tpu.memory_space<vmem>>, vector<1x16xf32>,
    %swap3A_744 = vector.shape_cast %swap3A_743 : vector<1x16xf32> to vector<16xf32>
    %swap3A_745 = vector.shape_cast %broadcast_in_dim3A_2 : vector<16xf32> to vector<1x16xf32>
    tpu.vector_store %arg8[%swap3A_741, %swap3A_742], %swap3A_745 {strides = array<i32>} : memref<128x16xf32, #tpu.memory_space<vmem>>, vector<1x16xf32>,
    %swap3A_746 = arith.constant 62 : i32
    %swap3A_747 = arith.index_cast %swap3A_746 : i32 to index
    %swap3A_748 = arith.constant 0 : index
    %swap3A_749 = tpu.vector_load %arg7[%swap3A_747, %swap3A_748] {strides = array<i32>} : memref<128x16xf32, #tpu.memory_space<vmem>>, vector<1x16xf32>,
    %swap3A_750 = vector.shape_cast %swap3A_749 : vector<1x16xf32> to vector<16xf32>
    %swap3A_751 = vector.shape_cast %broadcast_in_dim3A_0 : vector<16xf32> to vector<1x16xf32>
    tpu.vector_store %arg7[%swap3A_747, %swap3A_748], %swap3A_751 {strides = array<i32>} : memref<128x16xf32, #tpu.memory_space<vmem>>, vector<1x16xf32>,
    %swap3A_752 = arith.constant 62 : i32
    %swap3A_753 = arith.index_cast %swap3A_752 : i32 to index
    %swap3A_754 = arith.constant 0 : index
    %swap3A_755 = tpu.vector_load %arg8[%swap3A_753, %swap3A_754] {strides = array<i32>} : memref<128x16xf32, #tpu.memory_space<vmem>>, vector<1x16xf32>,
    %swap3A_756 = vector.shape_cast %swap3A_755 : vector<1x16xf32> to vector<16xf32>
    %swap3A_757 = vector.shape_cast %broadcast_in_dim3A_2 : vector<16xf32> to vector<1x16xf32>
    tpu.vector_store %arg8[%swap3A_753, %swap3A_754], %swap3A_757 {strides = array<i32>} : memref<128x16xf32, #tpu.memory_space<vmem>>, vector<1x16xf32>,
    %swap3A_758 = arith.constant 63 : i32
    %swap3A_759 = arith.index_cast %swap3A_758 : i32 to index
    %swap3A_760 = arith.constant 0 : index
    %swap3A_761 = tpu.vector_load %arg7[%swap3A_759, %swap3A_760] {strides = array<i32>} : memref<128x16xf32, #tpu.memory_space<vmem>>, vector<1x16xf32>,
    %swap3A_762 = vector.shape_cast %swap3A_761 : vector<1x16xf32> to vector<16xf32>
    %swap3A_763 = vector.shape_cast %broadcast_in_dim3A_0 : vector<16xf32> to vector<1x16xf32>
    tpu.vector_store %arg7[%swap3A_759, %swap3A_760], %swap3A_763 {strides = array<i32>} : memref<128x16xf32, #tpu.memory_space<vmem>>, vector<1x16xf32>,
    %swap3A_764 = arith.constant 63 : i32
    %swap3A_765 = arith.index_cast %swap3A_764 : i32 to index
    %swap3A_766 = arith.constant 0 : index
    %swap3A_767 = tpu.vector_load %arg8[%swap3A_765, %swap3A_766] {strides = array<i32>} : memref<128x16xf32, #tpu.memory_space<vmem>>, vector<1x16xf32>,
    %swap3A_768 = vector.shape_cast %swap3A_767 : vector<1x16xf32> to vector<16xf32>
    %swap3A_769 = vector.shape_cast %broadcast_in_dim3A_2 : vector<16xf32> to vector<1x16xf32>
    tpu.vector_store %arg8[%swap3A_765, %swap3A_766], %swap3A_769 {strides = array<i32>} : memref<128x16xf32, #tpu.memory_space<vmem>>, vector<1x16xf32>,
    %swap3A_770 = arith.constant 64 : i32
    %swap3A_771 = arith.index_cast %swap3A_770 : i32 to index
    %swap3A_772 = arith.constant 0 : index
    %swap3A_773 = tpu.vector_load %arg7[%swap3A_771, %swap3A_772] {strides = array<i32>} : memref<128x16xf32, #tpu.memory_space<vmem>>, vector<1x16xf32>,
    %swap3A_774 = vector.shape_cast %swap3A_773 : vector<1x16xf32> to vector<16xf32>
    %swap3A_775 = vector.shape_cast %broadcast_in_dim3A_0 : vector<16xf32> to vector<1x16xf32>
    tpu.vector_store %arg7[%swap3A_771, %swap3A_772], %swap3A_775 {strides = array<i32>} : memref<128x16xf32, #tpu.memory_space<vmem>>, vector<1x16xf32>,
    %swap3A_776 = arith.constant 64 : i32
    %swap3A_777 = arith.index_cast %swap3A_776 : i32 to index
    %swap3A_778 = arith.constant 0 : index
    %swap3A_779 = tpu.vector_load %arg8[%swap3A_777, %swap3A_778] {strides = array<i32>} : memref<128x16xf32, #tpu.memory_space<vmem>>, vector<1x16xf32>,
    %swap3A_780 = vector.shape_cast %swap3A_779 : vector<1x16xf32> to vector<16xf32>
    %swap3A_781 = vector.shape_cast %broadcast_in_dim3A_2 : vector<16xf32> to vector<1x16xf32>
    tpu.vector_store %arg8[%swap3A_777, %swap3A_778], %swap3A_781 {strides = array<i32>} : memref<128x16xf32, #tpu.memory_space<vmem>>, vector<1x16xf32>,
    %swap3A_782 = arith.constant 65 : i32
    %swap3A_783 = arith.index_cast %swap3A_782 : i32 to index
    %swap3A_784 = arith.constant 0 : index
    %swap3A_785 = tpu.vector_load %arg7[%swap3A_783, %swap3A_784] {strides = array<i32>} : memref<128x16xf32, #tpu.memory_space<vmem>>, vector<1x16xf32>,
    %swap3A_786 = vector.shape_cast %swap3A_785 : vector<1x16xf32> to vector<16xf32>
    %swap3A_787 = vector.shape_cast %broadcast_in_dim3A_0 : vector<16xf32> to vector<1x16xf32>
    tpu.vector_store %arg7[%swap3A_783, %swap3A_784], %swap3A_787 {strides = array<i32>} : memref<128x16xf32, #tpu.memory_space<vmem>>, vector<1x16xf32>,
    %swap3A_788 = arith.constant 65 : i32
    %swap3A_789 = arith.index_cast %swap3A_788 : i32 to index
    %swap3A_790 = arith.constant 0 : index
    %swap3A_791 = tpu.vector_load %arg8[%swap3A_789, %swap3A_790] {strides = array<i32>} : memref<128x16xf32, #tpu.memory_space<vmem>>, vector<1x16xf32>,
    %swap3A_792 = vector.shape_cast %swap3A_791 : vector<1x16xf32> to vector<16xf32>
    %swap3A_793 = vector.shape_cast %broadcast_in_dim3A_2 : vector<16xf32> to vector<1x16xf32>
    tpu.vector_store %arg8[%swap3A_789, %swap3A_790], %swap3A_793 {strides = array<i32>} : memref<128x16xf32, #tpu.memory_space<vmem>>, vector<1x16xf32>,
    %swap3A_794 = arith.constant 66 : i32
    %swap3A_795 = arith.index_cast %swap3A_794 : i32 to index
    %swap3A_796 = arith.constant 0 : index
    %swap3A_797 = tpu.vector_load %arg7[%swap3A_795, %swap3A_796] {strides = array<i32>} : memref<128x16xf32, #tpu.memory_space<vmem>>, vector<1x16xf32>,
    %swap3A_798 = vector.shape_cast %swap3A_797 : vector<1x16xf32> to vector<16xf32>
    %swap3A_799 = vector.shape_cast %broadcast_in_dim3A_0 : vector<16xf32> to vector<1x16xf32>
    tpu.vector_store %arg7[%swap3A_795, %swap3A_796], %swap3A_799 {strides = array<i32>} : memref<128x16xf32, #tpu.memory_space<vmem>>, vector<1x16xf32>,
    %swap3A_800 = arith.constant 66 : i32
    %swap3A_801 = arith.index_cast %swap3A_800 : i32 to index
    %swap3A_802 = arith.constant 0 : index
    %swap3A_803 = tpu.vector_load %arg8[%swap3A_801, %swap3A_802] {strides = array<i32>} : memref<128x16xf32, #tpu.memory_space<vmem>>, vector<1x16xf32>,
    %swap3A_804 = vector.shape_cast %swap3A_803 : vector<1x16xf32> to vector<16xf32>
    %swap3A_805 = vector.shape_cast %broadcast_in_dim3A_2 : vector<16xf32> to vector<1x16xf32>
    tpu.vector_store %arg8[%swap3A_801, %swap3A_802], %swap3A_805 {strides = array<i32>} : memref<128x16xf32, #tpu.memory_space<vmem>>, vector<1x16xf32>,
    %swap3A_806 = arith.constant 67 : i32
    %swap3A_807 = arith.index_cast %swap3A_806 : i32 to index
    %swap3A_808 = arith.constant 0 : index
    %swap3A_809 = tpu.vector_load %arg7[%swap3A_807, %swap3A_808] {strides = array<i32>} : memref<128x16xf32, #tpu.memory_space<vmem>>, vector<1x16xf32>,
    %swap3A_810 = vector.shape_cast %swap3A_809 : vector<1x16xf32> to vector<16xf32>
    %swap3A_811 = vector.shape_cast %broadcast_in_dim3A_0 : vector<16xf32> to vector<1x16xf32>
    tpu.vector_store %arg7[%swap3A_807, %swap3A_808], %swap3A_811 {strides = array<i32>} : memref<128x16xf32, #tpu.memory_space<vmem>>, vector<1x16xf32>,
    %swap3A_812 = arith.constant 67 : i32
    %swap3A_813 = arith.index_cast %swap3A_812 : i32 to index
    %swap3A_814 = arith.constant 0 : index
    %swap3A_815 = tpu.vector_load %arg8[%swap3A_813, %swap3A_814] {strides = array<i32>} : memref<128x16xf32, #tpu.memory_space<vmem>>, vector<1x16xf32>,
    %swap3A_816 = vector.shape_cast %swap3A_815 : vector<1x16xf32> to vector<16xf32>
    %swap3A_817 = vector.shape_cast %broadcast_in_dim3A_2 : vector<16xf32> to vector<1x16xf32>
    tpu.vector_store %arg8[%swap3A_813, %swap3A_814], %swap3A_817 {strides = array<i32>} : memref<128x16xf32, #tpu.memory_space<vmem>>, vector<1x16xf32>,
    %swap3A_818 = arith.constant 68 : i32
    %swap3A_819 = arith.index_cast %swap3A_818 : i32 to index
    %swap3A_820 = arith.constant 0 : index
    %swap3A_821 = tpu.vector_load %arg7[%swap3A_819, %swap3A_820] {strides = array<i32>} : memref<128x16xf32, #tpu.memory_space<vmem>>, vector<1x16xf32>,
    %swap3A_822 = vector.shape_cast %swap3A_821 : vector<1x16xf32> to vector<16xf32>
    %swap3A_823 = vector.shape_cast %broadcast_in_dim3A_0 : vector<16xf32> to vector<1x16xf32>
    tpu.vector_store %arg7[%swap3A_819, %swap3A_820], %swap3A_823 {strides = array<i32>} : memref<128x16xf32, #tpu.memory_space<vmem>>, vector<1x16xf32>,
    %swap3A_824 = arith.constant 68 : i32
    %swap3A_825 = arith.index_cast %swap3A_824 : i32 to index
    %swap3A_826 = arith.constant 0 : index
    %swap3A_827 = tpu.vector_load %arg8[%swap3A_825, %swap3A_826] {strides = array<i32>} : memref<128x16xf32, #tpu.memory_space<vmem>>, vector<1x16xf32>,
    %swap3A_828 = vector.shape_cast %swap3A_827 : vector<1x16xf32> to vector<16xf32>
    %swap3A_829 = vector.shape_cast %broadcast_in_dim3A_2 : vector<16xf32> to vector<1x16xf32>
    tpu.vector_store %arg8[%swap3A_825, %swap3A_826], %swap3A_829 {strides = array<i32>} : memref<128x16xf32, #tpu.memory_space<vmem>>, vector<1x16xf32>,
    %swap3A_830 = arith.constant 69 : i32
    %swap3A_831 = arith.index_cast %swap3A_830 : i32 to index
    %swap3A_832 = arith.constant 0 : index
    %swap3A_833 = tpu.vector_load %arg7[%swap3A_831, %swap3A_832] {strides = array<i32>} : memref<128x16xf32, #tpu.memory_space<vmem>>, vector<1x16xf32>,
    %swap3A_834 = vector.shape_cast %swap3A_833 : vector<1x16xf32> to vector<16xf32>
    %swap3A_835 = vector.shape_cast %broadcast_in_dim3A_0 : vector<16xf32> to vector<1x16xf32>
    tpu.vector_store %arg7[%swap3A_831, %swap3A_832], %swap3A_835 {strides = array<i32>} : memref<128x16xf32, #tpu.memory_space<vmem>>, vector<1x16xf32>,
    %swap3A_836 = arith.constant 69 : i32
    %swap3A_837 = arith.index_cast %swap3A_836 : i32 to index
    %swap3A_838 = arith.constant 0 : index
    %swap3A_839 = tpu.vector_load %arg8[%swap3A_837, %swap3A_838] {strides = array<i32>} : memref<128x16xf32, #tpu.memory_space<vmem>>, vector<1x16xf32>,
    %swap3A_840 = vector.shape_cast %swap3A_839 : vector<1x16xf32> to vector<16xf32>
    %swap3A_841 = vector.shape_cast %broadcast_in_dim3A_2 : vector<16xf32> to vector<1x16xf32>
    tpu.vector_store %arg8[%swap3A_837, %swap3A_838], %swap3A_841 {strides = array<i32>} : memref<128x16xf32, #tpu.memory_space<vmem>>, vector<1x16xf32>,
    %swap3A_842 = arith.constant 70 : i32
    %swap3A_843 = arith.index_cast %swap3A_842 : i32 to index
    %swap3A_844 = arith.constant 0 : index
    %swap3A_845 = tpu.vector_load %arg7[%swap3A_843, %swap3A_844] {strides = array<i32>} : memref<128x16xf32, #tpu.memory_space<vmem>>, vector<1x16xf32>,
    %swap3A_846 = vector.shape_cast %swap3A_845 : vector<1x16xf32> to vector<16xf32>
    %swap3A_847 = vector.shape_cast %broadcast_in_dim3A_0 : vector<16xf32> to vector<1x16xf32>
    tpu.vector_store %arg7[%swap3A_843, %swap3A_844], %swap3A_847 {strides = array<i32>} : memref<128x16xf32, #tpu.memory_space<vmem>>, vector<1x16xf32>,
    %swap3A_848 = arith.constant 70 : i32
    %swap3A_849 = arith.index_cast %swap3A_848 : i32 to index
    %swap3A_850 = arith.constant 0 : index
    %swap3A_851 = tpu.vector_load %arg8[%swap3A_849, %swap3A_850] {strides = array<i32>} : memref<128x16xf32, #tpu.memory_space<vmem>>, vector<1x16xf32>,
    %swap3A_852 = vector.shape_cast %swap3A_851 : vector<1x16xf32> to vector<16xf32>
    %swap3A_853 = vector.shape_cast %broadcast_in_dim3A_2 : vector<16xf32> to vector<1x16xf32>
    tpu.vector_store %arg8[%swap3A_849, %swap3A_850], %swap3A_853 {strides = array<i32>} : memref<128x16xf32, #tpu.memory_space<vmem>>, vector<1x16xf32>,
    %swap3A_854 = arith.constant 71 : i32
    %swap3A_855 = arith.index_cast %swap3A_854 : i32 to index
    %swap3A_856 = arith.constant 0 : index
    %swap3A_857 = tpu.vector_load %arg7[%swap3A_855, %swap3A_856] {strides = array<i32>} : memref<128x16xf32, #tpu.memory_space<vmem>>, vector<1x16xf32>,
    %swap3A_858 = vector.shape_cast %swap3A_857 : vector<1x16xf32> to vector<16xf32>
    %swap3A_859 = vector.shape_cast %broadcast_in_dim3A_0 : vector<16xf32> to vector<1x16xf32>
    tpu.vector_store %arg7[%swap3A_855, %swap3A_856], %swap3A_859 {strides = array<i32>} : memref<128x16xf32, #tpu.memory_space<vmem>>, vector<1x16xf32>,
    %swap3A_860 = arith.constant 71 : i32
    %swap3A_861 = arith.index_cast %swap3A_860 : i32 to index
    %swap3A_862 = arith.constant 0 : index
    %swap3A_863 = tpu.vector_load %arg8[%swap3A_861, %swap3A_862] {strides = array<i32>} : memref<128x16xf32, #tpu.memory_space<vmem>>, vector<1x16xf32>,
    %swap3A_864 = vector.shape_cast %swap3A_863 : vector<1x16xf32> to vector<16xf32>
    %swap3A_865 = vector.shape_cast %broadcast_in_dim3A_2 : vector<16xf32> to vector<1x16xf32>
    tpu.vector_store %arg8[%swap3A_861, %swap3A_862], %swap3A_865 {strides = array<i32>} : memref<128x16xf32, #tpu.memory_space<vmem>>, vector<1x16xf32>,
    %swap3A_866 = arith.constant 72 : i32
    %swap3A_867 = arith.index_cast %swap3A_866 : i32 to index
    %swap3A_868 = arith.constant 0 : index
    %swap3A_869 = tpu.vector_load %arg7[%swap3A_867, %swap3A_868] {strides = array<i32>} : memref<128x16xf32, #tpu.memory_space<vmem>>, vector<1x16xf32>,
    %swap3A_870 = vector.shape_cast %swap3A_869 : vector<1x16xf32> to vector<16xf32>
    %swap3A_871 = vector.shape_cast %broadcast_in_dim3A_0 : vector<16xf32> to vector<1x16xf32>
    tpu.vector_store %arg7[%swap3A_867, %swap3A_868], %swap3A_871 {strides = array<i32>} : memref<128x16xf32, #tpu.memory_space<vmem>>, vector<1x16xf32>,
    %swap3A_872 = arith.constant 72 : i32
    %swap3A_873 = arith.index_cast %swap3A_872 : i32 to index
    %swap3A_874 = arith.constant 0 : index
    %swap3A_875 = tpu.vector_load %arg8[%swap3A_873, %swap3A_874] {strides = array<i32>} : memref<128x16xf32, #tpu.memory_space<vmem>>, vector<1x16xf32>,
    %swap3A_876 = vector.shape_cast %swap3A_875 : vector<1x16xf32> to vector<16xf32>
    %swap3A_877 = vector.shape_cast %broadcast_in_dim3A_2 : vector<16xf32> to vector<1x16xf32>
    tpu.vector_store %arg8[%swap3A_873, %swap3A_874], %swap3A_877 {strides = array<i32>} : memref<128x16xf32, #tpu.memory_space<vmem>>, vector<1x16xf32>,
    %swap3A_878 = arith.constant 73 : i32
    %swap3A_879 = arith.index_cast %swap3A_878 : i32 to index
    %swap3A_880 = arith.constant 0 : index
    %swap3A_881 = tpu.vector_load %arg7[%swap3A_879, %swap3A_880] {strides = array<i32>} : memref<128x16xf32, #tpu.memory_space<vmem>>, vector<1x16xf32>,
    %swap3A_882 = vector.shape_cast %swap3A_881 : vector<1x16xf32> to vector<16xf32>
    %swap3A_883 = vector.shape_cast %broadcast_in_dim3A_0 : vector<16xf32> to vector<1x16xf32>
    tpu.vector_store %arg7[%swap3A_879, %swap3A_880], %swap3A_883 {strides = array<i32>} : memref<128x16xf32, #tpu.memory_space<vmem>>, vector<1x16xf32>,
    %swap3A_884 = arith.constant 73 : i32
    %swap3A_885 = arith.index_cast %swap3A_884 : i32 to index
    %swap3A_886 = arith.constant 0 : index
    %swap3A_887 = tpu.vector_load %arg8[%swap3A_885, %swap3A_886] {strides = array<i32>} : memref<128x16xf32, #tpu.memory_space<vmem>>, vector<1x16xf32>,
    %swap3A_888 = vector.shape_cast %swap3A_887 : vector<1x16xf32> to vector<16xf32>
    %swap3A_889 = vector.shape_cast %broadcast_in_dim3A_2 : vector<16xf32> to vector<1x16xf32>
    tpu.vector_store %arg8[%swap3A_885, %swap3A_886], %swap3A_889 {strides = array<i32>} : memref<128x16xf32, #tpu.memory_space<vmem>>, vector<1x16xf32>,
    %swap3A_890 = arith.constant 74 : i32
    %swap3A_891 = arith.index_cast %swap3A_890 : i32 to index
    %swap3A_892 = arith.constant 0 : index
    %swap3A_893 = tpu.vector_load %arg7[%swap3A_891, %swap3A_892] {strides = array<i32>} : memref<128x16xf32, #tpu.memory_space<vmem>>, vector<1x16xf32>,
    %swap3A_894 = vector.shape_cast %swap3A_893 : vector<1x16xf32> to vector<16xf32>
    %swap3A_895 = vector.shape_cast %broadcast_in_dim3A_0 : vector<16xf32> to vector<1x16xf32>
    tpu.vector_store %arg7[%swap3A_891, %swap3A_892], %swap3A_895 {strides = array<i32>} : memref<128x16xf32, #tpu.memory_space<vmem>>, vector<1x16xf32>,
    %swap3A_896 = arith.constant 74 : i32
    %swap3A_897 = arith.index_cast %swap3A_896 : i32 to index
    %swap3A_898 = arith.constant 0 : index
    %swap3A_899 = tpu.vector_load %arg8[%swap3A_897, %swap3A_898] {strides = array<i32>} : memref<128x16xf32, #tpu.memory_space<vmem>>, vector<1x16xf32>,
    %swap3A_900 = vector.shape_cast %swap3A_899 : vector<1x16xf32> to vector<16xf32>
    %swap3A_901 = vector.shape_cast %broadcast_in_dim3A_2 : vector<16xf32> to vector<1x16xf32>
    tpu.vector_store %arg8[%swap3A_897, %swap3A_898], %swap3A_901 {strides = array<i32>} : memref<128x16xf32, #tpu.memory_space<vmem>>, vector<1x16xf32>,
    %swap3A_902 = arith.constant 75 : i32
    %swap3A_903 = arith.index_cast %swap3A_902 : i32 to index
    %swap3A_904 = arith.constant 0 : index
    %swap3A_905 = tpu.vector_load %arg7[%swap3A_903, %swap3A_904] {strides = array<i32>} : memref<128x16xf32, #tpu.memory_space<vmem>>, vector<1x16xf32>,
    %swap3A_906 = vector.shape_cast %swap3A_905 : vector<1x16xf32> to vector<16xf32>
    %swap3A_907 = vector.shape_cast %broadcast_in_dim3A_0 : vector<16xf32> to vector<1x16xf32>
    tpu.vector_store %arg7[%swap3A_903, %swap3A_904], %swap3A_907 {strides = array<i32>} : memref<128x16xf32, #tpu.memory_space<vmem>>, vector<1x16xf32>,
    %swap3A_908 = arith.constant 75 : i32
    %swap3A_909 = arith.index_cast %swap3A_908 : i32 to index
    %swap3A_910 = arith.constant 0 : index
    %swap3A_911 = tpu.vector_load %arg8[%swap3A_909, %swap3A_910] {strides = array<i32>} : memref<128x16xf32, #tpu.memory_space<vmem>>, vector<1x16xf32>,
    %swap3A_912 = vector.shape_cast %swap3A_911 : vector<1x16xf32> to vector<16xf32>
    %swap3A_913 = vector.shape_cast %broadcast_in_dim3A_2 : vector<16xf32> to vector<1x16xf32>
    tpu.vector_store %arg8[%swap3A_909, %swap3A_910], %swap3A_913 {strides = array<i32>} : memref<128x16xf32, #tpu.memory_space<vmem>>, vector<1x16xf32>,
    %swap3A_914 = arith.constant 76 : i32
    %swap3A_915 = arith.index_cast %swap3A_914 : i32 to index
    %swap3A_916 = arith.constant 0 : index
    %swap3A_917 = tpu.vector_load %arg7[%swap3A_915, %swap3A_916] {strides = array<i32>} : memref<128x16xf32, #tpu.memory_space<vmem>>, vector<1x16xf32>,
    %swap3A_918 = vector.shape_cast %swap3A_917 : vector<1x16xf32> to vector<16xf32>
    %swap3A_919 = vector.shape_cast %broadcast_in_dim3A_0 : vector<16xf32> to vector<1x16xf32>
    tpu.vector_store %arg7[%swap3A_915, %swap3A_916], %swap3A_919 {strides = array<i32>} : memref<128x16xf32, #tpu.memory_space<vmem>>, vector<1x16xf32>,
    %swap3A_920 = arith.constant 76 : i32
    %swap3A_921 = arith.index_cast %swap3A_920 : i32 to index
    %swap3A_922 = arith.constant 0 : index
    %swap3A_923 = tpu.vector_load %arg8[%swap3A_921, %swap3A_922] {strides = array<i32>} : memref<128x16xf32, #tpu.memory_space<vmem>>, vector<1x16xf32>,
    %swap3A_924 = vector.shape_cast %swap3A_923 : vector<1x16xf32> to vector<16xf32>
    %swap3A_925 = vector.shape_cast %broadcast_in_dim3A_2 : vector<16xf32> to vector<1x16xf32>
    tpu.vector_store %arg8[%swap3A_921, %swap3A_922], %swap3A_925 {strides = array<i32>} : memref<128x16xf32, #tpu.memory_space<vmem>>, vector<1x16xf32>,
    %swap3A_926 = arith.constant 77 : i32
    %swap3A_927 = arith.index_cast %swap3A_926 : i32 to index
    %swap3A_928 = arith.constant 0 : index
    %swap3A_929 = tpu.vector_load %arg7[%swap3A_927, %swap3A_928] {strides = array<i32>} : memref<128x16xf32, #tpu.memory_space<vmem>>, vector<1x16xf32>,
    %swap3A_930 = vector.shape_cast %swap3A_929 : vector<1x16xf32> to vector<16xf32>
    %swap3A_931 = vector.shape_cast %broadcast_in_dim3A_0 : vector<16xf32> to vector<1x16xf32>
    tpu.vector_store %arg7[%swap3A_927, %swap3A_928], %swap3A_931 {strides = array<i32>} : memref<128x16xf32, #tpu.memory_space<vmem>>, vector<1x16xf32>,
    %swap3A_932 = arith.constant 77 : i32
    %swap3A_933 = arith.index_cast %swap3A_932 : i32 to index
    %swap3A_934 = arith.constant 0 : index
    %swap3A_935 = tpu.vector_load %arg8[%swap3A_933, %swap3A_934] {strides = array<i32>} : memref<128x16xf32, #tpu.memory_space<vmem>>, vector<1x16xf32>,
    %swap3A_936 = vector.shape_cast %swap3A_935 : vector<1x16xf32> to vector<16xf32>
    %swap3A_937 = vector.shape_cast %broadcast_in_dim3A_2 : vector<16xf32> to vector<1x16xf32>
    tpu.vector_store %arg8[%swap3A_933, %swap3A_934], %swap3A_937 {strides = array<i32>} : memref<128x16xf32, #tpu.memory_space<vmem>>, vector<1x16xf32>,
    %swap3A_938 = arith.constant 78 : i32
    %swap3A_939 = arith.index_cast %swap3A_938 : i32 to index
    %swap3A_940 = arith.constant 0 : index
    %swap3A_941 = tpu.vector_load %arg7[%swap3A_939, %swap3A_940] {strides = array<i32>} : memref<128x16xf32, #tpu.memory_space<vmem>>, vector<1x16xf32>,
    %swap3A_942 = vector.shape_cast %swap3A_941 : vector<1x16xf32> to vector<16xf32>
    %swap3A_943 = vector.shape_cast %broadcast_in_dim3A_0 : vector<16xf32> to vector<1x16xf32>
    tpu.vector_store %arg7[%swap3A_939, %swap3A_940], %swap3A_943 {strides = array<i32>} : memref<128x16xf32, #tpu.memory_space<vmem>>, vector<1x16xf32>,
    %swap3A_944 = arith.constant 78 : i32
    %swap3A_945 = arith.index_cast %swap3A_944 : i32 to index
    %swap3A_946 = arith.constant 0 : index
    %swap3A_947 = tpu.vector_load %arg8[%swap3A_945, %swap3A_946] {strides = array<i32>} : memref<128x16xf32, #tpu.memory_space<vmem>>, vector<1x16xf32>,
    %swap3A_948 = vector.shape_cast %swap3A_947 : vector<1x16xf32> to vector<16xf32>
    %swap3A_949 = vector.shape_cast %broadcast_in_dim3A_2 : vector<16xf32> to vector<1x16xf32>
    tpu.vector_store %arg8[%swap3A_945, %swap3A_946], %swap3A_949 {strides = array<i32>} : memref<128x16xf32, #tpu.memory_space<vmem>>, vector<1x16xf32>,
    %swap3A_950 = arith.constant 79 : i32
    %swap3A_951 = arith.index_cast %swap3A_950 : i32 to index
    %swap3A_952 = arith.constant 0 : index
    %swap3A_953 = tpu.vector_load %arg7[%swap3A_951, %swap3A_952] {strides = array<i32>} : memref<128x16xf32, #tpu.memory_space<vmem>>, vector<1x16xf32>,
    %swap3A_954 = vector.shape_cast %swap3A_953 : vector<1x16xf32> to vector<16xf32>
    %swap3A_955 = vector.shape_cast %broadcast_in_dim3A_0 : vector<16xf32> to vector<1x16xf32>
    tpu.vector_store %arg7[%swap3A_951, %swap3A_952], %swap3A_955 {strides = array<i32>} : memref<128x16xf32, #tpu.memory_space<vmem>>, vector<1x16xf32>,
    %swap3A_956 = arith.constant 79 : i32
    %swap3A_957 = arith.index_cast %swap3A_956 : i32 to index
    %swap3A_958 = arith.constant 0 : index
    %swap3A_959 = tpu.vector_load %arg8[%swap3A_957, %swap3A_958] {strides = array<i32>} : memref<128x16xf32, #tpu.memory_space<vmem>>, vector<1x16xf32>,
    %swap3A_960 = vector.shape_cast %swap3A_959 : vector<1x16xf32> to vector<16xf32>
    %swap3A_961 = vector.shape_cast %broadcast_in_dim3A_2 : vector<16xf32> to vector<1x16xf32>
    tpu.vector_store %arg8[%swap3A_957, %swap3A_958], %swap3A_961 {strides = array<i32>} : memref<128x16xf32, #tpu.memory_space<vmem>>, vector<1x16xf32>,
    %swap3A_962 = arith.constant 80 : i32
    %swap3A_963 = arith.index_cast %swap3A_962 : i32 to index
    %swap3A_964 = arith.constant 0 : index
    %swap3A_965 = tpu.vector_load %arg7[%swap3A_963, %swap3A_964] {strides = array<i32>} : memref<128x16xf32, #tpu.memory_space<vmem>>, vector<1x16xf32>,
    %swap3A_966 = vector.shape_cast %swap3A_965 : vector<1x16xf32> to vector<16xf32>
    %swap3A_967 = vector.shape_cast %broadcast_in_dim3A_0 : vector<16xf32> to vector<1x16xf32>
    tpu.vector_store %arg7[%swap3A_963, %swap3A_964], %swap3A_967 {strides = array<i32>} : memref<128x16xf32, #tpu.memory_space<vmem>>, vector<1x16xf32>,
    %swap3A_968 = arith.constant 80 : i32
    %swap3A_969 = arith.index_cast %swap3A_968 : i32 to index
    %swap3A_970 = arith.constant 0 : index
    %swap3A_971 = tpu.vector_load %arg8[%swap3A_969, %swap3A_970] {strides = array<i32>} : memref<128x16xf32, #tpu.memory_space<vmem>>, vector<1x16xf32>,
    %swap3A_972 = vector.shape_cast %swap3A_971 : vector<1x16xf32> to vector<16xf32>
    %swap3A_973 = vector.shape_cast %broadcast_in_dim3A_2 : vector<16xf32> to vector<1x16xf32>
    tpu.vector_store %arg8[%swap3A_969, %swap3A_970], %swap3A_973 {strides = array<i32>} : memref<128x16xf32, #tpu.memory_space<vmem>>, vector<1x16xf32>,
    %swap3A_974 = arith.constant 81 : i32
    %swap3A_975 = arith.index_cast %swap3A_974 : i32 to index
    %swap3A_976 = arith.constant 0 : index
    %swap3A_977 = tpu.vector_load %arg7[%swap3A_975, %swap3A_976] {strides = array<i32>} : memref<128x16xf32, #tpu.memory_space<vmem>>, vector<1x16xf32>,
    %swap3A_978 = vector.shape_cast %swap3A_977 : vector<1x16xf32> to vector<16xf32>
    %swap3A_979 = vector.shape_cast %broadcast_in_dim3A_0 : vector<16xf32> to vector<1x16xf32>
    tpu.vector_store %arg7[%swap3A_975, %swap3A_976], %swap3A_979 {strides = array<i32>} : memref<128x16xf32, #tpu.memory_space<vmem>>, vector<1x16xf32>,
    %swap3A_980 = arith.constant 81 : i32
    %swap3A_981 = arith.index_cast %swap3A_980 : i32 to index
    %swap3A_982 = arith.constant 0 : index
    %swap3A_983 = tpu.vector_load %arg8[%swap3A_981, %swap3A_982] {strides = array<i32>} : memref<128x16xf32, #tpu.memory_space<vmem>>, vector<1x16xf32>,
    %swap3A_984 = vector.shape_cast %swap3A_983 : vector<1x16xf32> to vector<16xf32>
    %swap3A_985 = vector.shape_cast %broadcast_in_dim3A_2 : vector<16xf32> to vector<1x16xf32>
    tpu.vector_store %arg8[%swap3A_981, %swap3A_982], %swap3A_985 {strides = array<i32>} : memref<128x16xf32, #tpu.memory_space<vmem>>, vector<1x16xf32>,
    %swap3A_986 = arith.constant 82 : i32
    %swap3A_987 = arith.index_cast %swap3A_986 : i32 to index
    %swap3A_988 = arith.constant 0 : index
    %swap3A_989 = tpu.vector_load %arg7[%swap3A_987, %swap3A_988] {strides = array<i32>} : memref<128x16xf32, #tpu.memory_space<vmem>>, vector<1x16xf32>,
    %swap3A_990 = vector.shape_cast %swap3A_989 : vector<1x16xf32> to vector<16xf32>
    %swap3A_991 = vector.shape_cast %broadcast_in_dim3A_0 : vector<16xf32> to vector<1x16xf32>
    tpu.vector_store %arg7[%swap3A_987, %swap3A_988], %swap3A_991 {strides = array<i32>} : memref<128x16xf32, #tpu.memory_space<vmem>>, vector<1x16xf32>,
    %swap3A_992 = arith.constant 82 : i32
    %swap3A_993 = arith.index_cast %swap3A_992 : i32 to index
    %swap3A_994 = arith.constant 0 : index
    %swap3A_995 = tpu.vector_load %arg8[%swap3A_993, %swap3A_994] {strides = array<i32>} : memref<128x16xf32, #tpu.memory_space<vmem>>, vector<1x16xf32>,
    %swap3A_996 = vector.shape_cast %swap3A_995 : vector<1x16xf32> to vector<16xf32>
    %swap3A_997 = vector.shape_cast %broadcast_in_dim3A_2 : vector<16xf32> to vector<1x16xf32>
    tpu.vector_store %arg8[%swap3A_993, %swap3A_994], %swap3A_997 {strides = array<i32>} : memref<128x16xf32, #tpu.memory_space<vmem>>, vector<1x16xf32>,
    %swap3A_998 = arith.constant 83 : i32
    %swap3A_999 = arith.index_cast %swap3A_998 : i32 to index
    %swap3A_1000 = arith.constant 0 : index
    %swap3A_1001 = tpu.vector_load %arg7[%swap3A_999, %swap3A_1000] {strides = array<i32>} : memref<128x16xf32, #tpu.memory_space<vmem>>, vector<1x16xf32>,
    %swap3A_1002 = vector.shape_cast %swap3A_1001 : vector<1x16xf32> to vector<16xf32>
    %swap3A_1003 = vector.shape_cast %broadcast_in_dim3A_0 : vector<16xf32> to vector<1x16xf32>
    tpu.vector_store %arg7[%swap3A_999, %swap3A_1000], %swap3A_1003 {strides = array<i32>} : memref<128x16xf32, #tpu.memory_space<vmem>>, vector<1x16xf32>,
    %swap3A_1004 = arith.constant 83 : i32
    %swap3A_1005 = arith.index_cast %swap3A_1004 : i32 to index
    %swap3A_1006 = arith.constant 0 : index
    %swap3A_1007 = tpu.vector_load %arg8[%swap3A_1005, %swap3A_1006] {strides = array<i32>} : memref<128x16xf32, #tpu.memory_space<vmem>>, vector<1x16xf32>,
    %swap3A_1008 = vector.shape_cast %swap3A_1007 : vector<1x16xf32> to vector<16xf32>
    %swap3A_1009 = vector.shape_cast %broadcast_in_dim3A_2 : vector<16xf32> to vector<1x16xf32>
    tpu.vector_store %arg8[%swap3A_1005, %swap3A_1006], %swap3A_1009 {strides = array<i32>} : memref<128x16xf32, #tpu.memory_space<vmem>>, vector<1x16xf32>,
    %swap3A_1010 = arith.constant 84 : i32
    %swap3A_1011 = arith.index_cast %swap3A_1010 : i32 to index
    %swap3A_1012 = arith.constant 0 : index
    %swap3A_1013 = tpu.vector_load %arg7[%swap3A_1011, %swap3A_1012] {strides = array<i32>} : memref<128x16xf32, #tpu.memory_space<vmem>>, vector<1x16xf32>,
    %swap3A_1014 = vector.shape_cast %swap3A_1013 : vector<1x16xf32> to vector<16xf32>
    %swap3A_1015 = vector.shape_cast %broadcast_in_dim3A_0 : vector<16xf32> to vector<1x16xf32>
    tpu.vector_store %arg7[%swap3A_1011, %swap3A_1012], %swap3A_1015 {strides = array<i32>} : memref<128x16xf32, #tpu.memory_space<vmem>>, vector<1x16xf32>,
    %swap3A_1016 = arith.constant 84 : i32
    %swap3A_1017 = arith.index_cast %swap3A_1016 : i32 to index
    %swap3A_1018 = arith.constant 0 : index
    %swap3A_1019 = tpu.vector_load %arg8[%swap3A_1017, %swap3A_1018] {strides = array<i32>} : memref<128x16xf32, #tpu.memory_space<vmem>>, vector<1x16xf32>,
    %swap3A_1020 = vector.shape_cast %swap3A_1019 : vector<1x16xf32> to vector<16xf32>
    %swap3A_1021 = vector.shape_cast %broadcast_in_dim3A_2 : vector<16xf32> to vector<1x16xf32>
    tpu.vector_store %arg8[%swap3A_1017, %swap3A_1018], %swap3A_1021 {strides = array<i32>} : memref<128x16xf32, #tpu.memory_space<vmem>>, vector<1x16xf32>,
    %swap3A_1022 = arith.constant 85 : i32
    %swap3A_1023 = arith.index_cast %swap3A_1022 : i32 to index
    %swap3A_1024 = arith.constant 0 : index
    %swap3A_1025 = tpu.vector_load %arg7[%swap3A_1023, %swap3A_1024] {strides = array<i32>} : memref<128x16xf32, #tpu.memory_space<vmem>>, vector<1x16xf32>,
    %swap3A_1026 = vector.shape_cast %swap3A_1025 : vector<1x16xf32> to vector<16xf32>
    %swap3A_1027 = vector.shape_cast %broadcast_in_dim3A_0 : vector<16xf32> to vector<1x16xf32>
    tpu.vector_store %arg7[%swap3A_1023, %swap3A_1024], %swap3A_1027 {strides = array<i32>} : memref<128x16xf32, #tpu.memory_space<vmem>>, vector<1x16xf32>,
    %swap3A_1028 = arith.constant 85 : i32
    %swap3A_1029 = arith.index_cast %swap3A_1028 : i32 to index
    %swap3A_1030 = arith.constant 0 : index
    %swap3A_1031 = tpu.vector_load %arg8[%swap3A_1029, %swap3A_1030] {strides = array<i32>} : memref<128x16xf32, #tpu.memory_space<vmem>>, vector<1x16xf32>,
    %swap3A_1032 = vector.shape_cast %swap3A_1031 : vector<1x16xf32> to vector<16xf32>
    %swap3A_1033 = vector.shape_cast %broadcast_in_dim3A_2 : vector<16xf32> to vector<1x16xf32>
    tpu.vector_store %arg8[%swap3A_1029, %swap3A_1030], %swap3A_1033 {strides = array<i32>} : memref<128x16xf32, #tpu.memory_space<vmem>>, vector<1x16xf32>,
    %swap3A_1034 = arith.constant 86 : i32
    %swap3A_1035 = arith.index_cast %swap3A_1034 : i32 to index
    %swap3A_1036 = arith.constant 0 : index
    %swap3A_1037 = tpu.vector_load %arg7[%swap3A_1035, %swap3A_1036] {strides = array<i32>} : memref<128x16xf32, #tpu.memory_space<vmem>>, vector<1x16xf32>,
    %swap3A_1038 = vector.shape_cast %swap3A_1037 : vector<1x16xf32> to vector<16xf32>
    %swap3A_1039 = vector.shape_cast %broadcast_in_dim3A_0 : vector<16xf32> to vector<1x16xf32>
    tpu.vector_store %arg7[%swap3A_1035, %swap3A_1036], %swap3A_1039 {strides = array<i32>} : memref<128x16xf32, #tpu.memory_space<vmem>>, vector<1x16xf32>,
    %swap3A_1040 = arith.constant 86 : i32
    %swap3A_1041 = arith.index_cast %swap3A_1040 : i32 to index
    %swap3A_1042 = arith.constant 0 : index
    %swap3A_1043 = tpu.vector_load %arg8[%swap3A_1041, %swap3A_1042] {strides = array<i32>} : memref<128x16xf32, #tpu.memory_space<vmem>>, vector<1x16xf32>,
    %swap3A_1044 = vector.shape_cast %swap3A_1043 : vector<1x16xf32> to vector<16xf32>
    %swap3A_1045 = vector.shape_cast %broadcast_in_dim3A_2 : vector<16xf32> to vector<1x16xf32>
    tpu.vector_store %arg8[%swap3A_1041, %swap3A_1042], %swap3A_1045 {strides = array<i32>} : memref<128x16xf32, #tpu.memory_space<vmem>>, vector<1x16xf32>,
    %swap3A_1046 = arith.constant 87 : i32
    %swap3A_1047 = arith.index_cast %swap3A_1046 : i32 to index
    %swap3A_1048 = arith.constant 0 : index
    %swap3A_1049 = tpu.vector_load %arg7[%swap3A_1047, %swap3A_1048] {strides = array<i32>} : memref<128x16xf32, #tpu.memory_space<vmem>>, vector<1x16xf32>,
    %swap3A_1050 = vector.shape_cast %swap3A_1049 : vector<1x16xf32> to vector<16xf32>
    %swap3A_1051 = vector.shape_cast %broadcast_in_dim3A_0 : vector<16xf32> to vector<1x16xf32>
    tpu.vector_store %arg7[%swap3A_1047, %swap3A_1048], %swap3A_1051 {strides = array<i32>} : memref<128x16xf32, #tpu.memory_space<vmem>>, vector<1x16xf32>,
    %swap3A_1052 = arith.constant 87 : i32
    %swap3A_1053 = arith.index_cast %swap3A_1052 : i32 to index
    %swap3A_1054 = arith.constant 0 : index
    %swap3A_1055 = tpu.vector_load %arg8[%swap3A_1053, %swap3A_1054] {strides = array<i32>} : memref<128x16xf32, #tpu.memory_space<vmem>>, vector<1x16xf32>,
    %swap3A_1056 = vector.shape_cast %swap3A_1055 : vector<1x16xf32> to vector<16xf32>
    %swap3A_1057 = vector.shape_cast %broadcast_in_dim3A_2 : vector<16xf32> to vector<1x16xf32>
    tpu.vector_store %arg8[%swap3A_1053, %swap3A_1054], %swap3A_1057 {strides = array<i32>} : memref<128x16xf32, #tpu.memory_space<vmem>>, vector<1x16xf32>,
    %swap3A_1058 = arith.constant 88 : i32
    %swap3A_1059 = arith.index_cast %swap3A_1058 : i32 to index
    %swap3A_1060 = arith.constant 0 : index
    %swap3A_1061 = tpu.vector_load %arg7[%swap3A_1059, %swap3A_1060] {strides = array<i32>} : memref<128x16xf32, #tpu.memory_space<vmem>>, vector<1x16xf32>,
    %swap3A_1062 = vector.shape_cast %swap3A_1061 : vector<1x16xf32> to vector<16xf32>
    %swap3A_1063 = vector.shape_cast %broadcast_in_dim3A_0 : vector<16xf32> to vector<1x16xf32>
    tpu.vector_store %arg7[%swap3A_1059, %swap3A_1060], %swap3A_1063 {strides = array<i32>} : memref<128x16xf32, #tpu.memory_space<vmem>>, vector<1x16xf32>,
    %swap3A_1064 = arith.constant 88 : i32
    %swap3A_1065 = arith.index_cast %swap3A_1064 : i32 to index
    %swap3A_1066 = arith.constant 0 : index
    %swap3A_1067 = tpu.vector_load %arg8[%swap3A_1065, %swap3A_1066] {strides = array<i32>} : memref<128x16xf32, #tpu.memory_space<vmem>>, vector<1x16xf32>,
    %swap3A_1068 = vector.shape_cast %swap3A_1067 : vector<1x16xf32> to vector<16xf32>
    %swap3A_1069 = vector.shape_cast %broadcast_in_dim3A_2 : vector<16xf32> to vector<1x16xf32>
    tpu.vector_store %arg8[%swap3A_1065, %swap3A_1066], %swap3A_1069 {strides = array<i32>} : memref<128x16xf32, #tpu.memory_space<vmem>>, vector<1x16xf32>,
    %swap3A_1070 = arith.constant 89 : i32
    %swap3A_1071 = arith.index_cast %swap3A_1070 : i32 to index
    %swap3A_1072 = arith.constant 0 : index
    %swap3A_1073 = tpu.vector_load %arg7[%swap3A_1071, %swap3A_1072] {strides = array<i32>} : memref<128x16xf32, #tpu.memory_space<vmem>>, vector<1x16xf32>,
    %swap3A_1074 = vector.shape_cast %swap3A_1073 : vector<1x16xf32> to vector<16xf32>
    %swap3A_1075 = vector.shape_cast %broadcast_in_dim3A_0 : vector<16xf32> to vector<1x16xf32>
    tpu.vector_store %arg7[%swap3A_1071, %swap3A_1072], %swap3A_1075 {strides = array<i32>} : memref<128x16xf32, #tpu.memory_space<vmem>>, vector<1x16xf32>,
    %swap3A_1076 = arith.constant 89 : i32
    %swap3A_1077 = arith.index_cast %swap3A_1076 : i32 to index
    %swap3A_1078 = arith.constant 0 : index
    %swap3A_1079 = tpu.vector_load %arg8[%swap3A_1077, %swap3A_1078] {strides = array<i32>} : memref<128x16xf32, #tpu.memory_space<vmem>>, vector<1x16xf32>,
    %swap3A_1080 = vector.shape_cast %swap3A_1079 : vector<1x16xf32> to vector<16xf32>
    %swap3A_1081 = vector.shape_cast %broadcast_in_dim3A_2 : vector<16xf32> to vector<1x16xf32>
    tpu.vector_store %arg8[%swap3A_1077, %swap3A_1078], %swap3A_1081 {strides = array<i32>} : memref<128x16xf32, #tpu.memory_space<vmem>>, vector<1x16xf32>,
    %swap3A_1082 = arith.constant 90 : i32
    %swap3A_1083 = arith.index_cast %swap3A_1082 : i32 to index
    %swap3A_1084 = arith.constant 0 : index
    %swap3A_1085 = tpu.vector_load %arg7[%swap3A_1083, %swap3A_1084] {strides = array<i32>} : memref<128x16xf32, #tpu.memory_space<vmem>>, vector<1x16xf32>,
    %swap3A_1086 = vector.shape_cast %swap3A_1085 : vector<1x16xf32> to vector<16xf32>
    %swap3A_1087 = vector.shape_cast %broadcast_in_dim3A_0 : vector<16xf32> to vector<1x16xf32>
    tpu.vector_store %arg7[%swap3A_1083, %swap3A_1084], %swap3A_1087 {strides = array<i32>} : memref<128x16xf32, #tpu.memory_space<vmem>>, vector<1x16xf32>,
    %swap3A_1088 = arith.constant 90 : i32
    %swap3A_1089 = arith.index_cast %swap3A_1088 : i32 to index
    %swap3A_1090 = arith.constant 0 : index
    %swap3A_1091 = tpu.vector_load %arg8[%swap3A_1089, %swap3A_1090] {strides = array<i32>} : memref<128x16xf32, #tpu.memory_space<vmem>>, vector<1x16xf32>,
    %swap3A_1092 = vector.shape_cast %swap3A_1091 : vector<1x16xf32> to vector<16xf32>
    %swap3A_1093 = vector.shape_cast %broadcast_in_dim3A_2 : vector<16xf32> to vector<1x16xf32>
    tpu.vector_store %arg8[%swap3A_1089, %swap3A_1090], %swap3A_1093 {strides = array<i32>} : memref<128x16xf32, #tpu.memory_space<vmem>>, vector<1x16xf32>,
    %swap3A_1094 = arith.constant 91 : i32
    %swap3A_1095 = arith.index_cast %swap3A_1094 : i32 to index
    %swap3A_1096 = arith.constant 0 : index
    %swap3A_1097 = tpu.vector_load %arg7[%swap3A_1095, %swap3A_1096] {strides = array<i32>} : memref<128x16xf32, #tpu.memory_space<vmem>>, vector<1x16xf32>,
    %swap3A_1098 = vector.shape_cast %swap3A_1097 : vector<1x16xf32> to vector<16xf32>
    %swap3A_1099 = vector.shape_cast %broadcast_in_dim3A_0 : vector<16xf32> to vector<1x16xf32>
    tpu.vector_store %arg7[%swap3A_1095, %swap3A_1096], %swap3A_1099 {strides = array<i32>} : memref<128x16xf32, #tpu.memory_space<vmem>>, vector<1x16xf32>,
    %swap3A_1100 = arith.constant 91 : i32
    %swap3A_1101 = arith.index_cast %swap3A_1100 : i32 to index
    %swap3A_1102 = arith.constant 0 : index
    %swap3A_1103 = tpu.vector_load %arg8[%swap3A_1101, %swap3A_1102] {strides = array<i32>} : memref<128x16xf32, #tpu.memory_space<vmem>>, vector<1x16xf32>,
    %swap3A_1104 = vector.shape_cast %swap3A_1103 : vector<1x16xf32> to vector<16xf32>
    %swap3A_1105 = vector.shape_cast %broadcast_in_dim3A_2 : vector<16xf32> to vector<1x16xf32>
    tpu.vector_store %arg8[%swap3A_1101, %swap3A_1102], %swap3A_1105 {strides = array<i32>} : memref<128x16xf32, #tpu.memory_space<vmem>>, vector<1x16xf32>,
    %swap3A_1106 = arith.constant 92 : i32
    %swap3A_1107 = arith.index_cast %swap3A_1106 : i32 to index
    %swap3A_1108 = arith.constant 0 : index
    %swap3A_1109 = tpu.vector_load %arg7[%swap3A_1107, %swap3A_1108] {strides = array<i32>} : memref<128x16xf32, #tpu.memory_space<vmem>>, vector<1x16xf32>,
    %swap3A_1110 = vector.shape_cast %swap3A_1109 : vector<1x16xf32> to vector<16xf32>
    %swap3A_1111 = vector.shape_cast %broadcast_in_dim3A_0 : vector<16xf32> to vector<1x16xf32>
    tpu.vector_store %arg7[%swap3A_1107, %swap3A_1108], %swap3A_1111 {strides = array<i32>} : memref<128x16xf32, #tpu.memory_space<vmem>>, vector<1x16xf32>,
    %swap3A_1112 = arith.constant 92 : i32
    %swap3A_1113 = arith.index_cast %swap3A_1112 : i32 to index
    %swap3A_1114 = arith.constant 0 : index
    %swap3A_1115 = tpu.vector_load %arg8[%swap3A_1113, %swap3A_1114] {strides = array<i32>} : memref<128x16xf32, #tpu.memory_space<vmem>>, vector<1x16xf32>,
    %swap3A_1116 = vector.shape_cast %swap3A_1115 : vector<1x16xf32> to vector<16xf32>
    %swap3A_1117 = vector.shape_cast %broadcast_in_dim3A_2 : vector<16xf32> to vector<1x16xf32>
    tpu.vector_store %arg8[%swap3A_1113, %swap3A_1114], %swap3A_1117 {strides = array<i32>} : memref<128x16xf32, #tpu.memory_space<vmem>>, vector<1x16xf32>,
    %swap3A_1118 = arith.constant 93 : i32
    %swap3A_1119 = arith.index_cast %swap3A_1118 : i32 to index
    %swap3A_1120 = arith.constant 0 : index
    %swap3A_1121 = tpu.vector_load %arg7[%swap3A_1119, %swap3A_1120] {strides = array<i32>} : memref<128x16xf32, #tpu.memory_space<vmem>>, vector<1x16xf32>,
    %swap3A_1122 = vector.shape_cast %swap3A_1121 : vector<1x16xf32> to vector<16xf32>
    %swap3A_1123 = vector.shape_cast %broadcast_in_dim3A_0 : vector<16xf32> to vector<1x16xf32>
    tpu.vector_store %arg7[%swap3A_1119, %swap3A_1120], %swap3A_1123 {strides = array<i32>} : memref<128x16xf32, #tpu.memory_space<vmem>>, vector<1x16xf32>,
    %swap3A_1124 = arith.constant 93 : i32
    %swap3A_1125 = arith.index_cast %swap3A_1124 : i32 to index
    %swap3A_1126 = arith.constant 0 : index
    %swap3A_1127 = tpu.vector_load %arg8[%swap3A_1125, %swap3A_1126] {strides = array<i32>} : memref<128x16xf32, #tpu.memory_space<vmem>>, vector<1x16xf32>,
    %swap3A_1128 = vector.shape_cast %swap3A_1127 : vector<1x16xf32> to vector<16xf32>
    %swap3A_1129 = vector.shape_cast %broadcast_in_dim3A_2 : vector<16xf32> to vector<1x16xf32>
    tpu.vector_store %arg8[%swap3A_1125, %swap3A_1126], %swap3A_1129 {strides = array<i32>} : memref<128x16xf32, #tpu.memory_space<vmem>>, vector<1x16xf32>,
    %swap3A_1130 = arith.constant 94 : i32
    %swap3A_1131 = arith.index_cast %swap3A_1130 : i32 to index
    %swap3A_1132 = arith.constant 0 : index
    %swap3A_1133 = tpu.vector_load %arg7[%swap3A_1131, %swap3A_1132] {strides = array<i32>} : memref<128x16xf32, #tpu.memory_space<vmem>>, vector<1x16xf32>,
    %swap3A_1134 = vector.shape_cast %swap3A_1133 : vector<1x16xf32> to vector<16xf32>
    %swap3A_1135 = vector.shape_cast %broadcast_in_dim3A_0 : vector<16xf32> to vector<1x16xf32>
    tpu.vector_store %arg7[%swap3A_1131, %swap3A_1132], %swap3A_1135 {strides = array<i32>} : memref<128x16xf32, #tpu.memory_space<vmem>>, vector<1x16xf32>,
    %swap3A_1136 = arith.constant 94 : i32
    %swap3A_1137 = arith.index_cast %swap3A_1136 : i32 to index
    %swap3A_1138 = arith.constant 0 : index
    %swap3A_1139 = tpu.vector_load %arg8[%swap3A_1137, %swap3A_1138] {strides = array<i32>} : memref<128x16xf32, #tpu.memory_space<vmem>>, vector<1x16xf32>,
    %swap3A_1140 = vector.shape_cast %swap3A_1139 : vector<1x16xf32> to vector<16xf32>
    %swap3A_1141 = vector.shape_cast %broadcast_in_dim3A_2 : vector<16xf32> to vector<1x16xf32>
    tpu.vector_store %arg8[%swap3A_1137, %swap3A_1138], %swap3A_1141 {strides = array<i32>} : memref<128x16xf32, #tpu.memory_space<vmem>>, vector<1x16xf32>,
    %swap3A_1142 = arith.constant 95 : i32
    %swap3A_1143 = arith.index_cast %swap3A_1142 : i32 to index
    %swap3A_1144 = arith.constant 0 : index
    %swap3A_1145 = tpu.vector_load %arg7[%swap3A_1143, %swap3A_1144] {strides = array<i32>} : memref<128x16xf32, #tpu.memory_space<vmem>>, vector<1x16xf32>,
    %swap3A_1146 = vector.shape_cast %swap3A_1145 : vector<1x16xf32> to vector<16xf32>
    %swap3A_1147 = vector.shape_cast %broadcast_in_dim3A_0 : vector<16xf32> to vector<1x16xf32>
    tpu.vector_store %arg7[%swap3A_1143, %swap3A_1144], %swap3A_1147 {strides = array<i32>} : memref<128x16xf32, #tpu.memory_space<vmem>>, vector<1x16xf32>,
    %swap3A_1148 = arith.constant 95 : i32
    %swap3A_1149 = arith.index_cast %swap3A_1148 : i32 to index
    %swap3A_1150 = arith.constant 0 : index
    %swap3A_1151 = tpu.vector_load %arg8[%swap3A_1149, %swap3A_1150] {strides = array<i32>} : memref<128x16xf32, #tpu.memory_space<vmem>>, vector<1x16xf32>,
    %swap3A_1152 = vector.shape_cast %swap3A_1151 : vector<1x16xf32> to vector<16xf32>
    %swap3A_1153 = vector.shape_cast %broadcast_in_dim3A_2 : vector<16xf32> to vector<1x16xf32>
    tpu.vector_store %arg8[%swap3A_1149, %swap3A_1150], %swap3A_1153 {strides = array<i32>} : memref<128x16xf32, #tpu.memory_space<vmem>>, vector<1x16xf32>,
    %swap3A_1154 = arith.constant 96 : i32
    %swap3A_1155 = arith.index_cast %swap3A_1154 : i32 to index
    %swap3A_1156 = arith.constant 0 : index
    %swap3A_1157 = tpu.vector_load %arg7[%swap3A_1155, %swap3A_1156] {strides = array<i32>} : memref<128x16xf32, #tpu.memory_space<vmem>>, vector<1x16xf32>,
    %swap3A_1158 = vector.shape_cast %swap3A_1157 : vector<1x16xf32> to vector<16xf32>
    %swap3A_1159 = vector.shape_cast %broadcast_in_dim3A_0 : vector<16xf32> to vector<1x16xf32>
    tpu.vector_store %arg7[%swap3A_1155, %swap3A_1156], %swap3A_1159 {strides = array<i32>} : memref<128x16xf32, #tpu.memory_space<vmem>>, vector<1x16xf32>,
    %swap3A_1160 = arith.constant 96 : i32
    %swap3A_1161 = arith.index_cast %swap3A_1160 : i32 to index
    %swap3A_1162 = arith.constant 0 : index
    %swap3A_1163 = tpu.vector_load %arg8[%swap3A_1161, %swap3A_1162] {strides = array<i32>} : memref<128x16xf32, #tpu.memory_space<vmem>>, vector<1x16xf32>,
    %swap3A_1164 = vector.shape_cast %swap3A_1163 : vector<1x16xf32> to vector<16xf32>
    %swap3A_1165 = vector.shape_cast %broadcast_in_dim3A_2 : vector<16xf32> to vector<1x16xf32>
    tpu.vector_store %arg8[%swap3A_1161, %swap3A_1162], %swap3A_1165 {strides = array<i32>} : memref<128x16xf32, #tpu.memory_space<vmem>>, vector<1x16xf32>,
    %swap3A_1166 = arith.constant 97 : i32
    %swap3A_1167 = arith.index_cast %swap3A_1166 : i32 to index
    %swap3A_1168 = arith.constant 0 : index
    %swap3A_1169 = tpu.vector_load %arg7[%swap3A_1167, %swap3A_1168] {strides = array<i32>} : memref<128x16xf32, #tpu.memory_space<vmem>>, vector<1x16xf32>,
    %swap3A_1170 = vector.shape_cast %swap3A_1169 : vector<1x16xf32> to vector<16xf32>
    %swap3A_1171 = vector.shape_cast %broadcast_in_dim3A_0 : vector<16xf32> to vector<1x16xf32>
    tpu.vector_store %arg7[%swap3A_1167, %swap3A_1168], %swap3A_1171 {strides = array<i32>} : memref<128x16xf32, #tpu.memory_space<vmem>>, vector<1x16xf32>,
    %swap3A_1172 = arith.constant 97 : i32
    %swap3A_1173 = arith.index_cast %swap3A_1172 : i32 to index
    %swap3A_1174 = arith.constant 0 : index
    %swap3A_1175 = tpu.vector_load %arg8[%swap3A_1173, %swap3A_1174] {strides = array<i32>} : memref<128x16xf32, #tpu.memory_space<vmem>>, vector<1x16xf32>,
    %swap3A_1176 = vector.shape_cast %swap3A_1175 : vector<1x16xf32> to vector<16xf32>
    %swap3A_1177 = vector.shape_cast %broadcast_in_dim3A_2 : vector<16xf32> to vector<1x16xf32>
    tpu.vector_store %arg8[%swap3A_1173, %swap3A_1174], %swap3A_1177 {strides = array<i32>} : memref<128x16xf32, #tpu.memory_space<vmem>>, vector<1x16xf32>,
    %swap3A_1178 = arith.constant 98 : i32
    %swap3A_1179 = arith.index_cast %swap3A_1178 : i32 to index
    %swap3A_1180 = arith.constant 0 : index
    %swap3A_1181 = tpu.vector_load %arg7[%swap3A_1179, %swap3A_1180] {strides = array<i32>} : memref<128x16xf32, #tpu.memory_space<vmem>>, vector<1x16xf32>,
    %swap3A_1182 = vector.shape_cast %swap3A_1181 : vector<1x16xf32> to vector<16xf32>
    %swap3A_1183 = vector.shape_cast %broadcast_in_dim3A_0 : vector<16xf32> to vector<1x16xf32>
    tpu.vector_store %arg7[%swap3A_1179, %swap3A_1180], %swap3A_1183 {strides = array<i32>} : memref<128x16xf32, #tpu.memory_space<vmem>>, vector<1x16xf32>,
    %swap3A_1184 = arith.constant 98 : i32
    %swap3A_1185 = arith.index_cast %swap3A_1184 : i32 to index
    %swap3A_1186 = arith.constant 0 : index
    %swap3A_1187 = tpu.vector_load %arg8[%swap3A_1185, %swap3A_1186] {strides = array<i32>} : memref<128x16xf32, #tpu.memory_space<vmem>>, vector<1x16xf32>,
    %swap3A_1188 = vector.shape_cast %swap3A_1187 : vector<1x16xf32> to vector<16xf32>
    %swap3A_1189 = vector.shape_cast %broadcast_in_dim3A_2 : vector<16xf32> to vector<1x16xf32>
    tpu.vector_store %arg8[%swap3A_1185, %swap3A_1186], %swap3A_1189 {strides = array<i32>} : memref<128x16xf32, #tpu.memory_space<vmem>>, vector<1x16xf32>,
    %swap3A_1190 = arith.constant 99 : i32
    %swap3A_1191 = arith.index_cast %swap3A_1190 : i32 to index
    %swap3A_1192 = arith.constant 0 : index
    %swap3A_1193 = tpu.vector_load %arg7[%swap3A_1191, %swap3A_1192] {strides = array<i32>} : memref<128x16xf32, #tpu.memory_space<vmem>>, vector<1x16xf32>,
    %swap3A_1194 = vector.shape_cast %swap3A_1193 : vector<1x16xf32> to vector<16xf32>
    %swap3A_1195 = vector.shape_cast %broadcast_in_dim3A_0 : vector<16xf32> to vector<1x16xf32>
    tpu.vector_store %arg7[%swap3A_1191, %swap3A_1192], %swap3A_1195 {strides = array<i32>} : memref<128x16xf32, #tpu.memory_space<vmem>>, vector<1x16xf32>,
    %swap3A_1196 = arith.constant 99 : i32
    %swap3A_1197 = arith.index_cast %swap3A_1196 : i32 to index
    %swap3A_1198 = arith.constant 0 : index
    %swap3A_1199 = tpu.vector_load %arg8[%swap3A_1197, %swap3A_1198] {strides = array<i32>} : memref<128x16xf32, #tpu.memory_space<vmem>>, vector<1x16xf32>,
    %swap3A_1200 = vector.shape_cast %swap3A_1199 : vector<1x16xf32> to vector<16xf32>
    %swap3A_1201 = vector.shape_cast %broadcast_in_dim3A_2 : vector<16xf32> to vector<1x16xf32>
    tpu.vector_store %arg8[%swap3A_1197, %swap3A_1198], %swap3A_1201 {strides = array<i32>} : memref<128x16xf32, #tpu.memory_space<vmem>>, vector<1x16xf32>,
    %swap3A_1202 = arith.constant 100 : i32
    %swap3A_1203 = arith.index_cast %swap3A_1202 : i32 to index
    %swap3A_1204 = arith.constant 0 : index
    %swap3A_1205 = tpu.vector_load %arg7[%swap3A_1203, %swap3A_1204] {strides = array<i32>} : memref<128x16xf32, #tpu.memory_space<vmem>>, vector<1x16xf32>,
    %swap3A_1206 = vector.shape_cast %swap3A_1205 : vector<1x16xf32> to vector<16xf32>
    %swap3A_1207 = vector.shape_cast %broadcast_in_dim3A_0 : vector<16xf32> to vector<1x16xf32>
    tpu.vector_store %arg7[%swap3A_1203, %swap3A_1204], %swap3A_1207 {strides = array<i32>} : memref<128x16xf32, #tpu.memory_space<vmem>>, vector<1x16xf32>,
    %swap3A_1208 = arith.constant 100 : i32
    %swap3A_1209 = arith.index_cast %swap3A_1208 : i32 to index
    %swap3A_1210 = arith.constant 0 : index
    %swap3A_1211 = tpu.vector_load %arg8[%swap3A_1209, %swap3A_1210] {strides = array<i32>} : memref<128x16xf32, #tpu.memory_space<vmem>>, vector<1x16xf32>,
    %swap3A_1212 = vector.shape_cast %swap3A_1211 : vector<1x16xf32> to vector<16xf32>
    %swap3A_1213 = vector.shape_cast %broadcast_in_dim3A_2 : vector<16xf32> to vector<1x16xf32>
    tpu.vector_store %arg8[%swap3A_1209, %swap3A_1210], %swap3A_1213 {strides = array<i32>} : memref<128x16xf32, #tpu.memory_space<vmem>>, vector<1x16xf32>,
    %swap3A_1214 = arith.constant 101 : i32
    %swap3A_1215 = arith.index_cast %swap3A_1214 : i32 to index
    %swap3A_1216 = arith.constant 0 : index
    %swap3A_1217 = tpu.vector_load %arg7[%swap3A_1215, %swap3A_1216] {strides = array<i32>} : memref<128x16xf32, #tpu.memory_space<vmem>>, vector<1x16xf32>,
    %swap3A_1218 = vector.shape_cast %swap3A_1217 : vector<1x16xf32> to vector<16xf32>
    %swap3A_1219 = vector.shape_cast %broadcast_in_dim3A_0 : vector<16xf32> to vector<1x16xf32>
    tpu.vector_store %arg7[%swap3A_1215, %swap3A_1216], %swap3A_1219 {strides = array<i32>} : memref<128x16xf32, #tpu.memory_space<vmem>>, vector<1x16xf32>,
    %swap3A_1220 = arith.constant 101 : i32
    %swap3A_1221 = arith.index_cast %swap3A_1220 : i32 to index
    %swap3A_1222 = arith.constant 0 : index
    %swap3A_1223 = tpu.vector_load %arg8[%swap3A_1221, %swap3A_1222] {strides = array<i32>} : memref<128x16xf32, #tpu.memory_space<vmem>>, vector<1x16xf32>,
    %swap3A_1224 = vector.shape_cast %swap3A_1223 : vector<1x16xf32> to vector<16xf32>
    %swap3A_1225 = vector.shape_cast %broadcast_in_dim3A_2 : vector<16xf32> to vector<1x16xf32>
    tpu.vector_store %arg8[%swap3A_1221, %swap3A_1222], %swap3A_1225 {strides = array<i32>} : memref<128x16xf32, #tpu.memory_space<vmem>>, vector<1x16xf32>,
    %swap3A_1226 = arith.constant 102 : i32
    %swap3A_1227 = arith.index_cast %swap3A_1226 : i32 to index
    %swap3A_1228 = arith.constant 0 : index
    %swap3A_1229 = tpu.vector_load %arg7[%swap3A_1227, %swap3A_1228] {strides = array<i32>} : memref<128x16xf32, #tpu.memory_space<vmem>>, vector<1x16xf32>,
    %swap3A_1230 = vector.shape_cast %swap3A_1229 : vector<1x16xf32> to vector<16xf32>
    %swap3A_1231 = vector.shape_cast %broadcast_in_dim3A_0 : vector<16xf32> to vector<1x16xf32>
    tpu.vector_store %arg7[%swap3A_1227, %swap3A_1228], %swap3A_1231 {strides = array<i32>} : memref<128x16xf32, #tpu.memory_space<vmem>>, vector<1x16xf32>,
    %swap3A_1232 = arith.constant 102 : i32
    %swap3A_1233 = arith.index_cast %swap3A_1232 : i32 to index
    %swap3A_1234 = arith.constant 0 : index
    %swap3A_1235 = tpu.vector_load %arg8[%swap3A_1233, %swap3A_1234] {strides = array<i32>} : memref<128x16xf32, #tpu.memory_space<vmem>>, vector<1x16xf32>,
    %swap3A_1236 = vector.shape_cast %swap3A_1235 : vector<1x16xf32> to vector<16xf32>
    %swap3A_1237 = vector.shape_cast %broadcast_in_dim3A_2 : vector<16xf32> to vector<1x16xf32>
    tpu.vector_store %arg8[%swap3A_1233, %swap3A_1234], %swap3A_1237 {strides = array<i32>} : memref<128x16xf32, #tpu.memory_space<vmem>>, vector<1x16xf32>,
    %swap3A_1238 = arith.constant 103 : i32
    %swap3A_1239 = arith.index_cast %swap3A_1238 : i32 to index
    %swap3A_1240 = arith.constant 0 : index
    %swap3A_1241 = tpu.vector_load %arg7[%swap3A_1239, %swap3A_1240] {strides = array<i32>} : memref<128x16xf32, #tpu.memory_space<vmem>>, vector<1x16xf32>,
    %swap3A_1242 = vector.shape_cast %swap3A_1241 : vector<1x16xf32> to vector<16xf32>
    %swap3A_1243 = vector.shape_cast %broadcast_in_dim3A_0 : vector<16xf32> to vector<1x16xf32>
    tpu.vector_store %arg7[%swap3A_1239, %swap3A_1240], %swap3A_1243 {strides = array<i32>} : memref<128x16xf32, #tpu.memory_space<vmem>>, vector<1x16xf32>,
    %swap3A_1244 = arith.constant 103 : i32
    %swap3A_1245 = arith.index_cast %swap3A_1244 : i32 to index
    %swap3A_1246 = arith.constant 0 : index
    %swap3A_1247 = tpu.vector_load %arg8[%swap3A_1245, %swap3A_1246] {strides = array<i32>} : memref<128x16xf32, #tpu.memory_space<vmem>>, vector<1x16xf32>,
    %swap3A_1248 = vector.shape_cast %swap3A_1247 : vector<1x16xf32> to vector<16xf32>
    %swap3A_1249 = vector.shape_cast %broadcast_in_dim3A_2 : vector<16xf32> to vector<1x16xf32>
    tpu.vector_store %arg8[%swap3A_1245, %swap3A_1246], %swap3A_1249 {strides = array<i32>} : memref<128x16xf32, #tpu.memory_space<vmem>>, vector<1x16xf32>,
    %swap3A_1250 = arith.constant 104 : i32
    %swap3A_1251 = arith.index_cast %swap3A_1250 : i32 to index
    %swap3A_1252 = arith.constant 0 : index
    %swap3A_1253 = tpu.vector_load %arg7[%swap3A_1251, %swap3A_1252] {strides = array<i32>} : memref<128x16xf32, #tpu.memory_space<vmem>>, vector<1x16xf32>,
    %swap3A_1254 = vector.shape_cast %swap3A_1253 : vector<1x16xf32> to vector<16xf32>
    %swap3A_1255 = vector.shape_cast %broadcast_in_dim3A_0 : vector<16xf32> to vector<1x16xf32>
    tpu.vector_store %arg7[%swap3A_1251, %swap3A_1252], %swap3A_1255 {strides = array<i32>} : memref<128x16xf32, #tpu.memory_space<vmem>>, vector<1x16xf32>,
    %swap3A_1256 = arith.constant 104 : i32
    %swap3A_1257 = arith.index_cast %swap3A_1256 : i32 to index
    %swap3A_1258 = arith.constant 0 : index
    %swap3A_1259 = tpu.vector_load %arg8[%swap3A_1257, %swap3A_1258] {strides = array<i32>} : memref<128x16xf32, #tpu.memory_space<vmem>>, vector<1x16xf32>,
    %swap3A_1260 = vector.shape_cast %swap3A_1259 : vector<1x16xf32> to vector<16xf32>
    %swap3A_1261 = vector.shape_cast %broadcast_in_dim3A_2 : vector<16xf32> to vector<1x16xf32>
    tpu.vector_store %arg8[%swap3A_1257, %swap3A_1258], %swap3A_1261 {strides = array<i32>} : memref<128x16xf32, #tpu.memory_space<vmem>>, vector<1x16xf32>,
    %swap3A_1262 = arith.constant 105 : i32
    %swap3A_1263 = arith.index_cast %swap3A_1262 : i32 to index
    %swap3A_1264 = arith.constant 0 : index
    %swap3A_1265 = tpu.vector_load %arg7[%swap3A_1263, %swap3A_1264] {strides = array<i32>} : memref<128x16xf32, #tpu.memory_space<vmem>>, vector<1x16xf32>,
    %swap3A_1266 = vector.shape_cast %swap3A_1265 : vector<1x16xf32> to vector<16xf32>
    %swap3A_1267 = vector.shape_cast %broadcast_in_dim3A_0 : vector<16xf32> to vector<1x16xf32>
    tpu.vector_store %arg7[%swap3A_1263, %swap3A_1264], %swap3A_1267 {strides = array<i32>} : memref<128x16xf32, #tpu.memory_space<vmem>>, vector<1x16xf32>,
    %swap3A_1268 = arith.constant 105 : i32
    %swap3A_1269 = arith.index_cast %swap3A_1268 : i32 to index
    %swap3A_1270 = arith.constant 0 : index
    %swap3A_1271 = tpu.vector_load %arg8[%swap3A_1269, %swap3A_1270] {strides = array<i32>} : memref<128x16xf32, #tpu.memory_space<vmem>>, vector<1x16xf32>,
    %swap3A_1272 = vector.shape_cast %swap3A_1271 : vector<1x16xf32> to vector<16xf32>
    %swap3A_1273 = vector.shape_cast %broadcast_in_dim3A_2 : vector<16xf32> to vector<1x16xf32>
    tpu.vector_store %arg8[%swap3A_1269, %swap3A_1270], %swap3A_1273 {strides = array<i32>} : memref<128x16xf32, #tpu.memory_space<vmem>>, vector<1x16xf32>,
    %swap3A_1274 = arith.constant 106 : i32
    %swap3A_1275 = arith.index_cast %swap3A_1274 : i32 to index
    %swap3A_1276 = arith.constant 0 : index
    %swap3A_1277 = tpu.vector_load %arg7[%swap3A_1275, %swap3A_1276] {strides = array<i32>} : memref<128x16xf32, #tpu.memory_space<vmem>>, vector<1x16xf32>,
    %swap3A_1278 = vector.shape_cast %swap3A_1277 : vector<1x16xf32> to vector<16xf32>
    %swap3A_1279 = vector.shape_cast %broadcast_in_dim3A_0 : vector<16xf32> to vector<1x16xf32>
    tpu.vector_store %arg7[%swap3A_1275, %swap3A_1276], %swap3A_1279 {strides = array<i32>} : memref<128x16xf32, #tpu.memory_space<vmem>>, vector<1x16xf32>,
    %swap3A_1280 = arith.constant 106 : i32
    %swap3A_1281 = arith.index_cast %swap3A_1280 : i32 to index
    %swap3A_1282 = arith.constant 0 : index
    %swap3A_1283 = tpu.vector_load %arg8[%swap3A_1281, %swap3A_1282] {strides = array<i32>} : memref<128x16xf32, #tpu.memory_space<vmem>>, vector<1x16xf32>,
    %swap3A_1284 = vector.shape_cast %swap3A_1283 : vector<1x16xf32> to vector<16xf32>
    %swap3A_1285 = vector.shape_cast %broadcast_in_dim3A_2 : vector<16xf32> to vector<1x16xf32>
    tpu.vector_store %arg8[%swap3A_1281, %swap3A_1282], %swap3A_1285 {strides = array<i32>} : memref<128x16xf32, #tpu.memory_space<vmem>>, vector<1x16xf32>,
    %swap3A_1286 = arith.constant 107 : i32
    %swap3A_1287 = arith.index_cast %swap3A_1286 : i32 to index
    %swap3A_1288 = arith.constant 0 : index
    %swap3A_1289 = tpu.vector_load %arg7[%swap3A_1287, %swap3A_1288] {strides = array<i32>} : memref<128x16xf32, #tpu.memory_space<vmem>>, vector<1x16xf32>,
    %swap3A_1290 = vector.shape_cast %swap3A_1289 : vector<1x16xf32> to vector<16xf32>
    %swap3A_1291 = vector.shape_cast %broadcast_in_dim3A_0 : vector<16xf32> to vector<1x16xf32>
    tpu.vector_store %arg7[%swap3A_1287, %swap3A_1288], %swap3A_1291 {strides = array<i32>} : memref<128x16xf32, #tpu.memory_space<vmem>>, vector<1x16xf32>,
    %swap3A_1292 = arith.constant 107 : i32
    %swap3A_1293 = arith.index_cast %swap3A_1292 : i32 to index
    %swap3A_1294 = arith.constant 0 : index
    %swap3A_1295 = tpu.vector_load %arg8[%swap3A_1293, %swap3A_1294] {strides = array<i32>} : memref<128x16xf32, #tpu.memory_space<vmem>>, vector<1x16xf32>,
    %swap3A_1296 = vector.shape_cast %swap3A_1295 : vector<1x16xf32> to vector<16xf32>
    %swap3A_1297 = vector.shape_cast %broadcast_in_dim3A_2 : vector<16xf32> to vector<1x16xf32>
    tpu.vector_store %arg8[%swap3A_1293, %swap3A_1294], %swap3A_1297 {strides = array<i32>} : memref<128x16xf32, #tpu.memory_space<vmem>>, vector<1x16xf32>,
    %swap3A_1298 = arith.constant 108 : i32
    %swap3A_1299 = arith.index_cast %swap3A_1298 : i32 to index
    %swap3A_1300 = arith.constant 0 : index
    %swap3A_1301 = tpu.vector_load %arg7[%swap3A_1299, %swap3A_1300] {strides = array<i32>} : memref<128x16xf32, #tpu.memory_space<vmem>>, vector<1x16xf32>,
    %swap3A_1302 = vector.shape_cast %swap3A_1301 : vector<1x16xf32> to vector<16xf32>
    %swap3A_1303 = vector.shape_cast %broadcast_in_dim3A_0 : vector<16xf32> to vector<1x16xf32>
    tpu.vector_store %arg7[%swap3A_1299, %swap3A_1300], %swap3A_1303 {strides = array<i32>} : memref<128x16xf32, #tpu.memory_space<vmem>>, vector<1x16xf32>,
    %swap3A_1304 = arith.constant 108 : i32
    %swap3A_1305 = arith.index_cast %swap3A_1304 : i32 to index
    %swap3A_1306 = arith.constant 0 : index
    %swap3A_1307 = tpu.vector_load %arg8[%swap3A_1305, %swap3A_1306] {strides = array<i32>} : memref<128x16xf32, #tpu.memory_space<vmem>>, vector<1x16xf32>,
    %swap3A_1308 = vector.shape_cast %swap3A_1307 : vector<1x16xf32> to vector<16xf32>
    %swap3A_1309 = vector.shape_cast %broadcast_in_dim3A_2 : vector<16xf32> to vector<1x16xf32>
    tpu.vector_store %arg8[%swap3A_1305, %swap3A_1306], %swap3A_1309 {strides = array<i32>} : memref<128x16xf32, #tpu.memory_space<vmem>>, vector<1x16xf32>,
    %swap3A_1310 = arith.constant 109 : i32
    %swap3A_1311 = arith.index_cast %swap3A_1310 : i32 to index
    %swap3A_1312 = arith.constant 0 : index
    %swap3A_1313 = tpu.vector_load %arg7[%swap3A_1311, %swap3A_1312] {strides = array<i32>} : memref<128x16xf32, #tpu.memory_space<vmem>>, vector<1x16xf32>,
    %swap3A_1314 = vector.shape_cast %swap3A_1313 : vector<1x16xf32> to vector<16xf32>
    %swap3A_1315 = vector.shape_cast %broadcast_in_dim3A_0 : vector<16xf32> to vector<1x16xf32>
    tpu.vector_store %arg7[%swap3A_1311, %swap3A_1312], %swap3A_1315 {strides = array<i32>} : memref<128x16xf32, #tpu.memory_space<vmem>>, vector<1x16xf32>,
    %swap3A_1316 = arith.constant 109 : i32
    %swap3A_1317 = arith.index_cast %swap3A_1316 : i32 to index
    %swap3A_1318 = arith.constant 0 : index
    %swap3A_1319 = tpu.vector_load %arg8[%swap3A_1317, %swap3A_1318] {strides = array<i32>} : memref<128x16xf32, #tpu.memory_space<vmem>>, vector<1x16xf32>,
    %swap3A_1320 = vector.shape_cast %swap3A_1319 : vector<1x16xf32> to vector<16xf32>
    %swap3A_1321 = vector.shape_cast %broadcast_in_dim3A_2 : vector<16xf32> to vector<1x16xf32>
    tpu.vector_store %arg8[%swap3A_1317, %swap3A_1318], %swap3A_1321 {strides = array<i32>} : memref<128x16xf32, #tpu.memory_space<vmem>>, vector<1x16xf32>,
    %swap3A_1322 = arith.constant 110 : i32
    %swap3A_1323 = arith.index_cast %swap3A_1322 : i32 to index
    %swap3A_1324 = arith.constant 0 : index
    %swap3A_1325 = tpu.vector_load %arg7[%swap3A_1323, %swap3A_1324] {strides = array<i32>} : memref<128x16xf32, #tpu.memory_space<vmem>>, vector<1x16xf32>,
    %swap3A_1326 = vector.shape_cast %swap3A_1325 : vector<1x16xf32> to vector<16xf32>
    %swap3A_1327 = vector.shape_cast %broadcast_in_dim3A_0 : vector<16xf32> to vector<1x16xf32>
    tpu.vector_store %arg7[%swap3A_1323, %swap3A_1324], %swap3A_1327 {strides = array<i32>} : memref<128x16xf32, #tpu.memory_space<vmem>>, vector<1x16xf32>,
    %swap3A_1328 = arith.constant 110 : i32
    %swap3A_1329 = arith.index_cast %swap3A_1328 : i32 to index
    %swap3A_1330 = arith.constant 0 : index
    %swap3A_1331 = tpu.vector_load %arg8[%swap3A_1329, %swap3A_1330] {strides = array<i32>} : memref<128x16xf32, #tpu.memory_space<vmem>>, vector<1x16xf32>,
    %swap3A_1332 = vector.shape_cast %swap3A_1331 : vector<1x16xf32> to vector<16xf32>
    %swap3A_1333 = vector.shape_cast %broadcast_in_dim3A_2 : vector<16xf32> to vector<1x16xf32>
    tpu.vector_store %arg8[%swap3A_1329, %swap3A_1330], %swap3A_1333 {strides = array<i32>} : memref<128x16xf32, #tpu.memory_space<vmem>>, vector<1x16xf32>,
    %swap3A_1334 = arith.constant 111 : i32
    %swap3A_1335 = arith.index_cast %swap3A_1334 : i32 to index
    %swap3A_1336 = arith.constant 0 : index
    %swap3A_1337 = tpu.vector_load %arg7[%swap3A_1335, %swap3A_1336] {strides = array<i32>} : memref<128x16xf32, #tpu.memory_space<vmem>>, vector<1x16xf32>,
    %swap3A_1338 = vector.shape_cast %swap3A_1337 : vector<1x16xf32> to vector<16xf32>
    %swap3A_1339 = vector.shape_cast %broadcast_in_dim3A_0 : vector<16xf32> to vector<1x16xf32>
    tpu.vector_store %arg7[%swap3A_1335, %swap3A_1336], %swap3A_1339 {strides = array<i32>} : memref<128x16xf32, #tpu.memory_space<vmem>>, vector<1x16xf32>,
    %swap3A_1340 = arith.constant 111 : i32
    %swap3A_1341 = arith.index_cast %swap3A_1340 : i32 to index
    %swap3A_1342 = arith.constant 0 : index
    %swap3A_1343 = tpu.vector_load %arg8[%swap3A_1341, %swap3A_1342] {strides = array<i32>} : memref<128x16xf32, #tpu.memory_space<vmem>>, vector<1x16xf32>,
    %swap3A_1344 = vector.shape_cast %swap3A_1343 : vector<1x16xf32> to vector<16xf32>
    %swap3A_1345 = vector.shape_cast %broadcast_in_dim3A_2 : vector<16xf32> to vector<1x16xf32>
    tpu.vector_store %arg8[%swap3A_1341, %swap3A_1342], %swap3A_1345 {strides = array<i32>} : memref<128x16xf32, #tpu.memory_space<vmem>>, vector<1x16xf32>,
    %swap3A_1346 = arith.constant 112 : i32
    %swap3A_1347 = arith.index_cast %swap3A_1346 : i32 to index
    %swap3A_1348 = arith.constant 0 : index
    %swap3A_1349 = tpu.vector_load %arg7[%swap3A_1347, %swap3A_1348] {strides = array<i32>} : memref<128x16xf32, #tpu.memory_space<vmem>>, vector<1x16xf32>,
    %swap3A_1350 = vector.shape_cast %swap3A_1349 : vector<1x16xf32> to vector<16xf32>
    %swap3A_1351 = vector.shape_cast %broadcast_in_dim3A_0 : vector<16xf32> to vector<1x16xf32>
    tpu.vector_store %arg7[%swap3A_1347, %swap3A_1348], %swap3A_1351 {strides = array<i32>} : memref<128x16xf32, #tpu.memory_space<vmem>>, vector<1x16xf32>,
    %swap3A_1352 = arith.constant 112 : i32
    %swap3A_1353 = arith.index_cast %swap3A_1352 : i32 to index
    %swap3A_1354 = arith.constant 0 : index
    %swap3A_1355 = tpu.vector_load %arg8[%swap3A_1353, %swap3A_1354] {strides = array<i32>} : memref<128x16xf32, #tpu.memory_space<vmem>>, vector<1x16xf32>,
    %swap3A_1356 = vector.shape_cast %swap3A_1355 : vector<1x16xf32> to vector<16xf32>
    %swap3A_1357 = vector.shape_cast %broadcast_in_dim3A_2 : vector<16xf32> to vector<1x16xf32>
    tpu.vector_store %arg8[%swap3A_1353, %swap3A_1354], %swap3A_1357 {strides = array<i32>} : memref<128x16xf32, #tpu.memory_space<vmem>>, vector<1x16xf32>,
    %swap3A_1358 = arith.constant 113 : i32
    %swap3A_1359 = arith.index_cast %swap3A_1358 : i32 to index
    %swap3A_1360 = arith.constant 0 : index
    %swap3A_1361 = tpu.vector_load %arg7[%swap3A_1359, %swap3A_1360] {strides = array<i32>} : memref<128x16xf32, #tpu.memory_space<vmem>>, vector<1x16xf32>,
    %swap3A_1362 = vector.shape_cast %swap3A_1361 : vector<1x16xf32> to vector<16xf32>
    %swap3A_1363 = vector.shape_cast %broadcast_in_dim3A_0 : vector<16xf32> to vector<1x16xf32>
    tpu.vector_store %arg7[%swap3A_1359, %swap3A_1360], %swap3A_1363 {strides = array<i32>} : memref<128x16xf32, #tpu.memory_space<vmem>>, vector<1x16xf32>,
    %swap3A_1364 = arith.constant 113 : i32
    %swap3A_1365 = arith.index_cast %swap3A_1364 : i32 to index
    %swap3A_1366 = arith.constant 0 : index
    %swap3A_1367 = tpu.vector_load %arg8[%swap3A_1365, %swap3A_1366] {strides = array<i32>} : memref<128x16xf32, #tpu.memory_space<vmem>>, vector<1x16xf32>,
    %swap3A_1368 = vector.shape_cast %swap3A_1367 : vector<1x16xf32> to vector<16xf32>
    %swap3A_1369 = vector.shape_cast %broadcast_in_dim3A_2 : vector<16xf32> to vector<1x16xf32>
    tpu.vector_store %arg8[%swap3A_1365, %swap3A_1366], %swap3A_1369 {strides = array<i32>} : memref<128x16xf32, #tpu.memory_space<vmem>>, vector<1x16xf32>,
    %swap3A_1370 = arith.constant 114 : i32
    %swap3A_1371 = arith.index_cast %swap3A_1370 : i32 to index
    %swap3A_1372 = arith.constant 0 : index
    %swap3A_1373 = tpu.vector_load %arg7[%swap3A_1371, %swap3A_1372] {strides = array<i32>} : memref<128x16xf32, #tpu.memory_space<vmem>>, vector<1x16xf32>,
    %swap3A_1374 = vector.shape_cast %swap3A_1373 : vector<1x16xf32> to vector<16xf32>
    %swap3A_1375 = vector.shape_cast %broadcast_in_dim3A_0 : vector<16xf32> to vector<1x16xf32>
    tpu.vector_store %arg7[%swap3A_1371, %swap3A_1372], %swap3A_1375 {strides = array<i32>} : memref<128x16xf32, #tpu.memory_space<vmem>>, vector<1x16xf32>,
    %swap3A_1376 = arith.constant 114 : i32
    %swap3A_1377 = arith.index_cast %swap3A_1376 : i32 to index
    %swap3A_1378 = arith.constant 0 : index
    %swap3A_1379 = tpu.vector_load %arg8[%swap3A_1377, %swap3A_1378] {strides = array<i32>} : memref<128x16xf32, #tpu.memory_space<vmem>>, vector<1x16xf32>,
    %swap3A_1380 = vector.shape_cast %swap3A_1379 : vector<1x16xf32> to vector<16xf32>
    %swap3A_1381 = vector.shape_cast %broadcast_in_dim3A_2 : vector<16xf32> to vector<1x16xf32>
    tpu.vector_store %arg8[%swap3A_1377, %swap3A_1378], %swap3A_1381 {strides = array<i32>} : memref<128x16xf32, #tpu.memory_space<vmem>>, vector<1x16xf32>,
    %swap3A_1382 = arith.constant 115 : i32
    %swap3A_1383 = arith.index_cast %swap3A_1382 : i32 to index
    %swap3A_1384 = arith.constant 0 : index
    %swap3A_1385 = tpu.vector_load %arg7[%swap3A_1383, %swap3A_1384] {strides = array<i32>} : memref<128x16xf32, #tpu.memory_space<vmem>>, vector<1x16xf32>,
    %swap3A_1386 = vector.shape_cast %swap3A_1385 : vector<1x16xf32> to vector<16xf32>
    %swap3A_1387 = vector.shape_cast %broadcast_in_dim3A_0 : vector<16xf32> to vector<1x16xf32>
    tpu.vector_store %arg7[%swap3A_1383, %swap3A_1384], %swap3A_1387 {strides = array<i32>} : memref<128x16xf32, #tpu.memory_space<vmem>>, vector<1x16xf32>,
    %swap3A_1388 = arith.constant 115 : i32
    %swap3A_1389 = arith.index_cast %swap3A_1388 : i32 to index
    %swap3A_1390 = arith.constant 0 : index
    %swap3A_1391 = tpu.vector_load %arg8[%swap3A_1389, %swap3A_1390] {strides = array<i32>} : memref<128x16xf32, #tpu.memory_space<vmem>>, vector<1x16xf32>,
    %swap3A_1392 = vector.shape_cast %swap3A_1391 : vector<1x16xf32> to vector<16xf32>
    %swap3A_1393 = vector.shape_cast %broadcast_in_dim3A_2 : vector<16xf32> to vector<1x16xf32>
    tpu.vector_store %arg8[%swap3A_1389, %swap3A_1390], %swap3A_1393 {strides = array<i32>} : memref<128x16xf32, #tpu.memory_space<vmem>>, vector<1x16xf32>,
    %swap3A_1394 = arith.constant 116 : i32
    %swap3A_1395 = arith.index_cast %swap3A_1394 : i32 to index
    %swap3A_1396 = arith.constant 0 : index
    %swap3A_1397 = tpu.vector_load %arg7[%swap3A_1395, %swap3A_1396] {strides = array<i32>} : memref<128x16xf32, #tpu.memory_space<vmem>>, vector<1x16xf32>,
    %swap3A_1398 = vector.shape_cast %swap3A_1397 : vector<1x16xf32> to vector<16xf32>
    %swap3A_1399 = vector.shape_cast %broadcast_in_dim3A_0 : vector<16xf32> to vector<1x16xf32>
    tpu.vector_store %arg7[%swap3A_1395, %swap3A_1396], %swap3A_1399 {strides = array<i32>} : memref<128x16xf32, #tpu.memory_space<vmem>>, vector<1x16xf32>,
    %swap3A_1400 = arith.constant 116 : i32
    %swap3A_1401 = arith.index_cast %swap3A_1400 : i32 to index
    %swap3A_1402 = arith.constant 0 : index
    %swap3A_1403 = tpu.vector_load %arg8[%swap3A_1401, %swap3A_1402] {strides = array<i32>} : memref<128x16xf32, #tpu.memory_space<vmem>>, vector<1x16xf32>,
    %swap3A_1404 = vector.shape_cast %swap3A_1403 : vector<1x16xf32> to vector<16xf32>
    %swap3A_1405 = vector.shape_cast %broadcast_in_dim3A_2 : vector<16xf32> to vector<1x16xf32>
    tpu.vector_store %arg8[%swap3A_1401, %swap3A_1402], %swap3A_1405 {strides = array<i32>} : memref<128x16xf32, #tpu.memory_space<vmem>>, vector<1x16xf32>,
    %swap3A_1406 = arith.constant 117 : i32
    %swap3A_1407 = arith.index_cast %swap3A_1406 : i32 to index
    %swap3A_1408 = arith.constant 0 : index
    %swap3A_1409 = tpu.vector_load %arg7[%swap3A_1407, %swap3A_1408] {strides = array<i32>} : memref<128x16xf32, #tpu.memory_space<vmem>>, vector<1x16xf32>,
    %swap3A_1410 = vector.shape_cast %swap3A_1409 : vector<1x16xf32> to vector<16xf32>
    %swap3A_1411 = vector.shape_cast %broadcast_in_dim3A_0 : vector<16xf32> to vector<1x16xf32>
    tpu.vector_store %arg7[%swap3A_1407, %swap3A_1408], %swap3A_1411 {strides = array<i32>} : memref<128x16xf32, #tpu.memory_space<vmem>>, vector<1x16xf32>,
    %swap3A_1412 = arith.constant 117 : i32
    %swap3A_1413 = arith.index_cast %swap3A_1412 : i32 to index
    %swap3A_1414 = arith.constant 0 : index
    %swap3A_1415 = tpu.vector_load %arg8[%swap3A_1413, %swap3A_1414] {strides = array<i32>} : memref<128x16xf32, #tpu.memory_space<vmem>>, vector<1x16xf32>,
    %swap3A_1416 = vector.shape_cast %swap3A_1415 : vector<1x16xf32> to vector<16xf32>
    %swap3A_1417 = vector.shape_cast %broadcast_in_dim3A_2 : vector<16xf32> to vector<1x16xf32>
    tpu.vector_store %arg8[%swap3A_1413, %swap3A_1414], %swap3A_1417 {strides = array<i32>} : memref<128x16xf32, #tpu.memory_space<vmem>>, vector<1x16xf32>,
    %swap3A_1418 = arith.constant 118 : i32
    %swap3A_1419 = arith.index_cast %swap3A_1418 : i32 to index
    %swap3A_1420 = arith.constant 0 : index
    %swap3A_1421 = tpu.vector_load %arg7[%swap3A_1419, %swap3A_1420] {strides = array<i32>} : memref<128x16xf32, #tpu.memory_space<vmem>>, vector<1x16xf32>,
    %swap3A_1422 = vector.shape_cast %swap3A_1421 : vector<1x16xf32> to vector<16xf32>
    %swap3A_1423 = vector.shape_cast %broadcast_in_dim3A_0 : vector<16xf32> to vector<1x16xf32>
    tpu.vector_store %arg7[%swap3A_1419, %swap3A_1420], %swap3A_1423 {strides = array<i32>} : memref<128x16xf32, #tpu.memory_space<vmem>>, vector<1x16xf32>,
    %swap3A_1424 = arith.constant 118 : i32
    %swap3A_1425 = arith.index_cast %swap3A_1424 : i32 to index
    %swap3A_1426 = arith.constant 0 : index
    %swap3A_1427 = tpu.vector_load %arg8[%swap3A_1425, %swap3A_1426] {strides = array<i32>} : memref<128x16xf32, #tpu.memory_space<vmem>>, vector<1x16xf32>,
    %swap3A_1428 = vector.shape_cast %swap3A_1427 : vector<1x16xf32> to vector<16xf32>
    %swap3A_1429 = vector.shape_cast %broadcast_in_dim3A_2 : vector<16xf32> to vector<1x16xf32>
    tpu.vector_store %arg8[%swap3A_1425, %swap3A_1426], %swap3A_1429 {strides = array<i32>} : memref<128x16xf32, #tpu.memory_space<vmem>>, vector<1x16xf32>,
    %swap3A_1430 = arith.constant 119 : i32
    %swap3A_1431 = arith.index_cast %swap3A_1430 : i32 to index
    %swap3A_1432 = arith.constant 0 : index
    %swap3A_1433 = tpu.vector_load %arg7[%swap3A_1431, %swap3A_1432] {strides = array<i32>} : memref<128x16xf32, #tpu.memory_space<vmem>>, vector<1x16xf32>,
    %swap3A_1434 = vector.shape_cast %swap3A_1433 : vector<1x16xf32> to vector<16xf32>
    %swap3A_1435 = vector.shape_cast %broadcast_in_dim3A_0 : vector<16xf32> to vector<1x16xf32>
    tpu.vector_store %arg7[%swap3A_1431, %swap3A_1432], %swap3A_1435 {strides = array<i32>} : memref<128x16xf32, #tpu.memory_space<vmem>>, vector<1x16xf32>,
    %swap3A_1436 = arith.constant 119 : i32
    %swap3A_1437 = arith.index_cast %swap3A_1436 : i32 to index
    %swap3A_1438 = arith.constant 0 : index
    %swap3A_1439 = tpu.vector_load %arg8[%swap3A_1437, %swap3A_1438] {strides = array<i32>} : memref<128x16xf32, #tpu.memory_space<vmem>>, vector<1x16xf32>,
    %swap3A_1440 = vector.shape_cast %swap3A_1439 : vector<1x16xf32> to vector<16xf32>
    %swap3A_1441 = vector.shape_cast %broadcast_in_dim3A_2 : vector<16xf32> to vector<1x16xf32>
    tpu.vector_store %arg8[%swap3A_1437, %swap3A_1438], %swap3A_1441 {strides = array<i32>} : memref<128x16xf32, #tpu.memory_space<vmem>>, vector<1x16xf32>,
    %swap3A_1442 = arith.constant 120 : i32
    %swap3A_1443 = arith.index_cast %swap3A_1442 : i32 to index
    %swap3A_1444 = arith.constant 0 : index
    %swap3A_1445 = tpu.vector_load %arg7[%swap3A_1443, %swap3A_1444] {strides = array<i32>} : memref<128x16xf32, #tpu.memory_space<vmem>>, vector<1x16xf32>,
    %swap3A_1446 = vector.shape_cast %swap3A_1445 : vector<1x16xf32> to vector<16xf32>
    %swap3A_1447 = vector.shape_cast %broadcast_in_dim3A_0 : vector<16xf32> to vector<1x16xf32>
    tpu.vector_store %arg7[%swap3A_1443, %swap3A_1444], %swap3A_1447 {strides = array<i32>} : memref<128x16xf32, #tpu.memory_space<vmem>>, vector<1x16xf32>,
    %swap3A_1448 = arith.constant 120 : i32
    %swap3A_1449 = arith.index_cast %swap3A_1448 : i32 to index
    %swap3A_1450 = arith.constant 0 : index
    %swap3A_1451 = tpu.vector_load %arg8[%swap3A_1449, %swap3A_1450] {strides = array<i32>} : memref<128x16xf32, #tpu.memory_space<vmem>>, vector<1x16xf32>,
    %swap3A_1452 = vector.shape_cast %swap3A_1451 : vector<1x16xf32> to vector<16xf32>
    %swap3A_1453 = vector.shape_cast %broadcast_in_dim3A_2 : vector<16xf32> to vector<1x16xf32>
    tpu.vector_store %arg8[%swap3A_1449, %swap3A_1450], %swap3A_1453 {strides = array<i32>} : memref<128x16xf32, #tpu.memory_space<vmem>>, vector<1x16xf32>,
    %swap3A_1454 = arith.constant 121 : i32
    %swap3A_1455 = arith.index_cast %swap3A_1454 : i32 to index
    %swap3A_1456 = arith.constant 0 : index
    %swap3A_1457 = tpu.vector_load %arg7[%swap3A_1455, %swap3A_1456] {strides = array<i32>} : memref<128x16xf32, #tpu.memory_space<vmem>>, vector<1x16xf32>,
    %swap3A_1458 = vector.shape_cast %swap3A_1457 : vector<1x16xf32> to vector<16xf32>
    %swap3A_1459 = vector.shape_cast %broadcast_in_dim3A_0 : vector<16xf32> to vector<1x16xf32>
    tpu.vector_store %arg7[%swap3A_1455, %swap3A_1456], %swap3A_1459 {strides = array<i32>} : memref<128x16xf32, #tpu.memory_space<vmem>>, vector<1x16xf32>,
    %swap3A_1460 = arith.constant 121 : i32
    %swap3A_1461 = arith.index_cast %swap3A_1460 : i32 to index
    %swap3A_1462 = arith.constant 0 : index
    %swap3A_1463 = tpu.vector_load %arg8[%swap3A_1461, %swap3A_1462] {strides = array<i32>} : memref<128x16xf32, #tpu.memory_space<vmem>>, vector<1x16xf32>,
    %swap3A_1464 = vector.shape_cast %swap3A_1463 : vector<1x16xf32> to vector<16xf32>
    %swap3A_1465 = vector.shape_cast %broadcast_in_dim3A_2 : vector<16xf32> to vector<1x16xf32>
    tpu.vector_store %arg8[%swap3A_1461, %swap3A_1462], %swap3A_1465 {strides = array<i32>} : memref<128x16xf32, #tpu.memory_space<vmem>>, vector<1x16xf32>,
    %swap3A_1466 = arith.constant 122 : i32
    %swap3A_1467 = arith.index_cast %swap3A_1466 : i32 to index
    %swap3A_1468 = arith.constant 0 : index
    %swap3A_1469 = tpu.vector_load %arg7[%swap3A_1467, %swap3A_1468] {strides = array<i32>} : memref<128x16xf32, #tpu.memory_space<vmem>>, vector<1x16xf32>,
    %swap3A_1470 = vector.shape_cast %swap3A_1469 : vector<1x16xf32> to vector<16xf32>
    %swap3A_1471 = vector.shape_cast %broadcast_in_dim3A_0 : vector<16xf32> to vector<1x16xf32>
    tpu.vector_store %arg7[%swap3A_1467, %swap3A_1468], %swap3A_1471 {strides = array<i32>} : memref<128x16xf32, #tpu.memory_space<vmem>>, vector<1x16xf32>,
    %swap3A_1472 = arith.constant 122 : i32
    %swap3A_1473 = arith.index_cast %swap3A_1472 : i32 to index
    %swap3A_1474 = arith.constant 0 : index
    %swap3A_1475 = tpu.vector_load %arg8[%swap3A_1473, %swap3A_1474] {strides = array<i32>} : memref<128x16xf32, #tpu.memory_space<vmem>>, vector<1x16xf32>,
    %swap3A_1476 = vector.shape_cast %swap3A_1475 : vector<1x16xf32> to vector<16xf32>
    %swap3A_1477 = vector.shape_cast %broadcast_in_dim3A_2 : vector<16xf32> to vector<1x16xf32>
    tpu.vector_store %arg8[%swap3A_1473, %swap3A_1474], %swap3A_1477 {strides = array<i32>} : memref<128x16xf32, #tpu.memory_space<vmem>>, vector<1x16xf32>,
    %swap3A_1478 = arith.constant 123 : i32
    %swap3A_1479 = arith.index_cast %swap3A_1478 : i32 to index
    %swap3A_1480 = arith.constant 0 : index
    %swap3A_1481 = tpu.vector_load %arg7[%swap3A_1479, %swap3A_1480] {strides = array<i32>} : memref<128x16xf32, #tpu.memory_space<vmem>>, vector<1x16xf32>,
    %swap3A_1482 = vector.shape_cast %swap3A_1481 : vector<1x16xf32> to vector<16xf32>
    %swap3A_1483 = vector.shape_cast %broadcast_in_dim3A_0 : vector<16xf32> to vector<1x16xf32>
    tpu.vector_store %arg7[%swap3A_1479, %swap3A_1480], %swap3A_1483 {strides = array<i32>} : memref<128x16xf32, #tpu.memory_space<vmem>>, vector<1x16xf32>,
    %swap3A_1484 = arith.constant 123 : i32
    %swap3A_1485 = arith.index_cast %swap3A_1484 : i32 to index
    %swap3A_1486 = arith.constant 0 : index
    %swap3A_1487 = tpu.vector_load %arg8[%swap3A_1485, %swap3A_1486] {strides = array<i32>} : memref<128x16xf32, #tpu.memory_space<vmem>>, vector<1x16xf32>,
    %swap3A_1488 = vector.shape_cast %swap3A_1487 : vector<1x16xf32> to vector<16xf32>
    %swap3A_1489 = vector.shape_cast %broadcast_in_dim3A_2 : vector<16xf32> to vector<1x16xf32>
    tpu.vector_store %arg8[%swap3A_1485, %swap3A_1486], %swap3A_1489 {strides = array<i32>} : memref<128x16xf32, #tpu.memory_space<vmem>>, vector<1x16xf32>,
    %swap3A_1490 = arith.constant 124 : i32
    %swap3A_1491 = arith.index_cast %swap3A_1490 : i32 to index
    %swap3A_1492 = arith.constant 0 : index
    %swap3A_1493 = tpu.vector_load %arg7[%swap3A_1491, %swap3A_1492] {strides = array<i32>} : memref<128x16xf32, #tpu.memory_space<vmem>>, vector<1x16xf32>,
    %swap3A_1494 = vector.shape_cast %swap3A_1493 : vector<1x16xf32> to vector<16xf32>
    %swap3A_1495 = vector.shape_cast %broadcast_in_dim3A_0 : vector<16xf32> to vector<1x16xf32>
    tpu.vector_store %arg7[%swap3A_1491, %swap3A_1492], %swap3A_1495 {strides = array<i32>} : memref<128x16xf32, #tpu.memory_space<vmem>>, vector<1x16xf32>,
    %swap3A_1496 = arith.constant 124 : i32
    %swap3A_1497 = arith.index_cast %swap3A_1496 : i32 to index
    %swap3A_1498 = arith.constant 0 : index
    %swap3A_1499 = tpu.vector_load %arg8[%swap3A_1497, %swap3A_1498] {strides = array<i32>} : memref<128x16xf32, #tpu.memory_space<vmem>>, vector<1x16xf32>,
    %swap3A_1500 = vector.shape_cast %swap3A_1499 : vector<1x16xf32> to vector<16xf32>
    %swap3A_1501 = vector.shape_cast %broadcast_in_dim3A_2 : vector<16xf32> to vector<1x16xf32>
    tpu.vector_store %arg8[%swap3A_1497, %swap3A_1498], %swap3A_1501 {strides = array<i32>} : memref<128x16xf32, #tpu.memory_space<vmem>>, vector<1x16xf32>,
    %swap3A_1502 = arith.constant 125 : i32
    %swap3A_1503 = arith.index_cast %swap3A_1502 : i32 to index
    %swap3A_1504 = arith.constant 0 : index
    %swap3A_1505 = tpu.vector_load %arg7[%swap3A_1503, %swap3A_1504] {strides = array<i32>} : memref<128x16xf32, #tpu.memory_space<vmem>>, vector<1x16xf32>,
    %swap3A_1506 = vector.shape_cast %swap3A_1505 : vector<1x16xf32> to vector<16xf32>
    %swap3A_1507 = vector.shape_cast %broadcast_in_dim3A_0 : vector<16xf32> to vector<1x16xf32>
    tpu.vector_store %arg7[%swap3A_1503, %swap3A_1504], %swap3A_1507 {strides = array<i32>} : memref<128x16xf32, #tpu.memory_space<vmem>>, vector<1x16xf32>,
    %swap3A_1508 = arith.constant 125 : i32
    %swap3A_1509 = arith.index_cast %swap3A_1508 : i32 to index
    %swap3A_1510 = arith.constant 0 : index
    %swap3A_1511 = tpu.vector_load %arg8[%swap3A_1509, %swap3A_1510] {strides = array<i32>} : memref<128x16xf32, #tpu.memory_space<vmem>>, vector<1x16xf32>,
    %swap3A_1512 = vector.shape_cast %swap3A_1511 : vector<1x16xf32> to vector<16xf32>
    %swap3A_1513 = vector.shape_cast %broadcast_in_dim3A_2 : vector<16xf32> to vector<1x16xf32>
    tpu.vector_store %arg8[%swap3A_1509, %swap3A_1510], %swap3A_1513 {strides = array<i32>} : memref<128x16xf32, #tpu.memory_space<vmem>>, vector<1x16xf32>,
    %swap3A_1514 = arith.constant 126 : i32
    %swap3A_1515 = arith.index_cast %swap3A_1514 : i32 to index
    %swap3A_1516 = arith.constant 0 : index
    %swap3A_1517 = tpu.vector_load %arg7[%swap3A_1515, %swap3A_1516] {strides = array<i32>} : memref<128x16xf32, #tpu.memory_space<vmem>>, vector<1x16xf32>,
    %swap3A_1518 = vector.shape_cast %swap3A_1517 : vector<1x16xf32> to vector<16xf32>
    %swap3A_1519 = vector.shape_cast %broadcast_in_dim3A_0 : vector<16xf32> to vector<1x16xf32>
    tpu.vector_store %arg7[%swap3A_1515, %swap3A_1516], %swap3A_1519 {strides = array<i32>} : memref<128x16xf32, #tpu.memory_space<vmem>>, vector<1x16xf32>,
    %swap3A_1520 = arith.constant 126 : i32
    %swap3A_1521 = arith.index_cast %swap3A_1520 : i32 to index
    %swap3A_1522 = arith.constant 0 : index
    %swap3A_1523 = tpu.vector_load %arg8[%swap3A_1521, %swap3A_1522] {strides = array<i32>} : memref<128x16xf32, #tpu.memory_space<vmem>>, vector<1x16xf32>,
    %swap3A_1524 = vector.shape_cast %swap3A_1523 : vector<1x16xf32> to vector<16xf32>
    %swap3A_1525 = vector.shape_cast %broadcast_in_dim3A_2 : vector<16xf32> to vector<1x16xf32>
    tpu.vector_store %arg8[%swap3A_1521, %swap3A_1522], %swap3A_1525 {strides = array<i32>} : memref<128x16xf32, #tpu.memory_space<vmem>>, vector<1x16xf32>,
    %swap3A_1526 = arith.constant 127 : i32
    %swap3A_1527 = arith.index_cast %swap3A_1526 : i32 to index
    %swap3A_1528 = arith.constant 0 : index
    %swap3A_1529 = tpu.vector_load %arg7[%swap3A_1527, %swap3A_1528] {strides = array<i32>} : memref<128x16xf32, #tpu.memory_space<vmem>>, vector<1x16xf32>,
    %swap3A_1530 = vector.shape_cast %swap3A_1529 : vector<1x16xf32> to vector<16xf32>
    %swap3A_1531 = vector.shape_cast %broadcast_in_dim3A_0 : vector<16xf32> to vector<1x16xf32>
    tpu.vector_store %arg7[%swap3A_1527, %swap3A_1528], %swap3A_1531 {strides = array<i32>} : memref<128x16xf32, #tpu.memory_space<vmem>>, vector<1x16xf32>,
    %swap3A_1532 = arith.constant 127 : i32
    %swap3A_1533 = arith.index_cast %swap3A_1532 : i32 to index
    %swap3A_1534 = arith.constant 0 : index
    %swap3A_1535 = tpu.vector_load %arg8[%swap3A_1533, %swap3A_1534] {strides = array<i32>} : memref<128x16xf32, #tpu.memory_space<vmem>>, vector<1x16xf32>,
    %swap3A_1536 = vector.shape_cast %swap3A_1535 : vector<1x16xf32> to vector<16xf32>
    %swap3A_1537 = vector.shape_cast %broadcast_in_dim3A_2 : vector<16xf32> to vector<1x16xf32>
    tpu.vector_store %arg8[%swap3A_1533, %swap3A_1534], %swap3A_1537 {strides = array<i32>} : memref<128x16xf32, #tpu.memory_space<vmem>>, vector<1x16xf32>,
    %mul3A = arith.constant 640 : i32
    %mul3A_1538 = arith.muli %arg1, %mul3A : i32
    %scan3A = arith.constant 0 : i32
    %scan3A_1539 = arith.constant 0 : i32
    %scan3A_1540 = arith.constant 5 : i32
    %scan3A_1541 = arith.addi %scan3A_1539, %scan3A_1540 : i32
    %scan3A_1542 = arith.constant 1 : i32
    scf.for %scan3A_1571 = %scan3A_1539 to %scan3A_1541 step %scan3A_1542  : i32 {
      %mul3A_1572 = arith.constant 128 : i32
      %mul3A_1573 = arith.muli %scan3A_1571, %mul3A_1572 : i32
      %add3A_1574 = arith.addi %mul3A_1538, %mul3A_1573 : i32
      "tpu.region"() ({
        %run_scoped3A = tpu.sem_alloc : memref<!tpu.dma_semaphore, #tpu.memory_space<semaphore_mem>>
        %dma_start3A_1575 = arith.constant 0 : i32
        %dma_start3A_1576 = tpu.memref_slice %arg4[%add3A_1574, %dma_start3A_1575] : memref<10240x16xf32, #tpu.memory_space<vmem_shared>> -> memref<128x16xf32, #tpu.memory_space<vmem_shared>>
        %dma_start3A_1577 = arith.constant 0 : i32
        %dma_start3A_1578 = tpu.memref_slice %arg4[%add3A_1574, %dma_start3A_1577] : memref<10240x16xf32, #tpu.memory_space<vmem_shared>> -> memref<128x16xf32, #tpu.memory_space<vmem_shared>>
        tpu.enqueue_dma source(%arg8 : memref<128x16xf32, #tpu.memory_space<vmem>>) target(%dma_start3A_1578 : memref<128x16xf32, #tpu.memory_space<vmem_shared>>) target_semaphore(%run_scoped3A : memref<!tpu.dma_semaphore, #tpu.memory_space<semaphore_mem>>)
        %dma_wait3A_1579 = arith.constant 0 : i32
        %dma_wait3A_1580 = tpu.memref_slice %arg4[%add3A_1574, %dma_wait3A_1579] : memref<10240x16xf32, #tpu.memory_space<vmem_shared>> -> memref<128x16xf32, #tpu.memory_space<vmem_shared>>
        %dma_wait3A_1581 = arith.constant 0 : i32
        %dma_wait3A_1582 = tpu.memref_slice %arg4[%add3A_1574, %dma_wait3A_1581] : memref<10240x16xf32, #tpu.memory_space<vmem_shared>> -> memref<128x16xf32, #tpu.memory_space<vmem_shared>>
        tpu.wait_dma2 semaphore(%run_scoped3A : memref<!tpu.dma_semaphore, #tpu.memory_space<semaphore_mem>>) src(%arg8 : memref<128x16xf32, #tpu.memory_space<vmem>>) dst(%dma_wait3A_1582 : memref<128x16xf32, #tpu.memory_space<vmem_shared>>)
        tpu.yield
      }) : () -> ()
    }
    %scan3A_1543 = arith.constant 5 : i32
    %barrier3A = arith.constant 0 : index
    tpu.barrier barrier_id(%barrier3A)
    %mul3A_1544 = arith.constant 163840 : i32
    %mul3A_1545 = arith.muli %arg0, %mul3A_1544 : i32
    %mul3A_1546 = arith.constant 10240 : i32
    %mul3A_1547 = arith.muli %arg1, %mul3A_1546 : i32
    %add3A = arith.addi %mul3A_1545, %mul3A_1547 : i32
    %add3A_1548 = arith.constant 0 : i32
    %add3A_1549 = arith.addi %add3A, %add3A_1548 : i32
    %dma_start3A = tpu.memref_slice %arg2[%add3A_1549] : memref<327680xi32, #tpu.memory_space<hbm>> -> memref<128xi32, #tpu.memory_space<hbm>>
    %dma_start3A_1550 = tpu.memref_slice %arg2[%add3A_1549] : memref<327680xi32, #tpu.memory_space<hbm>> -> memref<128xi32, #tpu.memory_space<hbm>>
    tpu.enqueue_dma source(%dma_start3A_1550 : memref<128xi32, #tpu.memory_space<hbm>>) target(%arg5 : memref<128xi32, #tpu.memory_space<vmem>>) target_semaphore(%arg9 : memref<!tpu.dma_semaphore, #tpu.memory_space<semaphore_mem>>)
    %scan3A_1551 = arith.constant 0 : i32
    %scan3A_1552 = arith.constant 0 : i32
    %scan3A_1553 = arith.constant 39 : i32
    %scan3A_1554 = arith.addi %scan3A_1552, %scan3A_1553 : i32
    %scan3A_1555 = arith.constant 1 : i32
    scf.for %scan3A_1571 = %scan3A_1552 to %scan3A_1554 step %scan3A_1555  : i32 {
      %mul3A_1572 = arith.constant 2 : i32
      %mul3A_1573 = arith.muli %mul3A_1572, %scan3A_1571 : i32
      %add3A_1574 = arith.constant 1 : i32
      %add3A_1575 = arith.addi %mul3A_1573, %add3A_1574 : i32
      %mul3A_1576 = arith.constant 128 : i32
      %mul3A_1577 = arith.muli %add3A_1575, %mul3A_1576 : i32
      %add3A_1578 = arith.addi %add3A, %mul3A_1577 : i32
      %dma_start3A_1579 = tpu.memref_slice %arg2[%add3A_1578] : memref<327680xi32, #tpu.memory_space<hbm>> -> memref<128xi32, #tpu.memory_space<hbm>>
      %dma_start3A_1580 = tpu.memref_slice %arg2[%add3A_1578] : memref<327680xi32, #tpu.memory_space<hbm>> -> memref<128xi32, #tpu.memory_space<hbm>>
      tpu.enqueue_dma source(%dma_start3A_1580 : memref<128xi32, #tpu.memory_space<hbm>>) target(%arg6 : memref<128xi32, #tpu.memory_space<vmem>>) target_semaphore(%arg10 : memref<!tpu.dma_semaphore, #tpu.memory_space<semaphore_mem>>)
      %dma_wait3A_1581 = tpu.memref_slice %arg2[%add3A] : memref<327680xi32, #tpu.memory_space<hbm>> -> memref<128xi32, #tpu.memory_space<hbm>>
      %dma_wait3A_1582 = tpu.memref_slice %arg2[%add3A] : memref<327680xi32, #tpu.memory_space<hbm>> -> memref<128xi32, #tpu.memory_space<hbm>>
      tpu.wait_dma2 semaphore(%arg9 : memref<!tpu.dma_semaphore, #tpu.memory_space<semaphore_mem>>) src(%dma_wait3A_1582 : memref<128xi32, #tpu.memory_space<hbm>>) dst(%arg5 : memref<128xi32, #tpu.memory_space<vmem>>)
      "tpu.region"() ({
        %run_scoped3A = tpu.sem_alloc : memref<!tpu.dma_semaphore, #tpu.memory_space<semaphore_mem>>
        %dma_start3A_1592 = arith.constant 0 : i32
        %dma_start3A_1593 = arith.constant 0 : i32
        %dma_start3A_1594 = tpu.memref_slice %arg4[%dma_start3A_1592, %dma_start3A_1593] : memref<10240x16xf32, #tpu.memory_space<vmem_shared>> -> memref<10240x16xf32, #tpu.memory_space<vmem_shared>>
        tpu.enqueue_indirect_dma source(%arg7 : memref<128x16xf32, #tpu.memory_space<vmem>>) target(%dma_start3A_1594 : memref<10240x16xf32, #tpu.memory_space<vmem_shared>>) offsets(%arg5 : memref<128xi32, #tpu.memory_space<vmem>>) semaphore(%run_scoped3A : memref<!tpu.dma_semaphore, #tpu.memory_space<semaphore_mem>>) {add = true}
        %dma_wait3A_1595 = arith.constant 0 : i32
        %dma_wait3A_1596 = arith.constant 0 : i32
        %dma_wait3A_1597 = tpu.memref_slice %arg4[%dma_wait3A_1595, %dma_wait3A_1596] : memref<10240x16xf32, #tpu.memory_space<vmem_shared>> -> memref<10240x16xf32, #tpu.memory_space<vmem_shared>>
        tpu.wait_indirect_dma semaphore(%run_scoped3A : memref<!tpu.dma_semaphore, #tpu.memory_space<semaphore_mem>>) src(%arg7 : memref<128x16xf32, #tpu.memory_space<vmem>>) dst(%dma_wait3A_1597 : memref<10240x16xf32, #tpu.memory_space<vmem_shared>>)
        tpu.yield
      }) : () -> ()
      %add3A_1583 = arith.constant 2 : i32
      %add3A_1584 = arith.addi %mul3A_1573, %add3A_1583 : i32
      %mul3A_1585 = arith.constant 128 : i32
      %mul3A_1586 = arith.muli %add3A_1584, %mul3A_1585 : i32
      %add3A_1587 = arith.addi %add3A, %mul3A_1586 : i32
      %dma_start3A_1588 = tpu.memref_slice %arg2[%add3A_1587] : memref<327680xi32, #tpu.memory_space<hbm>> -> memref<128xi32, #tpu.memory_space<hbm>>
      %dma_start3A_1589 = tpu.memref_slice %arg2[%add3A_1587] : memref<327680xi32, #tpu.memory_space<hbm>> -> memref<128xi32, #tpu.memory_space<hbm>>
      tpu.enqueue_dma source(%dma_start3A_1589 : memref<128xi32, #tpu.memory_space<hbm>>) target(%arg5 : memref<128xi32, #tpu.memory_space<vmem>>) target_semaphore(%arg9 : memref<!tpu.dma_semaphore, #tpu.memory_space<semaphore_mem>>)
      %dma_wait3A_1590 = tpu.memref_slice %arg2[%add3A] : memref<327680xi32, #tpu.memory_space<hbm>> -> memref<128xi32, #tpu.memory_space<hbm>>
      %dma_wait3A_1591 = tpu.memref_slice %arg2[%add3A] : memref<327680xi32, #tpu.memory_space<hbm>> -> memref<128xi32, #tpu.memory_space<hbm>>
      tpu.wait_dma2 semaphore(%arg10 : memref<!tpu.dma_semaphore, #tpu.memory_space<semaphore_mem>>) src(%dma_wait3A_1591 : memref<128xi32, #tpu.memory_space<hbm>>) dst(%arg6 : memref<128xi32, #tpu.memory_space<vmem>>)
      "tpu.region"() ({
        %run_scoped3A = tpu.sem_alloc : memref<!tpu.dma_semaphore, #tpu.memory_space<semaphore_mem>>
        %dma_start3A_1592 = arith.constant 0 : i32
        %dma_start3A_1593 = arith.constant 0 : i32
        %dma_start3A_1594 = tpu.memref_slice %arg4[%dma_start3A_1592, %dma_start3A_1593] : memref<10240x16xf32, #tpu.memory_space<vmem_shared>> -> memref<10240x16xf32, #tpu.memory_space<vmem_shared>>
        tpu.enqueue_indirect_dma source(%arg7 : memref<128x16xf32, #tpu.memory_space<vmem>>) target(%dma_start3A_1594 : memref<10240x16xf32, #tpu.memory_space<vmem_shared>>) offsets(%arg6 : memref<128xi32, #tpu.memory_space<vmem>>) semaphore(%run_scoped3A : memref<!tpu.dma_semaphore, #tpu.memory_space<semaphore_mem>>) {add = true}
        %dma_wait3A_1595 = arith.constant 0 : i32
        %dma_wait3A_1596 = arith.constant 0 : i32
        %dma_wait3A_1597 = tpu.memref_slice %arg4[%dma_wait3A_1595, %dma_wait3A_1596] : memref<10240x16xf32, #tpu.memory_space<vmem_shared>> -> memref<10240x16xf32, #tpu.memory_space<vmem_shared>>
        tpu.wait_indirect_dma semaphore(%run_scoped3A : memref<!tpu.dma_semaphore, #tpu.memory_space<semaphore_mem>>) src(%arg7 : memref<128x16xf32, #tpu.memory_space<vmem>>) dst(%dma_wait3A_1597 : memref<10240x16xf32, #tpu.memory_space<vmem_shared>>)
        tpu.yield
      }) : () -> ()
    }
    %scan3A_1556 = arith.constant 39 : i32
    %add3A_1557 = arith.constant 10112 : i32
    %add3A_1558 = arith.addi %add3A, %add3A_1557 : i32
    %dma_start3A_1559 = tpu.memref_slice %arg2[%add3A_1558] : memref<327680xi32, #tpu.memory_space<hbm>> -> memref<128xi32, #tpu.memory_space<hbm>>
    %dma_start3A_1560 = tpu.memref_slice %arg2[%add3A_1558] : memref<327680xi32, #tpu.memory_space<hbm>> -> memref<128xi32, #tpu.memory_space<hbm>>
    tpu.enqueue_dma source(%dma_start3A_1560 : memref<128xi32, #tpu.memory_space<hbm>>) target(%arg6 : memref<128xi32, #tpu.memory_space<vmem>>) target_semaphore(%arg10 : memref<!tpu.dma_semaphore, #tpu.memory_space<semaphore_mem>>)
    %dma_wait3A = tpu.memref_slice %arg2[%add3A] : memref<327680xi32, #tpu.memory_space<hbm>> -> memref<128xi32, #tpu.memory_space<hbm>>
    %dma_wait3A_1561 = tpu.memref_slice %arg2[%add3A] : memref<327680xi32, #tpu.memory_space<hbm>> -> memref<128xi32, #tpu.memory_space<hbm>>
    tpu.wait_dma2 semaphore(%arg9 : memref<!tpu.dma_semaphore, #tpu.memory_space<semaphore_mem>>) src(%dma_wait3A_1561 : memref<128xi32, #tpu.memory_space<hbm>>) dst(%arg5 : memref<128xi32, #tpu.memory_space<vmem>>)
    "tpu.region"() ({
      %run_scoped3A = tpu.sem_alloc : memref<!tpu.dma_semaphore, #tpu.memory_space<semaphore_mem>>
      %dma_start3A_1571 = arith.constant 0 : i32
      %dma_start3A_1572 = arith.constant 0 : i32
      %dma_start3A_1573 = tpu.memref_slice %arg4[%dma_start3A_1571, %dma_start3A_1572] : memref<10240x16xf32, #tpu.memory_space<vmem_shared>> -> memref<10240x16xf32, #tpu.memory_space<vmem_shared>>
      tpu.enqueue_indirect_dma source(%arg7 : memref<128x16xf32, #tpu.memory_space<vmem>>) target(%dma_start3A_1573 : memref<10240x16xf32, #tpu.memory_space<vmem_shared>>) offsets(%arg5 : memref<128xi32, #tpu.memory_space<vmem>>) semaphore(%run_scoped3A : memref<!tpu.dma_semaphore, #tpu.memory_space<semaphore_mem>>) {add = true}
      %dma_wait3A_1574 = arith.constant 0 : i32
      %dma_wait3A_1575 = arith.constant 0 : i32
      %dma_wait3A_1576 = tpu.memref_slice %arg4[%dma_wait3A_1574, %dma_wait3A_1575] : memref<10240x16xf32, #tpu.memory_space<vmem_shared>> -> memref<10240x16xf32, #tpu.memory_space<vmem_shared>>
      tpu.wait_indirect_dma semaphore(%run_scoped3A : memref<!tpu.dma_semaphore, #tpu.memory_space<semaphore_mem>>) src(%arg7 : memref<128x16xf32, #tpu.memory_space<vmem>>) dst(%dma_wait3A_1576 : memref<10240x16xf32, #tpu.memory_space<vmem_shared>>)
      tpu.yield
    }) : () -> ()
    %dma_wait3A_1562 = tpu.memref_slice %arg2[%add3A] : memref<327680xi32, #tpu.memory_space<hbm>> -> memref<128xi32, #tpu.memory_space<hbm>>
    %dma_wait3A_1563 = tpu.memref_slice %arg2[%add3A] : memref<327680xi32, #tpu.memory_space<hbm>> -> memref<128xi32, #tpu.memory_space<hbm>>
    tpu.wait_dma2 semaphore(%arg10 : memref<!tpu.dma_semaphore, #tpu.memory_space<semaphore_mem>>) src(%dma_wait3A_1563 : memref<128xi32, #tpu.memory_space<hbm>>) dst(%arg6 : memref<128xi32, #tpu.memory_space<vmem>>)
    "tpu.region"() ({
      %run_scoped3A = tpu.sem_alloc : memref<!tpu.dma_semaphore, #tpu.memory_space<semaphore_mem>>
      %dma_start3A_1571 = arith.constant 0 : i32
      %dma_start3A_1572 = arith.constant 0 : i32
      %dma_start3A_1573 = tpu.memref_slice %arg4[%dma_start3A_1571, %dma_start3A_1572] : memref<10240x16xf32, #tpu.memory_space<vmem_shared>> -> memref<10240x16xf32, #tpu.memory_space<vmem_shared>>
      tpu.enqueue_indirect_dma source(%arg7 : memref<128x16xf32, #tpu.memory_space<vmem>>) target(%dma_start3A_1573 : memref<10240x16xf32, #tpu.memory_space<vmem_shared>>) offsets(%arg6 : memref<128xi32, #tpu.memory_space<vmem>>) semaphore(%run_scoped3A : memref<!tpu.dma_semaphore, #tpu.memory_space<semaphore_mem>>) {add = true}
      %dma_wait3A_1574 = arith.constant 0 : i32
      %dma_wait3A_1575 = arith.constant 0 : i32
      %dma_wait3A_1576 = tpu.memref_slice %arg4[%dma_wait3A_1574, %dma_wait3A_1575] : memref<10240x16xf32, #tpu.memory_space<vmem_shared>> -> memref<10240x16xf32, #tpu.memory_space<vmem_shared>>
      tpu.wait_indirect_dma semaphore(%run_scoped3A : memref<!tpu.dma_semaphore, #tpu.memory_space<semaphore_mem>>) src(%arg7 : memref<128x16xf32, #tpu.memory_space<vmem>>) dst(%dma_wait3A_1576 : memref<10240x16xf32, #tpu.memory_space<vmem_shared>>)
      tpu.yield
    }) : () -> ()
    %barrier3A_1564 = arith.constant 0 : index
    tpu.barrier barrier_id(%barrier3A_1564)
    %scan3A_1565 = arith.constant 0 : i32
    %scan3A_1566 = arith.constant 0 : i32
    %scan3A_1567 = arith.constant 5 : i32
    %scan3A_1568 = arith.addi %scan3A_1566, %scan3A_1567 : i32
    %scan3A_1569 = arith.constant 1 : i32
    scf.for %scan3A_1571 = %scan3A_1566 to %scan3A_1568 step %scan3A_1569  : i32 {
      %mul3A_1572 = arith.constant 128 : i32
      %mul3A_1573 = arith.muli %scan3A_1571, %mul3A_1572 : i32
      %add3A_1574 = arith.addi %mul3A_1538, %mul3A_1573 : i32
      "tpu.region"() ({
        %run_scoped3A = tpu.sem_alloc : memref<!tpu.dma_semaphore, #tpu.memory_space<semaphore_mem>>
        %dma_start3A_1578 = arith.constant 0 : i32
        %dma_start3A_1579 = tpu.memref_slice %arg4[%add3A_1574, %dma_start3A_1578] : memref<10240x16xf32, #tpu.memory_space<vmem_shared>> -> memref<128x16xf32, #tpu.memory_space<vmem_shared>>
        %dma_start3A_1580 = arith.constant 0 : i32
        %dma_start3A_1581 = tpu.memref_slice %arg4[%add3A_1574, %dma_start3A_1580] : memref<10240x16xf32, #tpu.memory_space<vmem_shared>> -> memref<128x16xf32, #tpu.memory_space<vmem_shared>>
        tpu.enqueue_dma source(%dma_start3A_1581 : memref<128x16xf32, #tpu.memory_space<vmem_shared>>) target(%arg8 : memref<128x16xf32, #tpu.memory_space<vmem>>) target_semaphore(%run_scoped3A : memref<!tpu.dma_semaphore, #tpu.memory_space<semaphore_mem>>)
        %dma_wait3A_1582 = arith.constant 0 : i32
        %dma_wait3A_1583 = tpu.memref_slice %arg4[%add3A_1574, %dma_wait3A_1582] : memref<10240x16xf32, #tpu.memory_space<vmem_shared>> -> memref<128x16xf32, #tpu.memory_space<vmem_shared>>
        %dma_wait3A_1584 = arith.constant 0 : i32
        %dma_wait3A_1585 = tpu.memref_slice %arg4[%add3A_1574, %dma_wait3A_1584] : memref<10240x16xf32, #tpu.memory_space<vmem_shared>> -> memref<128x16xf32, #tpu.memory_space<vmem_shared>>
        tpu.wait_dma2 semaphore(%run_scoped3A : memref<!tpu.dma_semaphore, #tpu.memory_space<semaphore_mem>>) src(%dma_wait3A_1585 : memref<128x16xf32, #tpu.memory_space<vmem_shared>>) dst(%arg8 : memref<128x16xf32, #tpu.memory_space<vmem>>)
        tpu.yield
      }) : () -> ()
      %mul3A_1575 = arith.constant 10240 : i32
      %mul3A_1576 = arith.muli %arg0, %mul3A_1575 : i32
      %add3A_1577 = arith.addi %mul3A_1576, %add3A_1574 : i32
      "tpu.region"() ({
        %run_scoped3A = tpu.sem_alloc : memref<!tpu.dma_semaphore, #tpu.memory_space<semaphore_mem>>
        %dma_start3A_1578 = arith.constant 0 : i32
        %dma_start3A_1579 = tpu.memref_slice %arg3[%add3A_1577, %dma_start3A_1578] : memref<20480x16xf32, #tpu.memory_space<hbm>> -> memref<128x16xf32, #tpu.memory_space<hbm>>
        %dma_start3A_1580 = arith.constant 0 : i32
        %dma_start3A_1581 = tpu.memref_slice %arg3[%add3A_1577, %dma_start3A_1580] : memref<20480x16xf32, #tpu.memory_space<hbm>> -> memref<128x16xf32, #tpu.memory_space<hbm>>
        tpu.enqueue_dma source(%arg8 : memref<128x16xf32, #tpu.memory_space<vmem>>) target(%dma_start3A_1581 : memref<128x16xf32, #tpu.memory_space<hbm>>) target_semaphore(%run_scoped3A : memref<!tpu.dma_semaphore, #tpu.memory_space<semaphore_mem>>)
        %dma_wait3A_1582 = arith.constant 0 : i32
        %dma_wait3A_1583 = tpu.memref_slice %arg3[%add3A_1577, %dma_wait3A_1582] : memref<20480x16xf32, #tpu.memory_space<hbm>> -> memref<128x16xf32, #tpu.memory_space<hbm>>
        %dma_wait3A_1584 = arith.constant 0 : i32
        %dma_wait3A_1585 = tpu.memref_slice %arg3[%add3A_1577, %dma_wait3A_1584] : memref<20480x16xf32, #tpu.memory_space<hbm>> -> memref<128x16xf32, #tpu.memory_space<hbm>>
        tpu.wait_dma2 semaphore(%run_scoped3A : memref<!tpu.dma_semaphore, #tpu.memory_space<semaphore_mem>>) src(%arg8 : memref<128x16xf32, #tpu.memory_space<vmem>>) dst(%dma_wait3A_1585 : memref<128x16xf32, #tpu.memory_space<hbm>>)
        tpu.yield
      }) : () -> ()
    }
    %scan3A_1570 = arith.constant 5 : i32
    return
  }
}

</mosaic_0001>

<sc_bundles>
// kernel: _deg_call.3.cloned.1.call-start
scs
__scs_entry_jumppad:
0x0: {  	(pc) =	sbr.rel $0x88, $3  }
0x1: {  	(tag) =	ssettag $0x0;
	lr =	simm.s32 $0x1  }
0x2: {  	[smem:$0x3FA0] =	sst lr;
	_ =	strace $0xD0000000  }
0x3: {  	_ = 	snop  }
0x4: {  	_ = 	snop  }
0x5: {  	_ = 	snop  }
0x6: {  	_ = 	snop  }
0x7: {  	_ = 	snop  }
__scs_overlays_trampoline_lowered:
0x8: {  	[smem:$0x3FAF] =	sst s0  }
0x9: {  	[smem:$0x3FB0] =	sst s1  }
0xa: {  	[smem:$0x3FB1] =	sst s2  }
0xb: {  	[smem:$0x3FB2] =	sst s3  }
0xc: {  	[smem:$0x3FB3] =	sst s4  }
0xd: {  	[smem:$0x3FB4] =	sst s5  }
0xe: {  	[smem:$0x3FB5] =	sst s6  }
0xf: {  	[smem:$0x3FB6] =	sst s7  }
0x10: {  	[smem:$0x3FB7] =	sst s8  }
0x11: {  	[smem:$0x3FB8] =	sst s9;
	s0 =	simm.s32 @!p0 $0x0  }
0x12: {  	s1 =	sld [smem:$0x3F9E];
	s0 =	simm.s32 @p0 $0x1  }
0x13: {  	[smem:$0x3FB9] =	sst s0;
	s0 =	simm.s32 @!p1 $0x0  }
0x14: {  	s2 =	sld [smem:$0x3F9D];
	s0 =	simm.s32 @p1 $0x1  }
0x15: {  	[smem:$0x3FBA] =	sst s0;
	s0 =	simm.s32 @!p2 $0x0  }
0x16: {  	s3 =	sld [smem:$0x3FDB];
	s0 =	simm.s32 @p2 $0x1  }
0x17: {  	s4 =	simm.s32 $0x1BF5;
	[smem:$0x3FBC] =	sst s0  }
0x18: {  	s0 =	sld [smem:$0x3F9F];
	_ =	swait.ge [sflag:s4], $0x0  }
0x19: {  	s7 =	sld [smem:$0x3FA0]  }
0x1a: {  	s8 =	sadd.s32 $0xFFFFE003, lr  }
0x1b: {  	s9 =	sadd.s32 $0xFFFFFEF7, lr;
	s5 =	simm.s32 $0xFFFFFFFF;
	p2 =	slt.u32 s8, $0xFFFFF086  }
0x1c: {  	p1 =	slt.u32 s9, $0xF7A;
	s5 =	simm.s32 @!p2 $0x0  }
0x1d: {  	s5 =	simm.s32 @p1 $0x1;
	p0 =	seq.s32 s7, s2  }
0x1e: {  	s7 =	smul.u32 @!p0 $0xF7A, s2;
	p2 =	seq.s32 @!p0 s5, $0x0  }
0x1f: {  	s9 =	smul.u32 $0xF7A, s1;
	s8 =	simm.s32 @!p0 $0x1BF5;
	p2 =	por !p2, p0  }
0x20: {  	[sflag:s8] =	ssyncset.s32 @!p0 $0xFFFFF086;
	s6 =	sadd.s32 @!p0 s3, s7;
	s7 =	simm.s32 @!p0 $0x108  }
0x21: {  	s3 =	sadd.s32 s3, s9;
	s6 =	sadd.s32 @!p0 $0x88, s6;
	s7 =	simm.s32 @p2 $0x1082  }
0x22: {  	[simem:s7], [sflag:s8] =	dma.local @!p0 [hbm:s6], $0xF7A  }
0x23: {  	s9 =	sor.u32 $0xD0000000, s2;
	s6 =	simm.s32 $0x108;
	_ =	swait.ge @!p0 [sflag:s8], $0x0  }
0x24: {  	s3 =	sadd.s32 $0x88, s3;
	s6 =	simm.s32 @!p1 $0x1082;
	[sflag:s4] =	ssyncset.s32 $0xFFFFF086  }
0x25: {  	[simem:s6], [sflag:s4] =	dma.local [hbm:s3], $0xF7A  }
0x26: {  	[smem:$0x3FA0] =	sst s1;
	(tag) =	ssettag s2;
	_ =	strace s9  }
0x27: {  	s1 =	sld [smem:$0x3FB0]  }
0x28: {  	s2 =	sld [smem:$0x3FB1]  }
0x29: {  	s4 =	sld [smem:$0x3FB3]  }
0x2a: {  	p0 =	seq.s32 s5, $0x0;
	s5 =	sld [smem:$0x3FB4]  }
0x2b: {  	s6 =	sld [smem:$0x3FB5]  }
0x2c: {  	s7 =	sld [smem:$0x3FB6]  }
0x2d: {  	s3 =	simm.s32 $0x108;
	s8 =	sld [smem:$0x3FB7]  }
0x2e: {  	s3 =	simm.s32 @!p0 $0x1082;
	s9 =	sld [smem:$0x3FB8]  }
0x2f: {  	lr =	sadd.s32 s0, s3;
	s0 =	sld [smem:$0x3FAF]  }
0x30: {  	s3 =	sld [smem:$0x3FB2]  }
0x31: {  	[smem:$0x3FBB] =	sst s10  }
0x32: {  	s10 =	sld [smem:$0x3FB9];
	_ =	sdelay $0x3  }
0x33: {  	p0 =	seq.s32 s10, $0x1;
	s10 =	sld [smem:$0x3FBB];
	_ =	sdelay $0x3  }
0x34: {  	[smem:$0x3FBB] =	sst s10  }
0x35: {  	s10 =	sld [smem:$0x3FBA];
	_ =	sdelay $0x3  }
0x36: {  	p1 =	seq.s32 s10, $0x1;
	s10 =	sld [smem:$0x3FBB];
	_ =	sdelay $0x3  }
0x37: {  	[smem:$0x3FBB] =	sst s10  }
0x38: {  	s10 =	sld [smem:$0x3FBC]  }
0x39: {  	_ = 	snop;
	(pc) =	sbr.ind lr, $3  }
0x3a: {  	_ = 	snop  }
0x3b: {  	_ = 	snop  }
0x3c: {  	p2 =	seq.s32 s10, $0x1;
	s10 =	sld [smem:$0x3FBB]  }
0x3d: {  	_ =	shalt  }
0x3e: {  	_ =	shalt  }
0x3f: {  	_ =	shalt  }
0x40: {  	_ =	shalt  }
0x41: {  	_ =	shalt  }
0x42: {  	_ =	shalt  }
0x43: {  	_ =	shalt  }
0x44: {  	_ =	shalt  }
0x45: {  	_ =	shalt  }
0x46: {  	_ =	shalt  }
0x47: {  	_ =	shalt  }
0x48: {  	_ =	shalt  }
0x49: {  	_ =	shalt  }
0x4a: {  	_ =	shalt  }
0x4b: {  	_ =	shalt  }
0x4c: {  	_ =	shalt  }
0x4d: {  	_ =	shalt  }
0x4e: {  	_ =	shalt  }
0x4f: {  	_ =	shalt  }
0x50: {  	_ =	shalt  }
0x51: {  	_ =	shalt  }
0x52: {  	_ =	shalt  }
0x53: {  	_ =	shalt  }
0x54: {  	_ =	shalt  }
0x55: {  	_ =	shalt  }
0x56: {  	_ =	shalt  }
0x57: {  	_ =	shalt  }
0x58: {  	_ =	shalt  }
0x59: {  	_ =	shalt  }
0x5a: {  	_ =	shalt  }
0x5b: {  	_ =	shalt  }
0x5c: {  	_ =	shalt  }
0x5d: {  	_ =	shalt  }
0x5e: {  	_ =	shalt  }
0x5f: {  	_ =	shalt  }
0x60: {  	_ =	shalt  }
0x61: {  	_ =	shalt  }
0x62: {  	_ =	shalt  }
0x63: {  	_ =	shalt  }
0x64: {  	_ =	shalt  }
0x65: {  	_ =	shalt  }
0x66: {  	_ =	shalt  }
0x67: {  	_ =	shalt  }
0x68: {  	_ =	shalt  }
0x69: {  	_ =	shalt  }
0x6a: {  	_ =	shalt  }
0x6b: {  	_ =	shalt  }
0x6c: {  	_ =	shalt  }
0x6d: {  	_ =	shalt  }
0x6e: {  	_ =	shalt  }
0x6f: {  	_ =	shalt  }
0x70: {  	_ =	shalt  }
0x71: {  	_ =	shalt  }
0x72: {  	_ =	shalt  }
0x73: {  	_ =	shalt  }
0x74: {  	_ =	shalt  }
0x75: {  	_ =	shalt  }
0x76: {  	_ =	shalt  }
0x77: {  	_ =	shalt  }
0x78: {  	_ =	shalt  }
0x79: {  	_ =	shalt  }
0x7a: {  	_ =	shalt  }
0x7b: {  	_ =	shalt  }
0x7c: {  	_ =	shalt  }
0x7d: {  	_ =	shalt  }
0x7e: {  	_ =	shalt  }
0x7f: {  	_ =	shalt  }
0x80: {  	_ =	shalt  }
0x81: {  	_ =	shalt  }
0x82: {  	_ =	shalt  }
0x83: {  	_ =	shalt  }
0x84: {  	_ =	shalt  }
0x85: {  	_ =	shalt  }
0x86: {  	_ =	shalt  }
0x87: {  	_ =	shalt  }
.Lfunc_end0:
.L_simem_size_0:
called_computation_lowered:
.L_overlay_start_0:
0x88: {  	s2 =	sld [smem:$0x3FD9]  }
0x89: {  	s3 =	sld [smem:$0x3FFE];
	_ =	sdelay $0x1  }
0x8a: {  	s1 =	srdreg.scid  }
0x8b: {  	s0 =	sand.u32 $0x1, s1  }
0x8c: {  	s17 =	sshll.u32 s0, $0xA;
	s2 =	sadd.s32 s3, s2  }
0x8d: {  	s2 =	sadd.s32 s2, s17  }
0x8e: {  	[smem:$0x3FC7] =	sst s2  }
0x8f: {  	_ = 	snop  }
0x90: {  	s2 =	sld [smem:$0x3FC9];
	(tm) =	ssettm $0x1  }
0x91: {  	s18 =	sld [smem:$0x3FFB];
	_ =	sdelay $0x3  }
0x92: {  	_ =	strace s18  }
0x93: {  	s3 =	sld [smem:$0x3FFC];
	_ =	sdelay $0x3  }
0x94: {  	_ =	strace s3  }
0x95: {  	s3 =	sld [smem:$0x3FFD];
	_ =	sdelay $0x3  }
0x96: {  	_ =	strace s3  }
0x97: {  	_ =	strace $0x8FFFFFFF  }
0x98: {  	s19 =	sld [smem:$0x3FDB];
	_ =	sdelay $0x1  }
0x99: {  	s4 =	simm.s32 $_scs_section_size  }
0x9a: {  	s5 =	simm.s32 $_size__tile_overlayer_lowered;
	s6 =	simm.s32 $_tile_overlayer_lowered  }
0x9b: {  	s22 =	simm.s32 $0x1BFF;
	s21 =	sshll.u32 s6, $0x1;
	s3 =	sadd.s32 s4, s19  }
0x9c: {  	s7 =	simm.s32 $0x0;
	s20 =	sshll.u32 s5, $0x1;
	s5 =	sadd.s32 s21, s3  }
0x9d: {  	[timem:s7], [sflag:s22] =	dma.local [hbm:s5], s20  }
0x9e: {  	_ =	swait.ge [sflag:s22], s20  }
0x9f: {  	s4 =	ssub.s32 $0x0, s20;
	[sflag:s22] =	ssyncset.done $0x0  }
0xa0: {  	[sflag:s22] =	ssyncadd.s32 s4;
	_ =	sdelay $0x1  }
0xa1: {  	s23 =	simm.s32 $0x1B8B  }
0xa2: {  	_ =	swait.ge [sflag:s23], $0x1  }
0xa3: {  	[sflag:s23] =	ssyncset.done $0x0  }
0xa4: {  	s25 =	simm.s32 $0x1B8E;
	s24 =	sld [smem:$0x3FFE];
	[sflag:s23] =	ssyncadd.s32 $0xFFFFFFFF  }
0xa5: {  	s26 =	simm.s32 $execute0_lowered;
	[smem:$0x3FD2] =	sst s25  }
0xa6: {  	s5 =	sshll.u32 s26, $0x1;
	_ =	strace $0x80000046;
	[dreg:$0x1] =	wrdreg $0xFFFFFFFF  }
0xa7: {  	s28 =	simm.s32 $_size_execute0_lowered;
	s3 =	sadd.s32 s3, s5;
	[dreg:$0x0] =	wrdreg $0x0  }
0xa8: {  	s5 =	sshll.u32 s28, $0x1;
	[dreg:$0x2] =	wrdreg s3  }
0xa9: {  	[dreg:$0x3] =	wrdreg s5  }
0xaa: {  	[dreg:$0x4] =	wrdreg $0xC0  }
0xab: {  	_ =	task [dreg:s7], $0x5FFFF  }
0xac: {  	[dreg:$0x1] =	wrdreg $0xFFFFFFFF  }
0xad: {  	[dreg:$0x0] =	wrdreg $0x60  }
0xae: {  	[dreg:$0x2] =	wrdreg s2  }
0xaf: {  	[dreg:$0x3] =	wrdreg s24  }
0xb0: {  	[dreg:$0x4] =	wrdreg $0x0  }
0xb1: {  	[dreg:$0x5] =	wrdreg $0x9  }
0xb2: {  	_ =	task.clear_ibuf [dreg:s7], $0x6FFFF;
	_ =	strace $0x90000046  }
0xb3: {  	s29 =	simm.s32 $0x9;
	_ =	strace $0x80000048  }
0xb4: {  	_ =	swait.ge [sflag:s29], $0x1  }
0xb5: {  	[sflag:s29] =	ssyncadd.s32 $0xFFFFFFFF  }
0xb6: {  	_ =	strace $0x90000048  }
0xb7: {  	_ =	sfence  }
0xb8: {  	s30 =	sld [smem:$0x0];
	_ =	sdelay $0x2  }
0xb9: {  	s31 =	sshll.u32 s1, $0xD;
	s1 =	sshrl.u32 s1, $0x2  }
0xba: {  	s3 =	sand.u32 $0x4000, s31;
	s1 =	sadd.s32 s1, s30  }
0xbb: {  	s0 =	sor.u32 s3, s0;
	s1 =	sshll.u32 s1, $0x11  }
0xbc: {  	s0 =	sor.u32 s1, s0  }
0xbd: {  	s0 =	sadd.s32 $0x8F2B, s0  }
0xbe: {  	[sflag:s0] =	ssyncadd.remote.s32 $0x1  }
0xbf: {  	_ =	sfence.sel $0xFFFF  }
0xc0: {  	[dreg:$0x0] =	wrdreg $0xFFFFFFFF;
	(pc) =	sbr.abs _section_cstart, $3  }
0xc1: {  	[dreg:$0x1] =	wrdreg $0xFFFFFFFF  }
0xc2: {  	_ =	task.clear_ibuf [dreg:s7], $0x2FFFF;
	_ =	strace $0x9FFFFFFF  }
0xc3: {  	(tm) =	ssettm $0x7FFFFFFF  }
tec
execute0_lowered:
.L_overlay_start_1:
0x0: {  	(tag) =	ssettag $0x1  }
0x1: {  	s0 =	rddreg [dreg:$0x0]  }
0x2: {  	s2 =	rddreg [dreg:$0x1]  }
0x3: {  	s1 =	rddreg [dreg:$0x2]  }
0x4: {  	s3 =	srdreg.scid;
	s10 =	stileid.u32;
	s28 =	simm.s32 $0x1  }
0x5: {  	s29 =	simm.s32 $0x80;
	s30 =	simm.s32 $0x2900;
	s7 =	smul.u32 $0x2800, s10  }
0x6: {  	s31 =	simm.s32 $0x2;
	s6 =	sand.u32 $0x1, s3;
	s9 =	smul.u32 $0x50000, s10  }
0x7: {  	s3 =	simm.s32 $0x0;
	s2 =	sadd.s32 $0x400, s2;
	s17 =	smul.u32 $0x280, s10  }
0x8: {  	s4 =	smul.u32 $0x28000, s6;
	[smem:$0x7FF] =	sst s3;
	s5 =	ssub.s32 $0x2, s6  }
0x9: {  	s6 =	smul.u32 $0x2800, s6;
	_ =	strace $0x80000047;
	s8 =	sshrl.u32 s5, $0x1  }
0xa: {  	s11 =	sshrl.u32 s9, $0x2;
	s19 =	sadd.s32 $0x100, s17;
	s22 =	sadd.s32 $0x180, s17  }
0xb: {  	s8 =	ssub.s32 s5, s8;
	s20 =	sadd.s32 s7, s4;
	s4 =	sadd.s32 s11, s1  }
0xc: {  	s23 =	sshll.u32 s22, $0x7;
	s12 =	sshrl.u32 s20, $0x3;
	s14 =	smax.u32 s8, $0x1  }
0xd: {  	s15 =	sadd.s32 $0x4000, s4;
	s16 =	sadd.s32 $0x8000, s4;
	s10 =	sadd.s32 $0xC000, s4  }
0xe: {  	s11 =	sadd.s32 $0x10000, s4;
	s26 =	sor.u32 $0x100, s20;
	[dreg:$0x5] =	wrdreg s14  }
0xf: {  	s20 =	sor.u32 $0x80, s20;
	s5 =	sadd.s32 s0, s12;
	[dreg:$0x6] =	wrdreg s15  }
0x10: {  	[dreg:$0x7] =	wrdreg s16;
	s12 =	sadd.s32 s6, s17;
	s13 =	sadd.s32 $0x4F0, s5  }
0x11: {  	s16 =	sshll.u32 s19, $0x7;
	[dreg:$0x4] =	wrdreg s13;
	s13 =	sadd.s32 $0x80, s17  }
0x12: {  	s12 =	sshll.u32 s12, $0x4;
	s14 =	sshll.u32 s13, $0x7;
	s15 =	sadd.s32 s6, s13  }
0x13: {  	s12 =	sadd.s32 s2, s12;
	s13 =	sadd.s32 s14, s1;
	s18 =	sshll.u32 s15, $0x4  }
0x14: {  	s15 =	sadd.s32 s16, s1;
	s14 =	sadd.s32 s2, s18;
	s18 =	sadd.s32 s6, s19  }
0x15: {  	s19 =	sadd.s32 s6, s22;
	s22 =	sshrl.u32 s20, $0x3;
	s21 =	sshll.u32 s18, $0x4  }
0x16: {  	s24 =	sshll.u32 s19, $0x4;
	s22 =	sadd.s32 s22, s0;
	s16 =	sadd.s32 s2, s21  }
0x17: {  	s21 =	sadd.s32 $0x200, s17;
	s17 =	sadd.s32 s23, s1;
	s18 =	sadd.s32 s2, s24  }
0x18: {  	s23 =	simm.s32 $0x6900;
	s24 =	simm.s32 $0x3;
	s25 =	sshll.u32 s21, $0x7  }
0x19: {  	s6 =	sadd.s32 s6, s21;
	s21 =	sshrl.u32 s26, $0x3;
	s26 =	simm.s32 $0x2880  }
0x1a: {  	s19 =	sadd.s32 s25, s1;
	s6 =	sshll.u32 s6, $0x4;
	s21 =	sadd.s32 s21, s0  }
0x1b: {  	v0 =	vimm.f32 $1.000000000e+00;
	v1 =	vimm.f32 $0.0e+00;
	s25 =	simm.s32 $0x2800;
	s0 =	simm.s32 $0x0;
	s20 =	sadd.s32 s2, s6  }
.LBB2_1:
0x1c: {  	[tilespmem:$0x2900] =	vst v0  }
0x1d: {  	[tilespmem:$0x6900] =	vst v1  }
0x1e: {  	[tilespmem:$0x2980] =	vst v0  }
0x1f: {  	[tilespmem:$0x6980] =	vst v1  }
0x20: {  	[tilespmem:$0x2A00] =	vst v0  }
0x21: {  	[tilespmem:$0x6A00] =	vst v1  }
0x22: {  	[tilespmem:$0x2A80] =	vst v0  }
0x23: {  	[tilespmem:$0x6A80] =	vst v1  }
0x24: {  	[tilespmem:$0x2B00] =	vst v0  }
0x25: {  	[tilespmem:$0x6B00] =	vst v1  }
0x26: {  	[tilespmem:$0x2B80] =	vst v0  }
0x27: {  	[tilespmem:$0x6B80] =	vst v1  }
0x28: {  	[tilespmem:$0x2C00] =	vst v0  }
0x29: {  	[tilespmem:$0x6C00] =	vst v1  }
0x2a: {  	[tilespmem:$0x2C80] =	vst v0  }
0x2b: {  	[tilespmem:$0x6C80] =	vst v1  }
0x2c: {  	[tilespmem:$0x2D00] =	vst v0  }
0x2d: {  	[tilespmem:$0x6D00] =	vst v1  }
0x2e: {  	[tilespmem:$0x2D80] =	vst v0  }
0x2f: {  	[tilespmem:$0x6D80] =	vst v1  }
0x30: {  	[tilespmem:$0x2E00] =	vst v0  }
0x31: {  	[tilespmem:$0x6E00] =	vst v1  }
0x32: {  	[tilespmem:$0x2E80] =	vst v0  }
0x33: {  	[tilespmem:$0x6E80] =	vst v1  }
0x34: {  	[tilespmem:$0x2F00] =	vst v0  }
0x35: {  	[tilespmem:$0x6F00] =	vst v1  }
0x36: {  	[tilespmem:$0x2F80] =	vst v0  }
0x37: {  	[tilespmem:$0x6F80] =	vst v1  }
0x38: {  	[tilespmem:$0x3000] =	vst v0  }
0x39: {  	[tilespmem:$0x7000] =	vst v1  }
0x3a: {  	[tilespmem:$0x3080] =	vst v0  }
0x3b: {  	[tilespmem:$0x7080] =	vst v1  }
0x3c: {  	[tilespmem:$0x3100] =	vst v0  }
0x3d: {  	[tilespmem:$0x7100] =	vst v1  }
0x3e: {  	[tilespmem:$0x3180] =	vst v0  }
0x3f: {  	[tilespmem:$0x7180] =	vst v1  }
0x40: {  	[tilespmem:$0x3200] =	vst v0  }
0x41: {  	[tilespmem:$0x7200] =	vst v1  }
0x42: {  	[tilespmem:$0x3280] =	vst v0  }
0x43: {  	[tilespmem:$0x7280] =	vst v1  }
0x44: {  	[tilespmem:$0x3300] =	vst v0  }
0x45: {  	[tilespmem:$0x7300] =	vst v1  }
0x46: {  	[tilespmem:$0x3380] =	vst v0  }
0x47: {  	[tilespmem:$0x7380] =	vst v1  }
0x48: {  	[tilespmem:$0x3400] =	vst v0  }
0x49: {  	[tilespmem:$0x7400] =	vst v1  }
0x4a: {  	[tilespmem:$0x3480] =	vst v0  }
0x4b: {  	[tilespmem:$0x7480] =	vst v1  }
0x4c: {  	[tilespmem:$0x3500] =	vst v0  }
0x4d: {  	[tilespmem:$0x7500] =	vst v1  }
0x4e: {  	[tilespmem:$0x3580] =	vst v0  }
0x4f: {  	[tilespmem:$0x7580] =	vst v1  }
0x50: {  	[tilespmem:$0x3600] =	vst v0  }
0x51: {  	[tilespmem:$0x7600] =	vst v1  }
0x52: {  	[tilespmem:$0x3680] =	vst v0  }
0x53: {  	[tilespmem:$0x7680] =	vst v1  }
0x54: {  	[tilespmem:$0x3700] =	vst v0  }
0x55: {  	[tilespmem:$0x7700] =	vst v1  }
0x56: {  	[tilespmem:$0x3780] =	vst v0  }
0x57: {  	[tilespmem:$0x7780] =	vst v1  }
0x58: {  	[tilespmem:$0x3800] =	vst v0  }
0x59: {  	[tilespmem:$0x7800] =	vst v1  }
0x5a: {  	[tilespmem:$0x3880] =	vst v0  }
0x5b: {  	[tilespmem:$0x7880] =	vst v1  }
0x5c: {  	[tilespmem:$0x3900] =	vst v0  }
0x5d: {  	[tilespmem:$0x7900] =	vst v1  }
0x5e: {  	[tilespmem:$0x3980] =	vst v0  }
0x5f: {  	[tilespmem:$0x7980] =	vst v1  }
0x60: {  	[tilespmem:$0x3A00] =	vst v0  }
0x61: {  	[tilespmem:$0x7A00] =	vst v1  }
0x62: {  	[tilespmem:$0x3A80] =	vst v0  }
0x63: {  	[tilespmem:$0x7A80] =	vst v1  }
0x64: {  	[tilespmem:$0x3B00] =	vst v0  }
0x65: {  	[tilespmem:$0x7B00] =	vst v1  }
0x66: {  	[tilespmem:$0x3B80] =	vst v0  }
0x67: {  	[tilespmem:$0x7B80] =	vst v1  }
0x68: {  	[tilespmem:$0x3C00] =	vst v0  }
0x69: {  	[tilespmem:$0x7C00] =	vst v1  }
0x6a: {  	[tilespmem:$0x3C80] =	vst v0  }
0x6b: {  	[tilespmem:$0x7C80] =	vst v1  }
0x6c: {  	[tilespmem:$0x3D00] =	vst v0  }
0x6d: {  	[tilespmem:$0x7D00] =	vst v1  }
0x6e: {  	[tilespmem:$0x3D80] =	vst v0  }
0x6f: {  	[tilespmem:$0x7D80] =	vst v1  }
0x70: {  	[tilespmem:$0x3E00] =	vst v0  }
0x71: {  	[tilespmem:$0x7E00] =	vst v1  }
0x72: {  	[tilespmem:$0x3E80] =	vst v0  }
0x73: {  	[tilespmem:$0x7E80] =	vst v1  }
0x74: {  	[tilespmem:$0x3F00] =	vst v0  }
0x75: {  	[tilespmem:$0x7F00] =	vst v1  }
0x76: {  	[tilespmem:$0x3F80] =	vst v0  }
0x77: {  	[tilespmem:$0x7F80] =	vst v1  }
0x78: {  	[tilespmem:$0x4000] =	vst v0  }
0x79: {  	[tilespmem:$0x8000] =	vst v1  }
0x7a: {  	[tilespmem:$0x4080] =	vst v0  }
0x7b: {  	[tilespmem:$0x8080] =	vst v1  }
0x7c: {  	[tilespmem:$0x4100] =	vst v0  }
0x7d: {  	[tilespmem:$0x8100] =	vst v1  }
0x7e: {  	[tilespmem:$0x4180] =	vst v0  }
0x7f: {  	[tilespmem:$0x8180] =	vst v1  }
0x80: {  	[tilespmem:$0x4200] =	vst v0  }
0x81: {  	[tilespmem:$0x8200] =	vst v1  }
0x82: {  	[tilespmem:$0x4280] =	vst v0  }
0x83: {  	[tilespmem:$0x8280] =	vst v1  }
0x84: {  	[tilespmem:$0x4300] =	vst v0  }
0x85: {  	[tilespmem:$0x8300] =	vst v1  }
0x86: {  	[tilespmem:$0x4380] =	vst v0  }
0x87: {  	[tilespmem:$0x8380] =	vst v1  }
0x88: {  	[tilespmem:$0x4400] =	vst v0  }
0x89: {  	[tilespmem:$0x8400] =	vst v1  }
0x8a: {  	[tilespmem:$0x4480] =	vst v0  }
0x8b: {  	[tilespmem:$0x8480] =	vst v1  }
0x8c: {  	[tilespmem:$0x4500] =	vst v0  }
0x8d: {  	[tilespmem:$0x8500] =	vst v1  }
0x8e: {  	[tilespmem:$0x4580] =	vst v0  }
0x8f: {  	[tilespmem:$0x8580] =	vst v1  }
0x90: {  	[tilespmem:$0x4600] =	vst v0  }
0x91: {  	[tilespmem:$0x8600] =	vst v1  }
0x92: {  	[tilespmem:$0x4680] =	vst v0  }
0x93: {  	[tilespmem:$0x8680] =	vst v1  }
0x94: {  	[tilespmem:$0x4700] =	vst v0  }
0x95: {  	[tilespmem:$0x8700] =	vst v1  }
0x96: {  	[tilespmem:$0x4780] =	vst v0  }
0x97: {  	[tilespmem:$0x8780] =	vst v1  }
0x98: {  	[tilespmem:$0x4800] =	vst v0  }
0x99: {  	[tilespmem:$0x8800] =	vst v1  }
0x9a: {  	[tilespmem:$0x4880] =	vst v0  }
0x9b: {  	[tilespmem:$0x8880] =	vst v1  }
0x9c: {  	[tilespmem:$0x4900] =	vst v0  }
0x9d: {  	[tilespmem:$0x8900] =	vst v1  }
0x9e: {  	[tilespmem:$0x4980] =	vst v0  }
0x9f: {  	[tilespmem:$0x8980] =	vst v1  }
0xa0: {  	[tilespmem:$0x4A00] =	vst v0  }
0xa1: {  	[tilespmem:$0x8A00] =	vst v1  }
0xa2: {  	[tilespmem:$0x4A80] =	vst v0  }
0xa3: {  	[tilespmem:$0x8A80] =	vst v1  }
0xa4: {  	[tilespmem:$0x4B00] =	vst v0  }
0xa5: {  	[tilespmem:$0x8B00] =	vst v1  }
0xa6: {  	[tilespmem:$0x4B80] =	vst v0  }
0xa7: {  	[tilespmem:$0x8B80] =	vst v1  }
0xa8: {  	[tilespmem:$0x4C00] =	vst v0  }
0xa9: {  	[tilespmem:$0x8C00] =	vst v1  }
0xaa: {  	[tilespmem:$0x4C80] =	vst v0  }
0xab: {  	[tilespmem:$0x8C80] =	vst v1  }
0xac: {  	[tilespmem:$0x4D00] =	vst v0  }
0xad: {  	[tilespmem:$0x8D00] =	vst v1  }
0xae: {  	[tilespmem:$0x4D80] =	vst v0  }
0xaf: {  	[tilespmem:$0x8D80] =	vst v1  }
0xb0: {  	[tilespmem:$0x4E00] =	vst v0  }
0xb1: {  	[tilespmem:$0x8E00] =	vst v1  }
0xb2: {  	[tilespmem:$0x4E80] =	vst v0  }
0xb3: {  	[tilespmem:$0x8E80] =	vst v1  }
0xb4: {  	[tilespmem:$0x4F00] =	vst v0  }
0xb5: {  	[tilespmem:$0x8F00] =	vst v1  }
0xb6: {  	[tilespmem:$0x4F80] =	vst v0  }
0xb7: {  	[tilespmem:$0x8F80] =	vst v1  }
0xb8: {  	[tilespmem:$0x5000] =	vst v0  }
0xb9: {  	[tilespmem:$0x9000] =	vst v1  }
0xba: {  	[tilespmem:$0x5080] =	vst v0  }
0xbb: {  	[tilespmem:$0x9080] =	vst v1  }
0xbc: {  	[tilespmem:$0x5100] =	vst v0  }
0xbd: {  	[tilespmem:$0x9100] =	vst v1  }
0xbe: {  	[tilespmem:$0x5180] =	vst v0  }
0xbf: {  	[tilespmem:$0x9180] =	vst v1  }
0xc0: {  	[tilespmem:$0x5200] =	vst v0  }
0xc1: {  	[tilespmem:$0x9200] =	vst v1  }
0xc2: {  	[tilespmem:$0x5280] =	vst v0  }
0xc3: {  	[tilespmem:$0x9280] =	vst v1  }
0xc4: {  	[tilespmem:$0x5300] =	vst v0  }
0xc5: {  	[tilespmem:$0x9300] =	vst v1  }
0xc6: {  	[tilespmem:$0x5380] =	vst v0  }
0xc7: {  	[tilespmem:$0x9380] =	vst v1  }
0xc8: {  	[tilespmem:$0x5400] =	vst v0  }
0xc9: {  	[tilespmem:$0x9400] =	vst v1  }
0xca: {  	[tilespmem:$0x5480] =	vst v0  }
0xcb: {  	[tilespmem:$0x9480] =	vst v1  }
0xcc: {  	[tilespmem:$0x5500] =	vst v0  }
0xcd: {  	[tilespmem:$0x9500] =	vst v1  }
0xce: {  	[tilespmem:$0x5580] =	vst v0  }
0xcf: {  	[tilespmem:$0x9580] =	vst v1  }
0xd0: {  	[tilespmem:$0x5600] =	vst v0  }
0xd1: {  	[tilespmem:$0x9600] =	vst v1  }
0xd2: {  	[tilespmem:$0x5680] =	vst v0  }
0xd3: {  	[tilespmem:$0x9680] =	vst v1  }
0xd4: {  	[tilespmem:$0x5700] =	vst v0  }
0xd5: {  	[tilespmem:$0x9700] =	vst v1  }
0xd6: {  	[tilespmem:$0x5780] =	vst v0  }
0xd7: {  	[tilespmem:$0x9780] =	vst v1  }
0xd8: {  	[tilespmem:$0x5800] =	vst v0  }
0xd9: {  	[tilespmem:$0x9800] =	vst v1  }
0xda: {  	[tilespmem:$0x5880] =	vst v0  }
0xdb: {  	[tilespmem:$0x9880] =	vst v1  }
0xdc: {  	[tilespmem:$0x5900] =	vst v0  }
0xdd: {  	[tilespmem:$0x9900] =	vst v1  }
0xde: {  	[tilespmem:$0x5980] =	vst v0  }
0xdf: {  	[tilespmem:$0x9980] =	vst v1  }
0xe0: {  	[tilespmem:$0x5A00] =	vst v0  }
0xe1: {  	[tilespmem:$0x9A00] =	vst v1  }
0xe2: {  	[tilespmem:$0x5A80] =	vst v0  }
0xe3: {  	[tilespmem:$0x9A80] =	vst v1  }
0xe4: {  	[tilespmem:$0x5B00] =	vst v0  }
0xe5: {  	[tilespmem:$0x9B00] =	vst v1  }
0xe6: {  	[tilespmem:$0x5B80] =	vst v0  }
0xe7: {  	[tilespmem:$0x9B80] =	vst v1  }
0xe8: {  	[tilespmem:$0x5C00] =	vst v0  }
0xe9: {  	[tilespmem:$0x9C00] =	vst v1  }
0xea: {  	[tilespmem:$0x5C80] =	vst v0  }
0xeb: {  	[tilespmem:$0x9C80] =	vst v1  }
0xec: {  	[tilespmem:$0x5D00] =	vst v0  }
0xed: {  	[tilespmem:$0x9D00] =	vst v1  }
0xee: {  	[tilespmem:$0x5D80] =	vst v0  }
0xef: {  	[tilespmem:$0x9D80] =	vst v1  }
0xf0: {  	[tilespmem:$0x5E00] =	vst v0  }
0xf1: {  	[tilespmem:$0x9E00] =	vst v1  }
0xf2: {  	[tilespmem:$0x5E80] =	vst v0  }
0xf3: {  	[tilespmem:$0x9E80] =	vst v1  }
0xf4: {  	[tilespmem:$0x5F00] =	vst v0  }
0xf5: {  	[tilespmem:$0x9F00] =	vst v1  }
0xf6: {  	[tilespmem:$0x5F80] =	vst v0  }
0xf7: {  	[tilespmem:$0x9F80] =	vst v1  }
0xf8: {  	[tilespmem:$0x6000] =	vst v0  }
0xf9: {  	[tilespmem:$0xA000] =	vst v1  }
0xfa: {  	[tilespmem:$0x6080] =	vst v0  }
0xfb: {  	[tilespmem:$0xA080] =	vst v1  }
0xfc: {  	[tilespmem:$0x6100] =	vst v0  }
0xfd: {  	[tilespmem:$0xA100] =	vst v1  }
0xfe: {  	[tilespmem:$0x6180] =	vst v0  }
0xff: {  	[tilespmem:$0xA180] =	vst v1  }
0x100: {  	[tilespmem:$0x6200] =	vst v0  }
0x101: {  	[tilespmem:$0xA200] =	vst v1  }
0x102: {  	[tilespmem:$0x6280] =	vst v0  }
0x103: {  	[tilespmem:$0xA280] =	vst v1  }
0x104: {  	[tilespmem:$0x6300] =	vst v0  }
0x105: {  	[tilespmem:$0xA300] =	vst v1  }
0x106: {  	[tilespmem:$0x6380] =	vst v0  }
0x107: {  	[tilespmem:$0xA380] =	vst v1  }
0x108: {  	[tilespmem:$0x6400] =	vst v0  }
0x109: {  	[tilespmem:$0xA400] =	vst v1  }
0x10a: {  	[tilespmem:$0x6480] =	vst v0  }
0x10b: {  	[tilespmem:$0xA480] =	vst v1  }
0x10c: {  	[tilespmem:$0x6500] =	vst v0  }
0x10d: {  	[tilespmem:$0xA500] =	vst v1  }
0x10e: {  	[tilespmem:$0x6580] =	vst v0  }
0x10f: {  	[tilespmem:$0xA580] =	vst v1  }
0x110: {  	[tilespmem:$0x6600] =	vst v0  }
0x111: {  	[tilespmem:$0xA600] =	vst v1  }
0x112: {  	[tilespmem:$0x6680] =	vst v0  }
0x113: {  	[tilespmem:$0xA680] =	vst v1  }
0x114: {  	[tilespmem:$0x6700] =	vst v0  }
0x115: {  	[tilespmem:$0xA700] =	vst v1  }
0x116: {  	[tilespmem:$0x6780] =	vst v0  }
0x117: {  	[tilespmem:$0xA780] =	vst v1  }
0x118: {  	[tilespmem:$0x6800] =	vst v0  }
0x119: {  	[tilespmem:$0xA800] =	vst v1  }
0x11a: {  	[tilespmem:$0x6880] =	vst v0  }
0x11b: {  	[tilespmem:$0xA880] =	vst v1  }
0x11c: {  	[spmem:s4] =	stream.linear.scatter [tilespmem:s23], [sflag:$0x3], $0x4000, $0x38;
	[tilespmem:$0xA900] =	vst v63  }
0x11d: {  	_ =	swait.ge [sflag:s24], $0x4000  }
0x11e: {  	[sflag:s24] =	ssyncset.done $0x0  }
0x11f: {  	s2 =	rddreg [dreg:$0x6];
	[sflag:s24] =	ssyncadd.s32 $0xFFFFC000  }
0x120: {  	[spmem:s2] =	stream.linear.scatter [tilespmem:s23], [sflag:$0x3], $0x4000, $0x38;
	[tilespmem:$0xA900] =	vst v63  }
0x121: {  	_ =	swait.ge [sflag:s24], $0x4000  }
0x122: {  	[sflag:s24] =	ssyncset.done $0x0  }
0x123: {  	s7 =	rddreg [dreg:$0x7];
	[sflag:s24] =	ssyncadd.s32 $0xFFFFC000  }
0x124: {  	[spmem:s7] =	stream.linear.scatter [tilespmem:s23], [sflag:$0x3], $0x4000, $0x38;
	[tilespmem:$0xA900] =	vst v63  }
0x125: {  	_ =	swait.ge [sflag:s24], $0x4000  }
0x126: {  	[sflag:s24] =	ssyncset.done $0x0  }
0x127: {  	[sflag:s24] =	ssyncadd.s32 $0xFFFFC000  }
0x128: {  	[spmem:s10] =	stream.linear.scatter [tilespmem:s23], [sflag:$0x3], $0x4000, $0x38;
	[tilespmem:$0xA900] =	vst v63  }
0x129: {  	_ =	swait.ge [sflag:s24], $0x4000  }
0x12a: {  	[sflag:s24] =	ssyncset.done $0x0  }
0x12b: {  	[sflag:s24] =	ssyncadd.s32 $0xFFFFC000  }
0x12c: {  	[spmem:s11] =	stream.linear.scatter [tilespmem:s23], [sflag:$0x3], $0x4000, $0x38;
	[tilespmem:$0xA900] =	vst v63  }
0x12d: {  	_ =	swait.ge [sflag:s24], $0x4000  }
0x12e: {  	[sflag:s24] =	ssyncset.done $0x0  }
0x12f: {  	[sflag:s24] =	ssyncadd.s32 $0xFFFFC000  }
0x130: {  	[bflag:$0x0] =	sbarrier.arrive $0xFFFF  }
0x131: {  	[tilespmem:s25], [sflag:$0x1] =	stream.linear.gather [hbm4b:s5+s3], $0x80, $0x38;
	[tilespmem:$0xA900] =	vst v63  }
0x132: {  	s8 =	sadd.s32 $0x0, s22  }
0x133: {  	[tilespmem:s26], [sflag:$0x2] =	stream.linear.gather [hbm4b:s8+s3], $0x80, $0x38;
	[tilespmem:$0xA900] =	vst v63  }
0x134: {  	_ =	swait.ge [sflag:s28], $0x80  }
0x135: {  	[sflag:s28] =	ssyncset.done $0x0  }
0x136: {  	[sflag:s28] =	ssyncadd.s32 $0xFFFFFF80  }
0x137: {  	[spmem:s1] =	stream.indirect.scatter.add.f32 [tilespmem:s30], [sflag:$0x3], $0x10, s25, s29, $0xb8;
	[tilespmem:$0xA900] =	vst v63  }
0x138: {  	_ =	swait.ge [sflag:s24], $0x800  }
0x139: {  	[sflag:s24] =	ssyncset.done $0x0  }
0x13a: {  	s9 =	sadd.s32 $0x0, s21;
	[sflag:s24] =	ssyncadd.s32 $0xFFFFF800  }
0x13b: {  	[tilespmem:s25], [sflag:$0x1] =	stream.linear.gather [hbm4b:s9+s3], $0x80, $0x38;
	[tilespmem:$0xA900] =	vst v63  }
0x13c: {  	_ =	swait.ge [sflag:s31], $0x80  }
0x13d: {  	[sflag:s31] =	ssyncset.done $0x0  }
0x13e: {  	[sflag:s31] =	ssyncadd.s32 $0xFFFFFF80  }
0x13f: {  	[spmem:s1] =	stream.indirect.scatter.add.f32 [tilespmem:s30], [sflag:$0x3], $0x10, s26, s29, $0xb8;
	[tilespmem:$0xA900] =	vst v63  }
0x140: {  	_ =	swait.ge [sflag:s24], $0x800  }
0x141: {  	s6 =	simm.s32 $0x40;
	s2 =	simm.s32 $0x20;
	[sflag:s24] =	ssyncset.done $0x0  }
.LBB2_2:
0x142: {  	s7 =	sadd.s32 s2, s22  }
0x143: {  	[sflag:s24] =	ssyncadd.s32 $0xFFFFF800;
	s8 =	smov.u32 s6;
	s9 =	sadd.s32 $0x20, s6  }
0x144: {  	[tilespmem:s26], [sflag:$0x2] =	stream.linear.gather [hbm4b:s7+s3], $0x80, $0x38;
	[tilespmem:$0xA900] =	vst v63  }
0x145: {  	p0 =	sne.s32 s6, $0x4C0;
	_ =	swait.ge [sflag:s28], $0x80  }
0x146: {  	[sflag:s28] =	ssyncset.done $0x0  }
0x147: {  	[sflag:s28] =	ssyncadd.s32 $0xFFFFFF80  }
0x148: {  	[spmem:s1] =	stream.indirect.scatter.add.f32 [tilespmem:s30], [sflag:$0x3], $0x10, s25, s29, $0xb8;
	[tilespmem:$0xA900] =	vst v63  }
0x149: {  	_ =	swait.ge [sflag:s24], $0x800  }
0x14a: {  	[sflag:s24] =	ssyncset.done $0x0  }
0x14b: {  	s6 =	sadd.s32 s2, s21;
	s2 =	smov.u32 s8;
	[sflag:s24] =	ssyncadd.s32 $0xFFFFF800  }
0x14c: {  	[tilespmem:s25], [sflag:$0x1] =	stream.linear.gather [hbm4b:s6+s3], $0x80, $0x38;
	[tilespmem:$0xA900] =	vst v63  }
0x14d: {  	_ =	swait.ge [sflag:s31], $0x80  }
.Ltmp0:
0x14e: {  	[sflag:s31] =	ssyncset.done $0x0;
	(pc) =	sbr.rel @p0 .LBB2_2-.Ltmp0, $4  }
0x14f: {  	[sflag:s31] =	ssyncadd.s32 $0xFFFFFF80  }
0x150: {  	[spmem:s1] =	stream.indirect.scatter.add.f32 [tilespmem:s30], [sflag:$0x3], $0x10, s26, s29, $0xb8;
	[tilespmem:$0xA900] =	vst v63  }
0x151: {  	_ =	swait.ge [sflag:s24], $0x800  }
0x152: {  	s6 =	smov.u32 s9;
	[sflag:s24] =	ssyncset.done $0x0  }
0x153: {  	s6 =	sadd.s32 s2, s22;
	[sflag:s24] =	ssyncadd.s32 $0xFFFFF800  }
0x154: {  	[tilespmem:s26], [sflag:$0x2] =	stream.linear.gather [hbm4b:s6+s3], $0x80, $0x38;
	[tilespmem:$0xA900] =	vst v63  }
0x155: {  	_ =	swait.ge [sflag:s28], $0x80  }
0x156: {  	[sflag:s28] =	ssyncset.done $0x0  }
0x157: {  	[sflag:s28] =	ssyncadd.s32 $0xFFFFFF80  }
0x158: {  	[spmem:s1] =	stream.indirect.scatter.add.f32 [tilespmem:s30], [sflag:$0x3], $0x10, s25, s29, $0xb8;
	[tilespmem:$0xA900] =	vst v63  }
0x159: {  	_ =	swait.ge [sflag:s24], $0x800  }
0x15a: {  	[sflag:s24] =	ssyncset.done $0x0  }
0x15b: {  	s7 =	sadd.s32 s2, s21;
	[sflag:s24] =	ssyncadd.s32 $0xFFFFF800  }
0x15c: {  	[tilespmem:s25], [sflag:$0x1] =	stream.linear.gather [hbm4b:s7+s3], $0x80, $0x38;
	[tilespmem:$0xA900] =	vst v63  }
0x15d: {  	_ =	swait.ge [sflag:s31], $0x80  }
0x15e: {  	[sflag:s31] =	ssyncset.done $0x0  }
0x15f: {  	[sflag:s31] =	ssyncadd.s32 $0xFFFFFF80  }
0x160: {  	[spmem:s1] =	stream.indirect.scatter.add.f32 [tilespmem:s30], [sflag:$0x3], $0x10, s26, s29, $0xb8;
	[tilespmem:$0xA900] =	vst v63  }
0x161: {  	_ =	swait.ge [sflag:s24], $0x800  }
0x162: {  	[sflag:s24] =	ssyncset.done $0x0  }
0x163: {  	s8 =	rddreg [dreg:$0x4];
	[sflag:s24] =	ssyncadd.s32 $0xFFFFF800  }
0x164: {  	[tilespmem:s26], [sflag:$0x2] =	stream.linear.gather [hbm4b:s8+s3], $0x80, $0x38;
	[tilespmem:$0xA900] =	vst v63  }
0x165: {  	_ =	swait.ge [sflag:s28], $0x80  }
0x166: {  	[sflag:s28] =	ssyncset.done $0x0  }
0x167: {  	[sflag:s28] =	ssyncadd.s32 $0xFFFFFF80  }
0x168: {  	[spmem:s1] =	stream.indirect.scatter.add.f32 [tilespmem:s30], [sflag:$0x3], $0x10, s25, s29, $0xb8;
	[tilespmem:$0xA900] =	vst v63  }
0x169: {  	_ =	swait.ge [sflag:s24], $0x800  }
0x16a: {  	[sflag:s24] =	ssyncset.done $0x0  }
0x16b: {  	[sflag:s24] =	ssyncadd.s32 $0xFFFFF800  }
0x16c: {  	_ =	swait.ge [sflag:s31], $0x80  }
0x16d: {  	[sflag:s31] =	ssyncset.done $0x0  }
0x16e: {  	[sflag:s31] =	ssyncadd.s32 $0xFFFFFF80  }
0x16f: {  	[spmem:s1] =	stream.indirect.scatter.add.f32 [tilespmem:s30], [sflag:$0x3], $0x10, s26, s29, $0xb8;
	[tilespmem:$0xA900] =	vst v63  }
0x170: {  	_ =	swait.ge [sflag:s24], $0x800  }
0x171: {  	[sflag:s24] =	ssyncset.done $0x0  }
0x172: {  	[sflag:s24] =	ssyncadd.s32 $0xFFFFF800  }
0x173: {  	[bflag:$0x0] =	sbarrier.arrive $0xFFFF  }
0x174: {  	[tilespmem:s23], [sflag:$0x3] =	stream.linear.gather [spmem:s4], $0x4000, $0x38;
	[tilespmem:$0xA900] =	vst v63  }
0x175: {  	_ =	swait.ge [sflag:s24], $0x4000  }
0x176: {  	[sflag:s24] =	ssyncset.done $0x0  }
0x177: {  	[sflag:s24] =	ssyncadd.s32 $0xFFFFC000  }
0x178: {  	[hbm4b:s12+s3] =	stream.linear.scatter [tilespmem:s23], [sflag:$0x3], $0x4000, $0x38;
	[tilespmem:$0xA900] =	vst v63  }
0x179: {  	_ =	swait.ge [sflag:s24], $0x4000  }
0x17a: {  	[sflag:s24] =	ssyncset.done $0x0  }
0x17b: {  	[sflag:s24] =	ssyncadd.s32 $0xFFFFC000  }
0x17c: {  	[tilespmem:s23], [sflag:$0x3] =	stream.linear.gather [spmem:s13], $0x4000, $0x38;
	[tilespmem:$0xA900] =	vst v63  }
0x17d: {  	_ =	swait.ge [sflag:s24], $0x4000  }
0x17e: {  	[sflag:s24] =	ssyncset.done $0x0  }
0x17f: {  	[sflag:s24] =	ssyncadd.s32 $0xFFFFC000  }
0x180: {  	[hbm4b:s14+s3] =	stream.linear.scatter [tilespmem:s23], [sflag:$0x3], $0x4000, $0x38;
	[tilespmem:$0xA900] =	vst v63  }
0x181: {  	_ =	swait.ge [sflag:s24], $0x4000  }
0x182: {  	[sflag:s24] =	ssyncset.done $0x0  }
0x183: {  	[sflag:s24] =	ssyncadd.s32 $0xFFFFC000  }
0x184: {  	[tilespmem:s23], [sflag:$0x3] =	stream.linear.gather [spmem:s15], $0x4000, $0x38;
	[tilespmem:$0xA900] =	vst v63  }
0x185: {  	_ =	swait.ge [sflag:s24], $0x4000  }
0x186: {  	[sflag:s24] =	ssyncset.done $0x0  }
0x187: {  	[sflag:s24] =	ssyncadd.s32 $0xFFFFC000  }
0x188: {  	[hbm4b:s16+s3] =	stream.linear.scatter [tilespmem:s23], [sflag:$0x3], $0x4000, $0x38;
	[tilespmem:$0xA900] =	vst v63  }
0x189: {  	_ =	swait.ge [sflag:s24], $0x4000  }
0x18a: {  	[sflag:s24] =	ssyncset.done $0x0  }
0x18b: {  	[sflag:s24] =	ssyncadd.s32 $0xFFFFC000  }
0x18c: {  	[tilespmem:s23], [sflag:$0x3] =	stream.linear.gather [spmem:s17], $0x4000, $0x38;
	[tilespmem:$0xA900] =	vst v63  }
0x18d: {  	_ =	swait.ge [sflag:s24], $0x4000  }
0x18e: {  	[sflag:s24] =	ssyncset.done $0x0  }
0x18f: {  	[sflag:s24] =	ssyncadd.s32 $0xFFFFC000  }
0x190: {  	[hbm4b:s18+s3] =	stream.linear.scatter [tilespmem:s23], [sflag:$0x3], $0x4000, $0x38;
	[tilespmem:$0xA900] =	vst v63  }
0x191: {  	_ =	swait.ge [sflag:s24], $0x4000  }
0x192: {  	[sflag:s24] =	ssyncset.done $0x0  }
0x193: {  	[sflag:s24] =	ssyncadd.s32 $0xFFFFC000  }
0x194: {  	[tilespmem:s23], [sflag:$0x3] =	stream.linear.gather [spmem:s19], $0x4000, $0x38;
	[tilespmem:$0xA900] =	vst v63  }
0x195: {  	_ =	swait.ge [sflag:s24], $0x4000  }
0x196: {  	[sflag:s24] =	ssyncset.done $0x0  }
0x197: {  	[sflag:s24] =	ssyncadd.s32 $0xFFFFC000  }
0x198: {  	[hbm4b:s20+s3] =	stream.linear.scatter [tilespmem:s23], [sflag:$0x3], $0x4000, $0x38;
	[tilespmem:$0xA900] =	vst v63  }
0x199: {  	_ =	swait.ge [sflag:s24], $0x4000  }
0x19a: {  	s0 =	sadd.s32 $0x1, s0;
	s9 =	rddreg [dreg:$0x5]  }
0x19b: {  	p0 =	sne.s32 s0, s9  }
.Ltmp1:
0x19c: {  	_ = 	snop;
	(pc) =	sbr.rel @p0 .LBB2_1-.Ltmp1, $3  }
0x19d: {  	_ =	sdelay $0x1  }
0x19e: {  	[sflag:s24] =	ssyncset.done $0x0  }
0x19f: {  	[sflag:s24] =	ssyncadd.s32 $0xFFFFC000  }
0x1a0: {  	_ =	sfence.sel $0x180000  }
0x1a1: {  	[bflag:$0x0] =	sbarrier.arrive $0xFFFF  }
0x1a2: {  	_ =	strace $0x90000047  }
0x1a3: {  	s0 =	stileid.u32;
	[bflag:$0x2] =	sbarrier.arrive $0xFFFF  }
0x1a4: {  	p0 =	sne.s32 s0, $0x0;
	s0 =	rddreg [dreg:$0x3]  }
0x1a5: {  	s0 =	sadd.s32 @!p0 $0x100000, s0  }
0x1a6: {  	[sflag:s0] =	ssyncadd.tile.s32 @!p0 $0x1;
	_ =	shalt  }
.Lfunc_end2:
_tile_overlayer_lowered:
.L_overlay_start_2:
0x1a7: {  	(tag) =	ssettag $0x2  }
0x1a8: {  	s0 =	rddreg [dreg:$0x0];
	s2 =	stileid.u32  }
0x1a9: {  	s1 =	rddreg [dreg:$0x1];
	p0 =	sne.s32 s2, $0x0  }
0x1aa: {  	s3 =	rddreg [dreg:$0x2];
	[bflag:$0x3] =	sbarrier.arrive $0xFFFF;
	s2 =	simm.s32 @!p0 $0x1C03  }
0x1ab: {  	[timem:s3], [sflag:s2] =	dma.local @!p0 [hbm:s0], s1  }
0x1ac: {  	s0 =	simm.s32 @!p0 $0x3  }
0x1ad: {  	_ =	swait.ge @!p0 [sflag:s0], s1  }
0x1ae: {  	s1 =	ssub.s32 @!p0 $0x0, s1;
	[sflag:s0] =	ssyncset.done @!p0 $0x0  }
0x1af: {  	[sflag:s0] =	ssyncadd.s32 @!p0 s1  }
0x1b0: {  	[bflag:$0x3] =	sbarrier.arrive $0xFFFF  }
0x1b1: {  	_ =	shalt  }

</sc_bundles>
